<compile_context>
chip_gen: v7x
topology: tpu7x:2x2x1
jax: 0.10.2.dev20260603
libtpu: 0.0.44.dev20260713+nightly
codegen_flags: <defaults>
</compile_context>

<pallas_src>
import math

import jax
import jax.numpy as jnp
from jax import lax
from jax.experimental import pallas as pl
from jax.experimental.pallas import tpu as pltpu
from jax.experimental.pallas import tpu_sc as plsc

N_NODES = 10000
N_EDGES = 320000
D_IN = 128
N_HEADS = 8
C_HEAD = 16
HC = N_HEADS * C_HEAD
ED_DIM = 16

NC = 2
NS = 16
NW = NC * NS
KB = 64
NBLK = N_EDGES // KB
NCHUNK = 250
CHR = N_NODES // NCHUNK


def _qkv_body(x_ref, w3_ref, q_ref, k_ref, v_ref):
    xb = x_ref[...]
    w3 = w3_ref[...]
    q_ref[...] = jnp.dot(xb, w3[:, :HC], preferred_element_type=jnp.float32)
    k_ref[...] = jnp.dot(xb, w3[:, HC:2 * HC],
                         preferred_element_type=jnp.float32)
    v_ref[...] = jnp.dot(xb, w3[:, 2 * HC:],
                         preferred_element_type=jnp.float32)


def _qkv_call(x, w3):
    rb = 1000
    grid = N_NODES // rb
    out = jax.ShapeDtypeStruct((N_NODES, HC), jnp.float32)
    return pl.pallas_call(
        _qkv_body,
        grid=(grid,),
        in_specs=[
            pl.BlockSpec((rb, D_IN), lambda i: (i, 0)),
            pl.BlockSpec((D_IN, 3 * HC), lambda i: (0, 0)),
        ],
        out_specs=[
            pl.BlockSpec((rb, HC), lambda i: (i, 0)),
            pl.BlockSpec((rb, HC), lambda i: (i, 0)),
            pl.BlockSpec((rb, HC), lambda i: (i, 0)),
        ],
        out_shape=[out, out, out],
    )(x, w3)


def _bias_body(ea_ref, we_ref, out_ref):
    out_ref[...] = lax.dot_general(
        we_ref[...], ea_ref[...], (((0,), (0,)), ((), ())),
        preferred_element_type=jnp.float32)


def _bias_call(ea_t, w_e):
    rbe = 2560
    grid = N_EDGES // rbe
    return pl.pallas_call(
        _bias_body,
        grid=(grid,),
        in_specs=[
            pl.BlockSpec((ED_DIM, rbe), lambda i: (0, i)),
            pl.BlockSpec((ED_DIM, N_HEADS), lambda i: (0, 0)),
        ],
        out_specs=pl.BlockSpec((N_HEADS, rbe), lambda i: (0, i)),
        out_shape=jax.ShapeDtypeStruct((N_HEADS, N_EDGES), jnp.float32),
    )(ea_t, w_e)


def _make_sc_body(with_v):

    def body(*args):
        if with_v:
            (q_hbm, k_hbm, v_hbm, src_hbm, dst_hbm, biasf_hbm, zeros_hbm,
             acc_out,
             idx_src, idx_dst, q_rows, k_rows, v_rows, bias_v, msg_buf,
             zbuf, acc_sh, sem_q, sem_k, sem_v) = args
        else:
            (q_hbm, k_hbm, src_hbm, dst_hbm, biasf_hbm, zeros_hbm,
             acc_out,
             idx_src, idx_dst, q_rows, k_rows, bias_v, msg_buf,
             zbuf, acc_sh, sem_q, sem_k) = args
        cid = lax.axis_index("c")
        sid = lax.axis_index("s")
        wid = sid * NC + cid

        pltpu.sync_copy(zeros_hbm.at[pl.ds(0, CHR)], zbuf)
        pltpu.sync_copy(zeros_hbm.at[pl.ds(0, KB)], msg_buf)
        nchunks_t = (NCHUNK - sid + NS - 1) // NS

        def init_chunk(c, carry):
            row0 = (sid + c * NS) * CHR
            pltpu.sync_copy(zbuf, acc_sh.at[pl.ds(row0, CHR)])
            return carry

        lax.fori_loop(0, nchunks_t, init_chunk, 0)
        plsc.subcore_barrier()

        iota = lax.iota(jnp.int32, 16)
        inv_sqrt_c = 1.0 / math.sqrt(C_HEAD)
        nblk_w = (NBLK - wid + NW - 1) // NW

        def block_body(b, carry):
            base = (wid + b * NW) * KB
            pltpu.sync_copy(src_hbm.at[pl.ds(base, KB)], idx_src)
            pltpu.sync_copy(dst_hbm.at[pl.ds(base, KB)], idx_dst)
            cp_q = pltpu.async_copy(q_hbm.at[idx_dst], q_rows, sem_q)
            cp_k = pltpu.async_copy(k_hbm.at[idx_src], k_rows, sem_k)
            if with_v:
                cp_v = pltpu.async_copy(v_hbm.at[idx_src], v_rows, sem_v)
            blk = wid + b * NW
            pltpu.sync_copy(
                biasf_hbm.at[pl.ds(blk * N_HEADS * KB, N_HEADS * KB)],
                bias_v)
            cp_q.wait()
            cp_k.wait()
            if with_v:
                cp_v.wait()

            def group_body(g, carry2):
                eids = iota + g * 16

                def head_body(h, carry3):
                    hbase = h * C_HEAD
                    acc = jnp.zeros((16,), jnp.float32)
                    for c in range(C_HEAD):
                        col = hbase + c
                        qv = plsc.load_gather(
                            q_rows, [eids, jnp.full((16,), col, jnp.int32)])
                        kv = plsc.load_gather(
                            k_rows, [eids, jnp.full((16,), col, jnp.int32)])
                        acc = acc + qv * kv
                    bv = plsc.load_gather(
                        bias_v, [h * KB + eids])
                    p = jnp.exp(acc * inv_sqrt_c + bv)
                    if with_v:
                        for c in range(C_HEAD):
                            col = hbase + c
                            vv = plsc.load_gather(
                                v_rows,
                                [eids, jnp.full((16,), col, jnp.int32)])
                            plsc.store_scatter(
                                msg_buf,
                                [eids, jnp.full((16,), col, jnp.int32)],
                                vv * p)
                    else:
                        plsc.store_scatter(
                            msg_buf,
                            [eids, jnp.full((16,), hbase, jnp.int32)], p)
                    return carry3

                lax.fori_loop(0, N_HEADS, head_body, 0)
                return carry2

            lax.fori_loop(0, KB // 16, group_body, 0)

            pltpu.sync_copy(msg_buf, acc_sh.at[idx_dst], add=True)
            return carry

        lax.fori_loop(0, nblk_w, block_body, 0)
        plsc.subcore_barrier()

        def dump_chunk(c, carry):
            row0 = (sid + c * NS) * CHR
            pltpu.sync_copy(acc_sh.at[pl.ds(row0, CHR)], zbuf)
            pltpu.sync_copy(zbuf, acc_out.at[cid, pl.ds(row0, CHR)])
            return carry

        lax.fori_loop(0, nchunks_t, dump_chunk, 0)

    return body


def _sc_edge_call(with_v, *arrays):
    mesh = plsc.VectorSubcoreMesh(core_axis_name="c", subcore_axis_name="s")
    row_bufs = 3 if with_v else 2
    scratch = (
        [pltpu.VMEM((KB,), jnp.int32)] * 2
        + [pltpu.VMEM((KB, HC), jnp.float32)] * row_bufs
        + [
            pltpu.VMEM((N_HEADS * KB,), jnp.float32),
            pltpu.VMEM((KB, HC), jnp.float32),
            pltpu.VMEM((CHR, HC), jnp.float32),
            pltpu.VMEM_SHARED((N_NODES, HC), jnp.float32),
        ]
        + [pltpu.SemaphoreType.DMA] * row_bufs
    )
    return pl.kernel(
        _make_sc_body(with_v),
        out_type=jax.ShapeDtypeStruct((NC, N_NODES, HC), jnp.float32),
        mesh=mesh,
        compiler_params=pltpu.CompilerParams(needs_layout_passes=False),
        scratch_types=scratch,
    )(*arrays)


def _fin_body(u0_ref, u1_ref, d0_ref, d1_ref, t_ref, out_ref):
    den = jnp.dot(d0_ref[...] + d1_ref[...], t_ref[...],
                  preferred_element_type=jnp.float32)
    out_ref[...] = (u0_ref[...] + u1_ref[...]) / (den + 1e-16)


def _fin_call(u0, u1, d0, d1, t_mat):
    rb = 1000
    grid = N_NODES // rb
    spec = pl.BlockSpec((rb, HC), lambda i: (i, 0))
    return pl.pallas_call(
        _fin_body,
        grid=(grid,),
        in_specs=[spec, spec, spec, spec,
                  pl.BlockSpec((HC, HC), lambda i: (0, 0))],
        out_specs=spec,
        out_shape=jax.ShapeDtypeStruct((N_NODES, HC), jnp.float32),
    )(u0, u1, d0, d1, t_mat)


def kernel(x, edge_index, edge_attr, W_q, W_k, W_v, W_e):
    src = edge_index[0].astype(jnp.int32)
    dst = edge_index[1].astype(jnp.int32)
    w3 = jnp.concatenate([W_q, W_k, W_v], axis=1)
    q, k, v = _qkv_call(x, w3)
    bias_flat = (_bias_call(edge_attr.T, W_e)
                 .reshape(N_HEADS, NBLK, KB)
                 .transpose(1, 0, 2)
                 .reshape(-1))
    zeros = jnp.zeros((CHR, HC), jnp.float32)
    d = _sc_edge_call(False, q, k, src, dst, bias_flat, zeros)
    u = _sc_edge_call(True, q, k, v, src, dst, bias_flat, zeros)
    t_mat = jax.nn.one_hot((jnp.arange(HC) // C_HEAD) * C_HEAD, HC,
                           axis=0, dtype=jnp.float32)
    return _fin_call(u[0], u[1], d[0], d[1], t_mat)

# --- scband reference (transcript-rebuilt; emitter-appended) ---
"""Pipeline reference for scband-multi-head-attention-conv-39127152066598 (READ-ONLY COPY).

The authoritative reference and input builder live on the scoring server;
editing this copy changes nothing except your own understanding.
"""

import math
import jax, jax.numpy as jnp
import numpy as np

N, E, D, H, C, ED = 10000, 320000, 128, 8, 16, 16

def segment_softmax(scores, seg, n):
    m = jax.ops.segment_max(scores, seg, num_segments=n)
    m = jnp.where(jnp.isfinite(m), m, 0.0)
    e = jnp.exp(scores - m[seg])
    d = jax.ops.segment_sum(e, seg, num_segments=n)
    return e / (d[seg] + 1e-16)

def setup_inputs(seed: int = 0):
    key = jax.random.key(seed)
    ks = jax.random.split(key, 8)
    x = jax.random.normal(ks[0], (N, D), dtype=jnp.float32)
    edge_index = jax.random.randint(ks[1], (2, E), 0, N)
    edge_attr = jax.random.normal(ks[2], (E, ED), dtype=jnp.float32)
    s = 1.0 / math.sqrt(D)
    W_q = jax.random.normal(ks[3], (D, H * C), dtype=jnp.float32) * s
    W_k = jax.random.normal(ks[4], (D, H * C), dtype=jnp.float32) * s
    W_v = jax.random.normal(ks[5], (D, H * C), dtype=jnp.float32) * s
    W_e = jax.random.normal(ks[6], (ED, H), dtype=jnp.float32) * (1.0 / math.sqrt(ED))
    return {"x": x, "edge_index": edge_index, "edge_attr": edge_attr, "W_q": W_q, "W_k": W_k, "W_v": W_v, "W_e": W_e}

def reference(x, edge_index, edge_attr, W_q, W_k, W_v, W_e):
    n = x.shape[0]
    q = (x @ W_q).reshape(n, H, C)
    k = (x @ W_k).reshape(n, H, C)
    v = (x @ W_v).reshape(n, H, C)
    src = edge_index[0]
    dst = edge_index[1]
    edge_bias = edge_attr @ W_e
    alpha_z = (q[dst] * k[src]).sum(axis=-1) / math.sqrt(C) + edge_bias
    alpha = segment_softmax(alpha_z, dst, n)
    msgs = v[src] * alpha[..., None]
    out = jax.ops.segment_sum(msgs, dst, num_segments=n)
    return out.reshape(n, H * C)

if __name__ == "__main__":
    import jax
    _d = setup_inputs()
    print(jax.jit(kernel)(*tuple(_d.values())))

</pallas_src>

<mosaic_0001>
#map = affine_map<(d0, d1) -> (0, 0)>
#map1 = affine_map<(d0, d1) -> (0)>
#map2 = affine_map<(d0, d1) -> (0, 0, 0)>
module attributes {stable_mosaic.version = 14 : i64} {
  func.func @body(%arg0: i32, %arg1: i32, %arg2: memref<10000x128xf32, #tpu.memory_space<hbm>>, %arg3: memref<10000x128xf32, #tpu.memory_space<hbm>>, %arg4: memref<10000x128xf32, #tpu.memory_space<hbm>>, %arg5: memref<320000xi32, #tpu.memory_space<hbm>>, %arg6: memref<320000xi32, #tpu.memory_space<hbm>>, %arg7: memref<2560000xf32, #tpu.memory_space<hbm>>, %arg8: memref<40x128xf32, #tpu.memory_space<hbm>>, %arg9: memref<2x10000x128xf32, #tpu.memory_space<hbm>>, %arg10: memref<64xi32, #tpu.memory_space<vmem>>, %arg11: memref<64xi32, #tpu.memory_space<vmem>>, %arg12: memref<64x128xf32, #tpu.memory_space<vmem>>, %arg13: memref<64x128xf32, #tpu.memory_space<vmem>>, %arg14: memref<64x128xf32, #tpu.memory_space<vmem>>, %arg15: memref<512xf32, #tpu.memory_space<vmem>>, %arg16: memref<64x128xf32, #tpu.memory_space<vmem>>, %arg17: memref<40x128xf32, #tpu.memory_space<vmem>>, %arg18: memref<10000x128xf32, #tpu.memory_space<vmem_shared>>, %arg19: memref<!tpu.dma_semaphore, #tpu.memory_space<semaphore_mem>>, %arg20: memref<!tpu.dma_semaphore, #tpu.memory_space<semaphore_mem>>, %arg21: memref<!tpu.dma_semaphore, #tpu.memory_space<semaphore_mem>>) attributes {dimension_semantics = [#tpu.dimension_semantics<core_parallel>, #tpu.dimension_semantics<subcore_parallel>], iteration_bounds = array<i64: 2, 16>, scalar_prefetch = 0 : i64, scratch_operands = 12 : i64, tpu.core_type = #tpu.core_type<sc_vector_subcore>, window_params = [{transform_indices = #map}, {transform_indices = #map}, {transform_indices = #map}, {transform_indices = #map1}, {transform_indices = #map1}, {transform_indices = #map1}, {transform_indices = #map}, {transform_indices = #map2}]} {
    %mul3A = arith.constant 2 : i32
    %mul3A_0 = arith.muli %arg1, %mul3A : i32
    %add3A = arith.addi %mul3A_0, %arg0 : i32
    "tpu.region"() ({
      %run_scoped3A = tpu.sem_alloc : memref<!tpu.dma_semaphore, #tpu.memory_space<semaphore_mem>>
      %dma_start3A = arith.constant 0 : i32
      %dma_start3A_83 = arith.constant 0 : i32
      %dma_start3A_84 = tpu.memref_slice %arg8[%dma_start3A, %dma_start3A_83] : memref<40x128xf32, #tpu.memory_space<hbm>> -> memref<40x128xf32, #tpu.memory_space<hbm>>
      %dma_start3A_85 = arith.constant 0 : i32
      %dma_start3A_86 = arith.constant 0 : i32
      %dma_start3A_87 = tpu.memref_slice %arg8[%dma_start3A_85, %dma_start3A_86] : memref<40x128xf32, #tpu.memory_space<hbm>> -> memref<40x128xf32, #tpu.memory_space<hbm>>
      tpu.enqueue_dma source(%dma_start3A_87 : memref<40x128xf32, #tpu.memory_space<hbm>>) target(%arg17 : memref<40x128xf32, #tpu.memory_space<vmem>>) target_semaphore(%run_scoped3A : memref<!tpu.dma_semaphore, #tpu.memory_space<semaphore_mem>>)
      %dma_wait3A = arith.constant 0 : i32
      %dma_wait3A_88 = arith.constant 0 : i32
      %dma_wait3A_89 = tpu.memref_slice %arg8[%dma_wait3A, %dma_wait3A_88] : memref<40x128xf32, #tpu.memory_space<hbm>> -> memref<40x128xf32, #tpu.memory_space<hbm>>
      %dma_wait3A_90 = arith.constant 0 : i32
      %dma_wait3A_91 = arith.constant 0 : i32
      %dma_wait3A_92 = tpu.memref_slice %arg8[%dma_wait3A_90, %dma_wait3A_91] : memref<40x128xf32, #tpu.memory_space<hbm>> -> memref<40x128xf32, #tpu.memory_space<hbm>>
      tpu.wait_dma2 semaphore(%run_scoped3A : memref<!tpu.dma_semaphore, #tpu.memory_space<semaphore_mem>>) src(%dma_wait3A_92 : memref<40x128xf32, #tpu.memory_space<hbm>>) dst(%arg17 : memref<40x128xf32, #tpu.memory_space<vmem>>)
      tpu.yield
    }) : () -> ()
    "tpu.region"() ({
      %run_scoped3A = tpu.sem_alloc : memref<!tpu.dma_semaphore, #tpu.memory_space<semaphore_mem>>
      %dma_start3A = arith.constant 0 : i32
      %dma_start3A_83 = arith.constant 0 : i32
      %dma_start3A_84 = tpu.memref_slice %arg8[%dma_start3A, %dma_start3A_83] : memref<40x128xf32, #tpu.memory_space<hbm>> -> memref<64x128xf32, #tpu.memory_space<hbm>>
      %dma_start3A_85 = arith.constant 0 : i32
      %dma_start3A_86 = arith.constant 0 : i32
      %dma_start3A_87 = tpu.memref_slice %arg8[%dma_start3A_85, %dma_start3A_86] : memref<40x128xf32, #tpu.memory_space<hbm>> -> memref<64x128xf32, #tpu.memory_space<hbm>>
      tpu.enqueue_dma source(%dma_start3A_87 : memref<64x128xf32, #tpu.memory_space<hbm>>) target(%arg16 : memref<64x128xf32, #tpu.memory_space<vmem>>) target_semaphore(%run_scoped3A : memref<!tpu.dma_semaphore, #tpu.memory_space<semaphore_mem>>)
      %dma_wait3A = arith.constant 0 : i32
      %dma_wait3A_88 = arith.constant 0 : i32
      %dma_wait3A_89 = tpu.memref_slice %arg8[%dma_wait3A, %dma_wait3A_88] : memref<40x128xf32, #tpu.memory_space<hbm>> -> memref<64x128xf32, #tpu.memory_space<hbm>>
      %dma_wait3A_90 = arith.constant 0 : i32
      %dma_wait3A_91 = arith.constant 0 : i32
      %dma_wait3A_92 = tpu.memref_slice %arg8[%dma_wait3A_90, %dma_wait3A_91] : memref<40x128xf32, #tpu.memory_space<hbm>> -> memref<64x128xf32, #tpu.memory_space<hbm>>
      tpu.wait_dma2 semaphore(%run_scoped3A : memref<!tpu.dma_semaphore, #tpu.memory_space<semaphore_mem>>) src(%dma_wait3A_92 : memref<64x128xf32, #tpu.memory_space<hbm>>) dst(%arg16 : memref<64x128xf32, #tpu.memory_space<vmem>>)
      tpu.yield
    }) : () -> ()
    %sub3A = arith.constant 250 : i32
    %sub3A_1 = arith.subi %sub3A, %arg1 : i32
    %add3A_2 = arith.constant 16 : i32
    %add3A_3 = arith.addi %sub3A_1, %add3A_2 : i32
    %sub3A_4 = arith.constant 1 : i32
    %sub3A_5 = arith.subi %add3A_3, %sub3A_4 : i32
    %jit3A = arith.constant 16 : i32
    %div3A = arith.divsi %sub3A_5, %jit3A : i32
    %sign3A = arith.constant 0 : i32
    %sign3A_6 = arith.cmpi sgt, %sub3A_5, %sign3A : i32
    %sign3A_7 = arith.extui %sign3A_6 : i1 to i32
    %sign3A_8 = arith.constant 0 : i32
    %sign3A_9 = arith.cmpi slt, %sub3A_5, %sign3A_8 : i32
    %sign3A_10 = arith.extui %sign3A_9 : i1 to i32
    %sign3A_11 = arith.subi %sign3A_7, %sign3A_10 : i32
    %sign3A_12 = arith.constant 0 : i32
    %sign3A_13 = arith.cmpi sgt, %jit3A, %sign3A_12 : i32
    %sign3A_14 = arith.extui %sign3A_13 : i1 to i32
    %sign3A_15 = arith.constant 0 : i32
    %sign3A_16 = arith.cmpi slt, %jit3A, %sign3A_15 : i32
    %sign3A_17 = arith.extui %sign3A_16 : i1 to i32
    %sign3A_18 = arith.subi %sign3A_14, %sign3A_17 : i32
    %ne3A = arith.cmpi ne, %sign3A_11, %sign3A_18 : i32
    %rem3A = arith.remsi %sub3A_5, %jit3A : i32
    %ne3A_19 = arith.constant 0 : i32
    %ne3A_20 = arith.cmpi ne, %rem3A, %ne3A_19 : i32
    %and3A = arith.andi %ne3A, %ne3A_20 : i1
    %sub3A_21 = arith.constant 1 : i32
    %sub3A_22 = arith.subi %div3A, %sub3A_21 : i32
    %select_n3A = arith.select %and3A, %sub3A_22, %div3A : i32
    %while3A = arith.constant 0 : i32
    %while3A_23 = arith.constant 0 : i32
    %while3A_24 = arith.subi %select_n3A, %while3A_23 : i32
    %while3A_25 = arith.addi %while3A_23, %while3A_24 : i32
    %while3A_26 = arith.constant 1 : i32
    %while3A_27 = arith.divsi %while3A_24, %while3A_26 : i32
    %while3A_28 = arith.muli %while3A_27, %while3A_26 : i32
    %while3A_29 = arith.addi %while3A_23, %while3A_28 : i32
    %while3A_30 = arith.constant 1 : i32
    scf.for %while3A_83 = %while3A_23 to %while3A_29 step %while3A_30  : i32 {
      %mul3A_84 = arith.constant 16 : i32
      %mul3A_85 = arith.muli %while3A_83, %mul3A_84 : i32
      %add3A_86 = arith.addi %arg1, %mul3A_85 : i32
      %mul3A_87 = arith.constant 40 : i32
      %mul3A_88 = arith.muli %add3A_86, %mul3A_87 : i32
      "tpu.region"() ({
        %run_scoped3A = tpu.sem_alloc : memref<!tpu.dma_semaphore, #tpu.memory_space<semaphore_mem>>
        %dma_start3A = arith.constant 0 : i32
        %dma_start3A_89 = tpu.memref_slice %arg18[%mul3A_88, %dma_start3A] : memref<10000x128xf32, #tpu.memory_space<vmem_shared>> -> memref<40x128xf32, #tpu.memory_space<vmem_shared>>
        %dma_start3A_90 = arith.constant 0 : i32
        %dma_start3A_91 = tpu.memref_slice %arg18[%mul3A_88, %dma_start3A_90] : memref<10000x128xf32, #tpu.memory_space<vmem_shared>> -> memref<40x128xf32, #tpu.memory_space<vmem_shared>>
        tpu.enqueue_dma source(%arg17 : memref<40x128xf32, #tpu.memory_space<vmem>>) target(%dma_start3A_91 : memref<40x128xf32, #tpu.memory_space<vmem_shared>>) target_semaphore(%run_scoped3A : memref<!tpu.dma_semaphore, #tpu.memory_space<semaphore_mem>>)
        %dma_wait3A = arith.constant 0 : i32
        %dma_wait3A_92 = tpu.memref_slice %arg18[%mul3A_88, %dma_wait3A] : memref<10000x128xf32, #tpu.memory_space<vmem_shared>> -> memref<40x128xf32, #tpu.memory_space<vmem_shared>>
        %dma_wait3A_93 = arith.constant 0 : i32
        %dma_wait3A_94 = tpu.memref_slice %arg18[%mul3A_88, %dma_wait3A_93] : memref<10000x128xf32, #tpu.memory_space<vmem_shared>> -> memref<40x128xf32, #tpu.memory_space<vmem_shared>>
        tpu.wait_dma2 semaphore(%run_scoped3A : memref<!tpu.dma_semaphore, #tpu.memory_space<semaphore_mem>>) src(%arg17 : memref<40x128xf32, #tpu.memory_space<vmem>>) dst(%dma_wait3A_94 : memref<40x128xf32, #tpu.memory_space<vmem_shared>>)
        tpu.yield
      }) : () -> ()
    }
    %while3A_31 = arith.constant 1 : i32
    scf.for %while3A_83 = %while3A_29 to %while3A_25 step %while3A_31  : i32 {
      %mul3A_84 = arith.constant 16 : i32
      %mul3A_85 = arith.muli %while3A_83, %mul3A_84 : i32
      %add3A_86 = arith.addi %arg1, %mul3A_85 : i32
      %mul3A_87 = arith.constant 40 : i32
      %mul3A_88 = arith.muli %add3A_86, %mul3A_87 : i32
      "tpu.region"() ({
        %run_scoped3A = tpu.sem_alloc : memref<!tpu.dma_semaphore, #tpu.memory_space<semaphore_mem>>
        %dma_start3A = arith.constant 0 : i32
        %dma_start3A_89 = tpu.memref_slice %arg18[%mul3A_88, %dma_start3A] : memref<10000x128xf32, #tpu.memory_space<vmem_shared>> -> memref<40x128xf32, #tpu.memory_space<vmem_shared>>
        %dma_start3A_90 = arith.constant 0 : i32
        %dma_start3A_91 = tpu.memref_slice %arg18[%mul3A_88, %dma_start3A_90] : memref<10000x128xf32, #tpu.memory_space<vmem_shared>> -> memref<40x128xf32, #tpu.memory_space<vmem_shared>>
        tpu.enqueue_dma source(%arg17 : memref<40x128xf32, #tpu.memory_space<vmem>>) target(%dma_start3A_91 : memref<40x128xf32, #tpu.memory_space<vmem_shared>>) target_semaphore(%run_scoped3A : memref<!tpu.dma_semaphore, #tpu.memory_space<semaphore_mem>>)
        %dma_wait3A = arith.constant 0 : i32
        %dma_wait3A_92 = tpu.memref_slice %arg18[%mul3A_88, %dma_wait3A] : memref<10000x128xf32, #tpu.memory_space<vmem_shared>> -> memref<40x128xf32, #tpu.memory_space<vmem_shared>>
        %dma_wait3A_93 = arith.constant 0 : i32
        %dma_wait3A_94 = tpu.memref_slice %arg18[%mul3A_88, %dma_wait3A_93] : memref<10000x128xf32, #tpu.memory_space<vmem_shared>> -> memref<40x128xf32, #tpu.memory_space<vmem_shared>>
        tpu.wait_dma2 semaphore(%run_scoped3A : memref<!tpu.dma_semaphore, #tpu.memory_space<semaphore_mem>>) src(%arg17 : memref<40x128xf32, #tpu.memory_space<vmem>>) dst(%dma_wait3A_94 : memref<40x128xf32, #tpu.memory_space<vmem_shared>>)
        tpu.yield
      }) : () -> ()
    }
    %barrier3A = arith.constant 0 : index
    tpu.barrier barrier_id(%barrier3A)
    %iota3A = tpu.iota {dimensions = array<i32: 0>} : vector<16xi32>
    %sub3A_32 = arith.constant 5000 : i32
    %sub3A_33 = arith.subi %sub3A_32, %add3A : i32
    %add3A_34 = arith.constant 32 : i32
    %add3A_35 = arith.addi %sub3A_33, %add3A_34 : i32
    %sub3A_36 = arith.constant 1 : i32
    %sub3A_37 = arith.subi %add3A_35, %sub3A_36 : i32
    %jit3A_38 = arith.constant 32 : i32
    %div3A_39 = arith.divsi %sub3A_37, %jit3A_38 : i32
    %sign3A_40 = arith.constant 0 : i32
    %sign3A_41 = arith.cmpi sgt, %sub3A_37, %sign3A_40 : i32
    %sign3A_42 = arith.extui %sign3A_41 : i1 to i32
    %sign3A_43 = arith.constant 0 : i32
    %sign3A_44 = arith.cmpi slt, %sub3A_37, %sign3A_43 : i32
    %sign3A_45 = arith.extui %sign3A_44 : i1 to i32
    %sign3A_46 = arith.subi %sign3A_42, %sign3A_45 : i32
    %sign3A_47 = arith.constant 0 : i32
    %sign3A_48 = arith.cmpi sgt, %jit3A_38, %sign3A_47 : i32
    %sign3A_49 = arith.extui %sign3A_48 : i1 to i32
    %sign3A_50 = arith.constant 0 : i32
    %sign3A_51 = arith.cmpi slt, %jit3A_38, %sign3A_50 : i32
    %sign3A_52 = arith.extui %sign3A_51 : i1 to i32
    %sign3A_53 = arith.subi %sign3A_49, %sign3A_52 : i32
    %ne3A_54 = arith.cmpi ne, %sign3A_46, %sign3A_53 : i32
    %rem3A_55 = arith.remsi %sub3A_37, %jit3A_38 : i32
    %ne3A_56 = arith.constant 0 : i32
    %ne3A_57 = arith.cmpi ne, %rem3A_55, %ne3A_56 : i32
    %and3A_58 = arith.andi %ne3A_54, %ne3A_57 : i1
    %sub3A_59 = arith.constant 1 : i32
    %sub3A_60 = arith.subi %div3A_39, %sub3A_59 : i32
    %select_n3A_61 = arith.select %and3A_58, %sub3A_60, %div3A_39 : i32
    %while3A_62 = arith.constant 0 : i32
    %while3A_63 = arith.constant 0 : i32
    %while3A_64 = arith.subi %select_n3A_61, %while3A_63 : i32
    %while3A_65 = arith.addi %while3A_63, %while3A_64 : i32
    %while3A_66 = arith.constant 1 : i32
    %while3A_67 = arith.divsi %while3A_64, %while3A_66 : i32
    %while3A_68 = arith.muli %while3A_67, %while3A_66 : i32
    %while3A_69 = arith.addi %while3A_63, %while3A_68 : i32
    %while3A_70 = arith.constant 1 : i32
    scf.for %while3A_83 = %while3A_63 to %while3A_69 step %while3A_70  : i32 {
      %mul3A_84 = arith.constant 32 : i32
      %mul3A_85 = arith.muli %while3A_83, %mul3A_84 : i32
      %add3A_86 = arith.addi %add3A, %mul3A_85 : i32
      %mul3A_87 = arith.constant 64 : i32
      %mul3A_88 = arith.muli %add3A_86, %mul3A_87 : i32
      "tpu.region"() ({
        %run_scoped3A = tpu.sem_alloc : memref<!tpu.dma_semaphore, #tpu.memory_space<semaphore_mem>>
        %dma_start3A_117 = tpu.memref_slice %arg5[%mul3A_88] : memref<320000xi32, #tpu.memory_space<hbm>> -> memref<64xi32, #tpu.memory_space<hbm>>
        %dma_start3A_118 = tpu.memref_slice %arg5[%mul3A_88] : memref<320000xi32, #tpu.memory_space<hbm>> -> memref<64xi32, #tpu.memory_space<hbm>>
        tpu.enqueue_dma source(%dma_start3A_118 : memref<64xi32, #tpu.memory_space<hbm>>) target(%arg10 : memref<64xi32, #tpu.memory_space<vmem>>) target_semaphore(%run_scoped3A : memref<!tpu.dma_semaphore, #tpu.memory_space<semaphore_mem>>)
        %dma_wait3A_119 = tpu.memref_slice %arg5[%mul3A_88] : memref<320000xi32, #tpu.memory_space<hbm>> -> memref<64xi32, #tpu.memory_space<hbm>>
        %dma_wait3A_120 = tpu.memref_slice %arg5[%mul3A_88] : memref<320000xi32, #tpu.memory_space<hbm>> -> memref<64xi32, #tpu.memory_space<hbm>>
        tpu.wait_dma2 semaphore(%run_scoped3A : memref<!tpu.dma_semaphore, #tpu.memory_space<semaphore_mem>>) src(%dma_wait3A_120 : memref<64xi32, #tpu.memory_space<hbm>>) dst(%arg10 : memref<64xi32, #tpu.memory_space<vmem>>)
        tpu.yield
      }) : () -> ()
      "tpu.region"() ({
        %run_scoped3A = tpu.sem_alloc : memref<!tpu.dma_semaphore, #tpu.memory_space<semaphore_mem>>
        %dma_start3A_117 = tpu.memref_slice %arg6[%mul3A_88] : memref<320000xi32, #tpu.memory_space<hbm>> -> memref<64xi32, #tpu.memory_space<hbm>>
        %dma_start3A_118 = tpu.memref_slice %arg6[%mul3A_88] : memref<320000xi32, #tpu.memory_space<hbm>> -> memref<64xi32, #tpu.memory_space<hbm>>
        tpu.enqueue_dma source(%dma_start3A_118 : memref<64xi32, #tpu.memory_space<hbm>>) target(%arg11 : memref<64xi32, #tpu.memory_space<vmem>>) target_semaphore(%run_scoped3A : memref<!tpu.dma_semaphore, #tpu.memory_space<semaphore_mem>>)
        %dma_wait3A_119 = tpu.memref_slice %arg6[%mul3A_88] : memref<320000xi32, #tpu.memory_space<hbm>> -> memref<64xi32, #tpu.memory_space<hbm>>
        %dma_wait3A_120 = tpu.memref_slice %arg6[%mul3A_88] : memref<320000xi32, #tpu.memory_space<hbm>> -> memref<64xi32, #tpu.memory_space<hbm>>
        tpu.wait_dma2 semaphore(%run_scoped3A : memref<!tpu.dma_semaphore, #tpu.memory_space<semaphore_mem>>) src(%dma_wait3A_120 : memref<64xi32, #tpu.memory_space<hbm>>) dst(%arg11 : memref<64xi32, #tpu.memory_space<vmem>>)
        tpu.yield
      }) : () -> ()
      %dma_start3A = arith.constant 0 : i32
      %dma_start3A_89 = arith.constant 0 : i32
      %dma_start3A_90 = tpu.memref_slice %arg2[%dma_start3A, %dma_start3A_89] : memref<10000x128xf32, #tpu.memory_space<hbm>> -> memref<10000x128xf32, #tpu.memory_space<hbm>>
      tpu.enqueue_indirect_dma source(%dma_start3A_90 : memref<10000x128xf32, #tpu.memory_space<hbm>>) target(%arg12 : memref<64x128xf32, #tpu.memory_space<vmem>>) offsets(%arg11 : memref<64xi32, #tpu.memory_space<vmem>>) semaphore(%arg19 : memref<!tpu.dma_semaphore, #tpu.memory_space<semaphore_mem>>)
      %dma_start3A_91 = arith.constant 0 : i32
      %dma_start3A_92 = arith.constant 0 : i32
      %dma_start3A_93 = tpu.memref_slice %arg3[%dma_start3A_91, %dma_start3A_92] : memref<10000x128xf32, #tpu.memory_space<hbm>> -> memref<10000x128xf32, #tpu.memory_space<hbm>>
      tpu.enqueue_indirect_dma source(%dma_start3A_93 : memref<10000x128xf32, #tpu.memory_space<hbm>>) target(%arg13 : memref<64x128xf32, #tpu.memory_space<vmem>>) offsets(%arg10 : memref<64xi32, #tpu.memory_space<vmem>>) semaphore(%arg20 : memref<!tpu.dma_semaphore, #tpu.memory_space<semaphore_mem>>)
      %dma_start3A_94 = arith.constant 0 : i32
      %dma_start3A_95 = arith.constant 0 : i32
      %dma_start3A_96 = tpu.memref_slice %arg4[%dma_start3A_94, %dma_start3A_95] : memref<10000x128xf32, #tpu.memory_space<hbm>> -> memref<10000x128xf32, #tpu.memory_space<hbm>>
      tpu.enqueue_indirect_dma source(%dma_start3A_96 : memref<10000x128xf32, #tpu.memory_space<hbm>>) target(%arg14 : memref<64x128xf32, #tpu.memory_space<vmem>>) offsets(%arg10 : memref<64xi32, #tpu.memory_space<vmem>>) semaphore(%arg21 : memref<!tpu.dma_semaphore, #tpu.memory_space<semaphore_mem>>)
      %mul3A_97 = arith.constant 32 : i32
      %mul3A_98 = arith.muli %while3A_83, %mul3A_97 : i32
      %add3A_99 = arith.addi %add3A, %mul3A_98 : i32
      %mul3A_100 = arith.constant 8 : i32
      %mul3A_101 = arith.muli %add3A_99, %mul3A_100 : i32
      %mul3A_102 = arith.constant 64 : i32
      %mul3A_103 = arith.muli %mul3A_101, %mul3A_102 : i32
      "tpu.region"() ({
        %run_scoped3A = tpu.sem_alloc : memref<!tpu.dma_semaphore, #tpu.memory_space<semaphore_mem>>
        %dma_start3A_117 = tpu.memref_slice %arg7[%mul3A_103] : memref<2560000xf32, #tpu.memory_space<hbm>> -> memref<512xf32, #tpu.memory_space<hbm>>
        %dma_start3A_118 = tpu.memref_slice %arg7[%mul3A_103] : memref<2560000xf32, #tpu.memory_space<hbm>> -> memref<512xf32, #tpu.memory_space<hbm>>
        tpu.enqueue_dma source(%dma_start3A_118 : memref<512xf32, #tpu.memory_space<hbm>>) target(%arg15 : memref<512xf32, #tpu.memory_space<vmem>>) target_semaphore(%run_scoped3A : memref<!tpu.dma_semaphore, #tpu.memory_space<semaphore_mem>>)
        %dma_wait3A_119 = tpu.memref_slice %arg7[%mul3A_103] : memref<2560000xf32, #tpu.memory_space<hbm>> -> memref<512xf32, #tpu.memory_space<hbm>>
        %dma_wait3A_120 = tpu.memref_slice %arg7[%mul3A_103] : memref<2560000xf32, #tpu.memory_space<hbm>> -> memref<512xf32, #tpu.memory_space<hbm>>
        tpu.wait_dma2 semaphore(%run_scoped3A : memref<!tpu.dma_semaphore, #tpu.memory_space<semaphore_mem>>) src(%dma_wait3A_120 : memref<512xf32, #tpu.memory_space<hbm>>) dst(%arg15 : memref<512xf32, #tpu.memory_space<vmem>>)
        tpu.yield
      }) : () -> ()
      %dma_wait3A = arith.constant 0 : i32
      %dma_wait3A_104 = arith.constant 0 : i32
      %dma_wait3A_105 = tpu.memref_slice %arg2[%dma_wait3A, %dma_wait3A_104] : memref<10000x128xf32, #tpu.memory_space<hbm>> -> memref<10000x128xf32, #tpu.memory_space<hbm>>
      tpu.wait_indirect_dma semaphore(%arg19 : memref<!tpu.dma_semaphore, #tpu.memory_space<semaphore_mem>>) src(%dma_wait3A_105 : memref<10000x128xf32, #tpu.memory_space<hbm>>) dst(%arg12 : memref<64x128xf32, #tpu.memory_space<vmem>>)
      %dma_wait3A_106 = arith.constant 0 : i32
      %dma_wait3A_107 = arith.constant 0 : i32
      %dma_wait3A_108 = tpu.memref_slice %arg3[%dma_wait3A_106, %dma_wait3A_107] : memref<10000x128xf32, #tpu.memory_space<hbm>> -> memref<10000x128xf32, #tpu.memory_space<hbm>>
      tpu.wait_indirect_dma semaphore(%arg20 : memref<!tpu.dma_semaphore, #tpu.memory_space<semaphore_mem>>) src(%dma_wait3A_108 : memref<10000x128xf32, #tpu.memory_space<hbm>>) dst(%arg13 : memref<64x128xf32, #tpu.memory_space<vmem>>)
      %dma_wait3A_109 = arith.constant 0 : i32
      %dma_wait3A_110 = arith.constant 0 : i32
      %dma_wait3A_111 = tpu.memref_slice %arg4[%dma_wait3A_109, %dma_wait3A_110] : memref<10000x128xf32, #tpu.memory_space<hbm>> -> memref<10000x128xf32, #tpu.memory_space<hbm>>
      tpu.wait_indirect_dma semaphore(%arg21 : memref<!tpu.dma_semaphore, #tpu.memory_space<semaphore_mem>>) src(%dma_wait3A_111 : memref<10000x128xf32, #tpu.memory_space<hbm>>) dst(%arg14 : memref<64x128xf32, #tpu.memory_space<vmem>>)
      %scan3A = arith.constant 0 : i32
      %scan3A_112 = arith.constant 0 : i32
      %scan3A_113 = arith.constant 4 : i32
      %scan3A_114 = arith.addi %scan3A_112, %scan3A_113 : i32
      %scan3A_115 = arith.constant 1 : i32
      scf.for %scan3A_117 = %scan3A_112 to %scan3A_114 step %scan3A_115  : i32 {
        %mul3A_118 = arith.constant 16 : i32
        %mul3A_119 = arith.muli %scan3A_117, %mul3A_118 : i32
        %add3A_120 = vector.broadcast %mul3A_119 : i32 to vector<16xi32>
        %add3A_121 = arith.addi %iota3A, %add3A_120 : vector<16xi32>
        %scan3A_122 = arith.constant 0 : i32
        %scan3A_123 = arith.constant 0 : i32
        %scan3A_124 = arith.constant 8 : i32
        %scan3A_125 = arith.addi %scan3A_123, %scan3A_124 : i32
        %scan3A_126 = arith.constant 1 : i32
        scf.for %scan3A_128 = %scan3A_123 to %scan3A_125 step %scan3A_126  : i32 {
          %mul3A_129 = arith.constant 16 : i32
          %mul3A_130 = arith.muli %scan3A_128, %mul3A_129 : i32
          %broadcast_in_dim3A = arith.constant 0.000000e+00 : f32
          %broadcast_in_dim3A_131 = vector.broadcast %broadcast_in_dim3A : f32 to vector<16xf32>
          %add3A_132 = arith.constant 0 : i32
          %add3A_133 = arith.addi %mul3A_130, %add3A_132 : i32
          %broadcast_in_dim3A_134 = vector.broadcast %add3A_133 : i32 to vector<16xi32>
          %gather3A = tpu.vector_load_idx %arg12[%add3A_121, %broadcast_in_dim3A_134] : memref<64x128xf32, #tpu.memory_space<vmem>>[vector<16xi32>, vector<16xi32>], vector<16xf32>,
          %broadcast_in_dim3A_135 = vector.broadcast %add3A_133 : i32 to vector<16xi32>
          %gather3A_136 = tpu.vector_load_idx %arg13[%add3A_121, %broadcast_in_dim3A_135] : memref<64x128xf32, #tpu.memory_space<vmem>>[vector<16xi32>, vector<16xi32>], vector<16xf32>,
          %mul3A_137 = arith.mulf %gather3A, %gather3A_136 : vector<16xf32>
          %add3A_138 = arith.addf %broadcast_in_dim3A_131, %mul3A_137 : vector<16xf32>
          %add3A_139 = arith.constant 1 : i32
          %add3A_140 = arith.addi %mul3A_130, %add3A_139 : i32
          %broadcast_in_dim3A_141 = vector.broadcast %add3A_140 : i32 to vector<16xi32>
          %gather3A_142 = tpu.vector_load_idx %arg12[%add3A_121, %broadcast_in_dim3A_141] : memref<64x128xf32, #tpu.memory_space<vmem>>[vector<16xi32>, vector<16xi32>], vector<16xf32>,
          %broadcast_in_dim3A_143 = vector.broadcast %add3A_140 : i32 to vector<16xi32>
          %gather3A_144 = tpu.vector_load_idx %arg13[%add3A_121, %broadcast_in_dim3A_143] : memref<64x128xf32, #tpu.memory_space<vmem>>[vector<16xi32>, vector<16xi32>], vector<16xf32>,
          %mul3A_145 = arith.mulf %gather3A_142, %gather3A_144 : vector<16xf32>
          %add3A_146 = arith.addf %add3A_138, %mul3A_145 : vector<16xf32>
          %add3A_147 = arith.constant 2 : i32
          %add3A_148 = arith.addi %mul3A_130, %add3A_147 : i32
          %broadcast_in_dim3A_149 = vector.broadcast %add3A_148 : i32 to vector<16xi32>
          %gather3A_150 = tpu.vector_load_idx %arg12[%add3A_121, %broadcast_in_dim3A_149] : memref<64x128xf32, #tpu.memory_space<vmem>>[vector<16xi32>, vector<16xi32>], vector<16xf32>,
          %broadcast_in_dim3A_151 = vector.broadcast %add3A_148 : i32 to vector<16xi32>
          %gather3A_152 = tpu.vector_load_idx %arg13[%add3A_121, %broadcast_in_dim3A_151] : memref<64x128xf32, #tpu.memory_space<vmem>>[vector<16xi32>, vector<16xi32>], vector<16xf32>,
          %mul3A_153 = arith.mulf %gather3A_150, %gather3A_152 : vector<16xf32>
          %add3A_154 = arith.addf %add3A_146, %mul3A_153 : vector<16xf32>
          %add3A_155 = arith.constant 3 : i32
          %add3A_156 = arith.addi %mul3A_130, %add3A_155 : i32
          %broadcast_in_dim3A_157 = vector.broadcast %add3A_156 : i32 to vector<16xi32>
          %gather3A_158 = tpu.vector_load_idx %arg12[%add3A_121, %broadcast_in_dim3A_157] : memref<64x128xf32, #tpu.memory_space<vmem>>[vector<16xi32>, vector<16xi32>], vector<16xf32>,
          %broadcast_in_dim3A_159 = vector.broadcast %add3A_156 : i32 to vector<16xi32>
          %gather3A_160 = tpu.vector_load_idx %arg13[%add3A_121, %broadcast_in_dim3A_159] : memref<64x128xf32, #tpu.memory_space<vmem>>[vector<16xi32>, vector<16xi32>], vector<16xf32>,
          %mul3A_161 = arith.mulf %gather3A_158, %gather3A_160 : vector<16xf32>
          %add3A_162 = arith.addf %add3A_154, %mul3A_161 : vector<16xf32>
          %add3A_163 = arith.constant 4 : i32
          %add3A_164 = arith.addi %mul3A_130, %add3A_163 : i32
          %broadcast_in_dim3A_165 = vector.broadcast %add3A_164 : i32 to vector<16xi32>
          %gather3A_166 = tpu.vector_load_idx %arg12[%add3A_121, %broadcast_in_dim3A_165] : memref<64x128xf32, #tpu.memory_space<vmem>>[vector<16xi32>, vector<16xi32>], vector<16xf32>,
          %broadcast_in_dim3A_167 = vector.broadcast %add3A_164 : i32 to vector<16xi32>
          %gather3A_168 = tpu.vector_load_idx %arg13[%add3A_121, %broadcast_in_dim3A_167] : memref<64x128xf32, #tpu.memory_space<vmem>>[vector<16xi32>, vector<16xi32>], vector<16xf32>,
          %mul3A_169 = arith.mulf %gather3A_166, %gather3A_168 : vector<16xf32>
          %add3A_170 = arith.addf %add3A_162, %mul3A_169 : vector<16xf32>
          %add3A_171 = arith.constant 5 : i32
          %add3A_172 = arith.addi %mul3A_130, %add3A_171 : i32
          %broadcast_in_dim3A_173 = vector.broadcast %add3A_172 : i32 to vector<16xi32>
          %gather3A_174 = tpu.vector_load_idx %arg12[%add3A_121, %broadcast_in_dim3A_173] : memref<64x128xf32, #tpu.memory_space<vmem>>[vector<16xi32>, vector<16xi32>], vector<16xf32>,
          %broadcast_in_dim3A_175 = vector.broadcast %add3A_172 : i32 to vector<16xi32>
          %gather3A_176 = tpu.vector_load_idx %arg13[%add3A_121, %broadcast_in_dim3A_175] : memref<64x128xf32, #tpu.memory_space<vmem>>[vector<16xi32>, vector<16xi32>], vector<16xf32>,
          %mul3A_177 = arith.mulf %gather3A_174, %gather3A_176 : vector<16xf32>
          %add3A_178 = arith.addf %add3A_170, %mul3A_177 : vector<16xf32>
          %add3A_179 = arith.constant 6 : i32
          %add3A_180 = arith.addi %mul3A_130, %add3A_179 : i32
          %broadcast_in_dim3A_181 = vector.broadcast %add3A_180 : i32 to vector<16xi32>
          %gather3A_182 = tpu.vector_load_idx %arg12[%add3A_121, %broadcast_in_dim3A_181] : memref<64x128xf32, #tpu.memory_space<vmem>>[vector<16xi32>, vector<16xi32>], vector<16xf32>,
          %broadcast_in_dim3A_183 = vector.broadcast %add3A_180 : i32 to vector<16xi32>
          %gather3A_184 = tpu.vector_load_idx %arg13[%add3A_121, %broadcast_in_dim3A_183] : memref<64x128xf32, #tpu.memory_space<vmem>>[vector<16xi32>, vector<16xi32>], vector<16xf32>,
          %mul3A_185 = arith.mulf %gather3A_182, %gather3A_184 : vector<16xf32>
          %add3A_186 = arith.addf %add3A_178, %mul3A_185 : vector<16xf32>
          %add3A_187 = arith.constant 7 : i32
          %add3A_188 = arith.addi %mul3A_130, %add3A_187 : i32
          %broadcast_in_dim3A_189 = vector.broadcast %add3A_188 : i32 to vector<16xi32>
          %gather3A_190 = tpu.vector_load_idx %arg12[%add3A_121, %broadcast_in_dim3A_189] : memref<64x128xf32, #tpu.memory_space<vmem>>[vector<16xi32>, vector<16xi32>], vector<16xf32>,
          %broadcast_in_dim3A_191 = vector.broadcast %add3A_188 : i32 to vector<16xi32>
          %gather3A_192 = tpu.vector_load_idx %arg13[%add3A_121, %broadcast_in_dim3A_191] : memref<64x128xf32, #tpu.memory_space<vmem>>[vector<16xi32>, vector<16xi32>], vector<16xf32>,
          %mul3A_193 = arith.mulf %gather3A_190, %gather3A_192 : vector<16xf32>
          %add3A_194 = arith.addf %add3A_186, %mul3A_193 : vector<16xf32>
          %add3A_195 = arith.constant 8 : i32
          %add3A_196 = arith.addi %mul3A_130, %add3A_195 : i32
          %broadcast_in_dim3A_197 = vector.broadcast %add3A_196 : i32 to vector<16xi32>
          %gather3A_198 = tpu.vector_load_idx %arg12[%add3A_121, %broadcast_in_dim3A_197] : memref<64x128xf32, #tpu.memory_space<vmem>>[vector<16xi32>, vector<16xi32>], vector<16xf32>,
          %broadcast_in_dim3A_199 = vector.broadcast %add3A_196 : i32 to vector<16xi32>
          %gather3A_200 = tpu.vector_load_idx %arg13[%add3A_121, %broadcast_in_dim3A_199] : memref<64x128xf32, #tpu.memory_space<vmem>>[vector<16xi32>, vector<16xi32>], vector<16xf32>,
          %mul3A_201 = arith.mulf %gather3A_198, %gather3A_200 : vector<16xf32>
          %add3A_202 = arith.addf %add3A_194, %mul3A_201 : vector<16xf32>
          %add3A_203 = arith.constant 9 : i32
          %add3A_204 = arith.addi %mul3A_130, %add3A_203 : i32
          %broadcast_in_dim3A_205 = vector.broadcast %add3A_204 : i32 to vector<16xi32>
          %gather3A_206 = tpu.vector_load_idx %arg12[%add3A_121, %broadcast_in_dim3A_205] : memref<64x128xf32, #tpu.memory_space<vmem>>[vector<16xi32>, vector<16xi32>], vector<16xf32>,
          %broadcast_in_dim3A_207 = vector.broadcast %add3A_204 : i32 to vector<16xi32>
          %gather3A_208 = tpu.vector_load_idx %arg13[%add3A_121, %broadcast_in_dim3A_207] : memref<64x128xf32, #tpu.memory_space<vmem>>[vector<16xi32>, vector<16xi32>], vector<16xf32>,
          %mul3A_209 = arith.mulf %gather3A_206, %gather3A_208 : vector<16xf32>
          %add3A_210 = arith.addf %add3A_202, %mul3A_209 : vector<16xf32>
          %add3A_211 = arith.constant 10 : i32
          %add3A_212 = arith.addi %mul3A_130, %add3A_211 : i32
          %broadcast_in_dim3A_213 = vector.broadcast %add3A_212 : i32 to vector<16xi32>
          %gather3A_214 = tpu.vector_load_idx %arg12[%add3A_121, %broadcast_in_dim3A_213] : memref<64x128xf32, #tpu.memory_space<vmem>>[vector<16xi32>, vector<16xi32>], vector<16xf32>,
          %broadcast_in_dim3A_215 = vector.broadcast %add3A_212 : i32 to vector<16xi32>
          %gather3A_216 = tpu.vector_load_idx %arg13[%add3A_121, %broadcast_in_dim3A_215] : memref<64x128xf32, #tpu.memory_space<vmem>>[vector<16xi32>, vector<16xi32>], vector<16xf32>,
          %mul3A_217 = arith.mulf %gather3A_214, %gather3A_216 : vector<16xf32>
          %add3A_218 = arith.addf %add3A_210, %mul3A_217 : vector<16xf32>
          %add3A_219 = arith.constant 11 : i32
          %add3A_220 = arith.addi %mul3A_130, %add3A_219 : i32
          %broadcast_in_dim3A_221 = vector.broadcast %add3A_220 : i32 to vector<16xi32>
          %gather3A_222 = tpu.vector_load_idx %arg12[%add3A_121, %broadcast_in_dim3A_221] : memref<64x128xf32, #tpu.memory_space<vmem>>[vector<16xi32>, vector<16xi32>], vector<16xf32>,
          %broadcast_in_dim3A_223 = vector.broadcast %add3A_220 : i32 to vector<16xi32>
          %gather3A_224 = tpu.vector_load_idx %arg13[%add3A_121, %broadcast_in_dim3A_223] : memref<64x128xf32, #tpu.memory_space<vmem>>[vector<16xi32>, vector<16xi32>], vector<16xf32>,
          %mul3A_225 = arith.mulf %gather3A_222, %gather3A_224 : vector<16xf32>
          %add3A_226 = arith.addf %add3A_218, %mul3A_225 : vector<16xf32>
          %add3A_227 = arith.constant 12 : i32
          %add3A_228 = arith.addi %mul3A_130, %add3A_227 : i32
          %broadcast_in_dim3A_229 = vector.broadcast %add3A_228 : i32 to vector<16xi32>
          %gather3A_230 = tpu.vector_load_idx %arg12[%add3A_121, %broadcast_in_dim3A_229] : memref<64x128xf32, #tpu.memory_space<vmem>>[vector<16xi32>, vector<16xi32>], vector<16xf32>,
          %broadcast_in_dim3A_231 = vector.broadcast %add3A_228 : i32 to vector<16xi32>
          %gather3A_232 = tpu.vector_load_idx %arg13[%add3A_121, %broadcast_in_dim3A_231] : memref<64x128xf32, #tpu.memory_space<vmem>>[vector<16xi32>, vector<16xi32>], vector<16xf32>,
          %mul3A_233 = arith.mulf %gather3A_230, %gather3A_232 : vector<16xf32>
          %add3A_234 = arith.addf %add3A_226, %mul3A_233 : vector<16xf32>
          %add3A_235 = arith.constant 13 : i32
          %add3A_236 = arith.addi %mul3A_130, %add3A_235 : i32
          %broadcast_in_dim3A_237 = vector.broadcast %add3A_236 : i32 to vector<16xi32>
          %gather3A_238 = tpu.vector_load_idx %arg12[%add3A_121, %broadcast_in_dim3A_237] : memref<64x128xf32, #tpu.memory_space<vmem>>[vector<16xi32>, vector<16xi32>], vector<16xf32>,
          %broadcast_in_dim3A_239 = vector.broadcast %add3A_236 : i32 to vector<16xi32>
          %gather3A_240 = tpu.vector_load_idx %arg13[%add3A_121, %broadcast_in_dim3A_239] : memref<64x128xf32, #tpu.memory_space<vmem>>[vector<16xi32>, vector<16xi32>], vector<16xf32>,
          %mul3A_241 = arith.mulf %gather3A_238, %gather3A_240 : vector<16xf32>
          %add3A_242 = arith.addf %add3A_234, %mul3A_241 : vector<16xf32>
          %add3A_243 = arith.constant 14 : i32
          %add3A_244 = arith.addi %mul3A_130, %add3A_243 : i32
          %broadcast_in_dim3A_245 = vector.broadcast %add3A_244 : i32 to vector<16xi32>
          %gather3A_246 = tpu.vector_load_idx %arg12[%add3A_121, %broadcast_in_dim3A_245] : memref<64x128xf32, #tpu.memory_space<vmem>>[vector<16xi32>, vector<16xi32>], vector<16xf32>,
          %broadcast_in_dim3A_247 = vector.broadcast %add3A_244 : i32 to vector<16xi32>
          %gather3A_248 = tpu.vector_load_idx %arg13[%add3A_121, %broadcast_in_dim3A_247] : memref<64x128xf32, #tpu.memory_space<vmem>>[vector<16xi32>, vector<16xi32>], vector<16xf32>,
          %mul3A_249 = arith.mulf %gather3A_246, %gather3A_248 : vector<16xf32>
          %add3A_250 = arith.addf %add3A_242, %mul3A_249 : vector<16xf32>
          %add3A_251 = arith.constant 15 : i32
          %add3A_252 = arith.addi %mul3A_130, %add3A_251 : i32
          %broadcast_in_dim3A_253 = vector.broadcast %add3A_252 : i32 to vector<16xi32>
          %gather3A_254 = tpu.vector_load_idx %arg12[%add3A_121, %broadcast_in_dim3A_253] : memref<64x128xf32, #tpu.memory_space<vmem>>[vector<16xi32>, vector<16xi32>], vector<16xf32>,
          %broadcast_in_dim3A_255 = vector.broadcast %add3A_252 : i32 to vector<16xi32>
          %gather3A_256 = tpu.vector_load_idx %arg13[%add3A_121, %broadcast_in_dim3A_255] : memref<64x128xf32, #tpu.memory_space<vmem>>[vector<16xi32>, vector<16xi32>], vector<16xf32>,
          %mul3A_257 = arith.mulf %gather3A_254, %gather3A_256 : vector<16xf32>
          %add3A_258 = arith.addf %add3A_250, %mul3A_257 : vector<16xf32>
          %mul3A_259 = arith.constant 64 : i32
          %mul3A_260 = arith.muli %scan3A_128, %mul3A_259 : i32
          %add3A_261 = vector.broadcast %mul3A_260 : i32 to vector<16xi32>
          %add3A_262 = arith.addi %add3A_261, %add3A_121 : vector<16xi32>
          %gather3A_263 = tpu.vector_load_idx %arg15[%add3A_262] : memref<512xf32, #tpu.memory_space<vmem>>[vector<16xi32>], vector<16xf32>,
          %mul3A_264 = arith.constant 2.500000e-01 : f32
          %mul3A_265 = vector.broadcast %mul3A_264 : f32 to vector<16xf32>
          %mul3A_266 = arith.mulf %add3A_258, %mul3A_265 : vector<16xf32>
          %add3A_267 = arith.addf %mul3A_266, %gather3A_263 : vector<16xf32>
          %exp3A = math.exp %add3A_267 : vector<16xf32>
          %add3A_268 = arith.constant 0 : i32
          %add3A_269 = arith.addi %mul3A_130, %add3A_268 : i32
          %broadcast_in_dim3A_270 = vector.broadcast %add3A_269 : i32 to vector<16xi32>
          %gather3A_271 = tpu.vector_load_idx %arg14[%add3A_121, %broadcast_in_dim3A_270] : memref<64x128xf32, #tpu.memory_space<vmem>>[vector<16xi32>, vector<16xi32>], vector<16xf32>,
          %broadcast_in_dim3A_272 = vector.broadcast %add3A_269 : i32 to vector<16xi32>
          %mul3A_273 = arith.mulf %gather3A_271, %exp3A : vector<16xf32>
          tpu.vector_store_idx %arg16[%add3A_121, %broadcast_in_dim3A_272], %mul3A_273 : memref<64x128xf32, #tpu.memory_space<vmem>>[vector<16xi32>, vector<16xi32>], vector<16xf32>,
          %add3A_274 = arith.constant 1 : i32
          %add3A_275 = arith.addi %mul3A_130, %add3A_274 : i32
          %broadcast_in_dim3A_276 = vector.broadcast %add3A_275 : i32 to vector<16xi32>
          %gather3A_277 = tpu.vector_load_idx %arg14[%add3A_121, %broadcast_in_dim3A_276] : memref<64x128xf32, #tpu.memory_space<vmem>>[vector<16xi32>, vector<16xi32>], vector<16xf32>,
          %broadcast_in_dim3A_278 = vector.broadcast %add3A_275 : i32 to vector<16xi32>
          %mul3A_279 = arith.mulf %gather3A_277, %exp3A : vector<16xf32>
          tpu.vector_store_idx %arg16[%add3A_121, %broadcast_in_dim3A_278], %mul3A_279 : memref<64x128xf32, #tpu.memory_space<vmem>>[vector<16xi32>, vector<16xi32>], vector<16xf32>,
          %add3A_280 = arith.constant 2 : i32
          %add3A_281 = arith.addi %mul3A_130, %add3A_280 : i32
          %broadcast_in_dim3A_282 = vector.broadcast %add3A_281 : i32 to vector<16xi32>
          %gather3A_283 = tpu.vector_load_idx %arg14[%add3A_121, %broadcast_in_dim3A_282] : memref<64x128xf32, #tpu.memory_space<vmem>>[vector<16xi32>, vector<16xi32>], vector<16xf32>,
          %broadcast_in_dim3A_284 = vector.broadcast %add3A_281 : i32 to vector<16xi32>
          %mul3A_285 = arith.mulf %gather3A_283, %exp3A : vector<16xf32>
          tpu.vector_store_idx %arg16[%add3A_121, %broadcast_in_dim3A_284], %mul3A_285 : memref<64x128xf32, #tpu.memory_space<vmem>>[vector<16xi32>, vector<16xi32>], vector<16xf32>,
          %add3A_286 = arith.constant 3 : i32
          %add3A_287 = arith.addi %mul3A_130, %add3A_286 : i32
          %broadcast_in_dim3A_288 = vector.broadcast %add3A_287 : i32 to vector<16xi32>
          %gather3A_289 = tpu.vector_load_idx %arg14[%add3A_121, %broadcast_in_dim3A_288] : memref<64x128xf32, #tpu.memory_space<vmem>>[vector<16xi32>, vector<16xi32>], vector<16xf32>,
          %broadcast_in_dim3A_290 = vector.broadcast %add3A_287 : i32 to vector<16xi32>
          %mul3A_291 = arith.mulf %gather3A_289, %exp3A : vector<16xf32>
          tpu.vector_store_idx %arg16[%add3A_121, %broadcast_in_dim3A_290], %mul3A_291 : memref<64x128xf32, #tpu.memory_space<vmem>>[vector<16xi32>, vector<16xi32>], vector<16xf32>,
          %add3A_292 = arith.constant 4 : i32
          %add3A_293 = arith.addi %mul3A_130, %add3A_292 : i32
          %broadcast_in_dim3A_294 = vector.broadcast %add3A_293 : i32 to vector<16xi32>
          %gather3A_295 = tpu.vector_load_idx %arg14[%add3A_121, %broadcast_in_dim3A_294] : memref<64x128xf32, #tpu.memory_space<vmem>>[vector<16xi32>, vector<16xi32>], vector<16xf32>,
          %broadcast_in_dim3A_296 = vector.broadcast %add3A_293 : i32 to vector<16xi32>
          %mul3A_297 = arith.mulf %gather3A_295, %exp3A : vector<16xf32>
          tpu.vector_store_idx %arg16[%add3A_121, %broadcast_in_dim3A_296], %mul3A_297 : memref<64x128xf32, #tpu.memory_space<vmem>>[vector<16xi32>, vector<16xi32>], vector<16xf32>,
          %add3A_298 = arith.constant 5 : i32
          %add3A_299 = arith.addi %mul3A_130, %add3A_298 : i32
          %broadcast_in_dim3A_300 = vector.broadcast %add3A_299 : i32 to vector<16xi32>
          %gather3A_301 = tpu.vector_load_idx %arg14[%add3A_121, %broadcast_in_dim3A_300] : memref<64x128xf32, #tpu.memory_space<vmem>>[vector<16xi32>, vector<16xi32>], vector<16xf32>,
          %broadcast_in_dim3A_302 = vector.broadcast %add3A_299 : i32 to vector<16xi32>
          %mul3A_303 = arith.mulf %gather3A_301, %exp3A : vector<16xf32>
          tpu.vector_store_idx %arg16[%add3A_121, %broadcast_in_dim3A_302], %mul3A_303 : memref<64x128xf32, #tpu.memory_space<vmem>>[vector<16xi32>, vector<16xi32>], vector<16xf32>,
          %add3A_304 = arith.constant 6 : i32
          %add3A_305 = arith.addi %mul3A_130, %add3A_304 : i32
          %broadcast_in_dim3A_306 = vector.broadcast %add3A_305 : i32 to vector<16xi32>
          %gather3A_307 = tpu.vector_load_idx %arg14[%add3A_121, %broadcast_in_dim3A_306] : memref<64x128xf32, #tpu.memory_space<vmem>>[vector<16xi32>, vector<16xi32>], vector<16xf32>,
          %broadcast_in_dim3A_308 = vector.broadcast %add3A_305 : i32 to vector<16xi32>
          %mul3A_309 = arith.mulf %gather3A_307, %exp3A : vector<16xf32>
          tpu.vector_store_idx %arg16[%add3A_121, %broadcast_in_dim3A_308], %mul3A_309 : memref<64x128xf32, #tpu.memory_space<vmem>>[vector<16xi32>, vector<16xi32>], vector<16xf32>,
          %add3A_310 = arith.constant 7 : i32
          %add3A_311 = arith.addi %mul3A_130, %add3A_310 : i32
          %broadcast_in_dim3A_312 = vector.broadcast %add3A_311 : i32 to vector<16xi32>
          %gather3A_313 = tpu.vector_load_idx %arg14[%add3A_121, %broadcast_in_dim3A_312] : memref<64x128xf32, #tpu.memory_space<vmem>>[vector<16xi32>, vector<16xi32>], vector<16xf32>,
          %broadcast_in_dim3A_314 = vector.broadcast %add3A_311 : i32 to vector<16xi32>
          %mul3A_315 = arith.mulf %gather3A_313, %exp3A : vector<16xf32>
          tpu.vector_store_idx %arg16[%add3A_121, %broadcast_in_dim3A_314], %mul3A_315 : memref<64x128xf32, #tpu.memory_space<vmem>>[vector<16xi32>, vector<16xi32>], vector<16xf32>,
          %add3A_316 = arith.constant 8 : i32
          %add3A_317 = arith.addi %mul3A_130, %add3A_316 : i32
          %broadcast_in_dim3A_318 = vector.broadcast %add3A_317 : i32 to vector<16xi32>
          %gather3A_319 = tpu.vector_load_idx %arg14[%add3A_121, %broadcast_in_dim3A_318] : memref<64x128xf32, #tpu.memory_space<vmem>>[vector<16xi32>, vector<16xi32>], vector<16xf32>,
          %broadcast_in_dim3A_320 = vector.broadcast %add3A_317 : i32 to vector<16xi32>
          %mul3A_321 = arith.mulf %gather3A_319, %exp3A : vector<16xf32>
          tpu.vector_store_idx %arg16[%add3A_121, %broadcast_in_dim3A_320], %mul3A_321 : memref<64x128xf32, #tpu.memory_space<vmem>>[vector<16xi32>, vector<16xi32>], vector<16xf32>,
          %add3A_322 = arith.constant 9 : i32
          %add3A_323 = arith.addi %mul3A_130, %add3A_322 : i32
          %broadcast_in_dim3A_324 = vector.broadcast %add3A_323 : i32 to vector<16xi32>
          %gather3A_325 = tpu.vector_load_idx %arg14[%add3A_121, %broadcast_in_dim3A_324] : memref<64x128xf32, #tpu.memory_space<vmem>>[vector<16xi32>, vector<16xi32>], vector<16xf32>,
          %broadcast_in_dim3A_326 = vector.broadcast %add3A_323 : i32 to vector<16xi32>
          %mul3A_327 = arith.mulf %gather3A_325, %exp3A : vector<16xf32>
          tpu.vector_store_idx %arg16[%add3A_121, %broadcast_in_dim3A_326], %mul3A_327 : memref<64x128xf32, #tpu.memory_space<vmem>>[vector<16xi32>, vector<16xi32>], vector<16xf32>,
          %add3A_328 = arith.constant 10 : i32
          %add3A_329 = arith.addi %mul3A_130, %add3A_328 : i32
          %broadcast_in_dim3A_330 = vector.broadcast %add3A_329 : i32 to vector<16xi32>
          %gather3A_331 = tpu.vector_load_idx %arg14[%add3A_121, %broadcast_in_dim3A_330] : memref<64x128xf32, #tpu.memory_space<vmem>>[vector<16xi32>, vector<16xi32>], vector<16xf32>,
          %broadcast_in_dim3A_332 = vector.broadcast %add3A_329 : i32 to vector<16xi32>
          %mul3A_333 = arith.mulf %gather3A_331, %exp3A : vector<16xf32>
          tpu.vector_store_idx %arg16[%add3A_121, %broadcast_in_dim3A_332], %mul3A_333 : memref<64x128xf32, #tpu.memory_space<vmem>>[vector<16xi32>, vector<16xi32>], vector<16xf32>,
          %add3A_334 = arith.constant 11 : i32
          %add3A_335 = arith.addi %mul3A_130, %add3A_334 : i32
          %broadcast_in_dim3A_336 = vector.broadcast %add3A_335 : i32 to vector<16xi32>
          %gather3A_337 = tpu.vector_load_idx %arg14[%add3A_121, %broadcast_in_dim3A_336] : memref<64x128xf32, #tpu.memory_space<vmem>>[vector<16xi32>, vector<16xi32>], vector<16xf32>,
          %broadcast_in_dim3A_338 = vector.broadcast %add3A_335 : i32 to vector<16xi32>
          %mul3A_339 = arith.mulf %gather3A_337, %exp3A : vector<16xf32>
          tpu.vector_store_idx %arg16[%add3A_121, %broadcast_in_dim3A_338], %mul3A_339 : memref<64x128xf32, #tpu.memory_space<vmem>>[vector<16xi32>, vector<16xi32>], vector<16xf32>,
          %add3A_340 = arith.constant 12 : i32
          %add3A_341 = arith.addi %mul3A_130, %add3A_340 : i32
          %broadcast_in_dim3A_342 = vector.broadcast %add3A_341 : i32 to vector<16xi32>
          %gather3A_343 = tpu.vector_load_idx %arg14[%add3A_121, %broadcast_in_dim3A_342] : memref<64x128xf32, #tpu.memory_space<vmem>>[vector<16xi32>, vector<16xi32>], vector<16xf32>,
          %broadcast_in_dim3A_344 = vector.broadcast %add3A_341 : i32 to vector<16xi32>
          %mul3A_345 = arith.mulf %gather3A_343, %exp3A : vector<16xf32>
          tpu.vector_store_idx %arg16[%add3A_121, %broadcast_in_dim3A_344], %mul3A_345 : memref<64x128xf32, #tpu.memory_space<vmem>>[vector<16xi32>, vector<16xi32>], vector<16xf32>,
          %add3A_346 = arith.constant 13 : i32
          %add3A_347 = arith.addi %mul3A_130, %add3A_346 : i32
          %broadcast_in_dim3A_348 = vector.broadcast %add3A_347 : i32 to vector<16xi32>
          %gather3A_349 = tpu.vector_load_idx %arg14[%add3A_121, %broadcast_in_dim3A_348] : memref<64x128xf32, #tpu.memory_space<vmem>>[vector<16xi32>, vector<16xi32>], vector<16xf32>,
          %broadcast_in_dim3A_350 = vector.broadcast %add3A_347 : i32 to vector<16xi32>
          %mul3A_351 = arith.mulf %gather3A_349, %exp3A : vector<16xf32>
          tpu.vector_store_idx %arg16[%add3A_121, %broadcast_in_dim3A_350], %mul3A_351 : memref<64x128xf32, #tpu.memory_space<vmem>>[vector<16xi32>, vector<16xi32>], vector<16xf32>,
          %add3A_352 = arith.constant 14 : i32
          %add3A_353 = arith.addi %mul3A_130, %add3A_352 : i32
          %broadcast_in_dim3A_354 = vector.broadcast %add3A_353 : i32 to vector<16xi32>
          %gather3A_355 = tpu.vector_load_idx %arg14[%add3A_121, %broadcast_in_dim3A_354] : memref<64x128xf32, #tpu.memory_space<vmem>>[vector<16xi32>, vector<16xi32>], vector<16xf32>,
          %broadcast_in_dim3A_356 = vector.broadcast %add3A_353 : i32 to vector<16xi32>
          %mul3A_357 = arith.mulf %gather3A_355, %exp3A : vector<16xf32>
          tpu.vector_store_idx %arg16[%add3A_121, %broadcast_in_dim3A_356], %mul3A_357 : memref<64x128xf32, #tpu.memory_space<vmem>>[vector<16xi32>, vector<16xi32>], vector<16xf32>,
          %add3A_358 = arith.constant 15 : i32
          %add3A_359 = arith.addi %mul3A_130, %add3A_358 : i32
          %broadcast_in_dim3A_360 = vector.broadcast %add3A_359 : i32 to vector<16xi32>
          %gather3A_361 = tpu.vector_load_idx %arg14[%add3A_121, %broadcast_in_dim3A_360] : memref<64x128xf32, #tpu.memory_space<vmem>>[vector<16xi32>, vector<16xi32>], vector<16xf32>,
          %broadcast_in_dim3A_362 = vector.broadcast %add3A_359 : i32 to vector<16xi32>
          %mul3A_363 = arith.mulf %gather3A_361, %exp3A : vector<16xf32>
          tpu.vector_store_idx %arg16[%add3A_121, %broadcast_in_dim3A_362], %mul3A_363 : memref<64x128xf32, #tpu.memory_space<vmem>>[vector<16xi32>, vector<16xi32>], vector<16xf32>,
        }
        %scan3A_127 = arith.constant 8 : i32
      }
      %scan3A_116 = arith.constant 4 : i32
      "tpu.region"() ({
        %run_scoped3A = tpu.sem_alloc : memref<!tpu.dma_semaphore, #tpu.memory_space<semaphore_mem>>
        %dma_start3A_117 = arith.constant 0 : i32
        %dma_start3A_118 = arith.constant 0 : i32
        %dma_start3A_119 = tpu.memref_slice %arg18[%dma_start3A_117, %dma_start3A_118] : memref<10000x128xf32, #tpu.memory_space<vmem_shared>> -> memref<10000x128xf32, #tpu.memory_space<vmem_shared>>
        tpu.enqueue_indirect_dma source(%arg16 : memref<64x128xf32, #tpu.memory_space<vmem>>) target(%dma_start3A_119 : memref<10000x128xf32, #tpu.memory_space<vmem_shared>>) offsets(%arg11 : memref<64xi32, #tpu.memory_space<vmem>>) semaphore(%run_scoped3A : memref<!tpu.dma_semaphore, #tpu.memory_space<semaphore_mem>>) {add = true}
        %dma_wait3A_120 = arith.constant 0 : i32
        %dma_wait3A_121 = arith.constant 0 : i32
        %dma_wait3A_122 = tpu.memref_slice %arg18[%dma_wait3A_120, %dma_wait3A_121] : memref<10000x128xf32, #tpu.memory_space<vmem_shared>> -> memref<10000x128xf32, #tpu.memory_space<vmem_shared>>
        tpu.wait_indirect_dma semaphore(%run_scoped3A : memref<!tpu.dma_semaphore, #tpu.memory_space<semaphore_mem>>) src(%arg16 : memref<64x128xf32, #tpu.memory_space<vmem>>) dst(%dma_wait3A_122 : memref<10000x128xf32, #tpu.memory_space<vmem_shared>>)
        tpu.yield
      }) : () -> ()
    }
    %while3A_71 = arith.constant 1 : i32
    scf.for %while3A_83 = %while3A_69 to %while3A_65 step %while3A_71  : i32 {
      %mul3A_84 = arith.constant 32 : i32
      %mul3A_85 = arith.muli %while3A_83, %mul3A_84 : i32
      %add3A_86 = arith.addi %add3A, %mul3A_85 : i32
      %mul3A_87 = arith.constant 64 : i32
      %mul3A_88 = arith.muli %add3A_86, %mul3A_87 : i32
      "tpu.region"() ({
        %run_scoped3A = tpu.sem_alloc : memref<!tpu.dma_semaphore, #tpu.memory_space<semaphore_mem>>
        %dma_start3A_117 = tpu.memref_slice %arg5[%mul3A_88] : memref<320000xi32, #tpu.memory_space<hbm>> -> memref<64xi32, #tpu.memory_space<hbm>>
        %dma_start3A_118 = tpu.memref_slice %arg5[%mul3A_88] : memref<320000xi32, #tpu.memory_space<hbm>> -> memref<64xi32, #tpu.memory_space<hbm>>
        tpu.enqueue_dma source(%dma_start3A_118 : memref<64xi32, #tpu.memory_space<hbm>>) target(%arg10 : memref<64xi32, #tpu.memory_space<vmem>>) target_semaphore(%run_scoped3A : memref<!tpu.dma_semaphore, #tpu.memory_space<semaphore_mem>>)
        %dma_wait3A_119 = tpu.memref_slice %arg5[%mul3A_88] : memref<320000xi32, #tpu.memory_space<hbm>> -> memref<64xi32, #tpu.memory_space<hbm>>
        %dma_wait3A_120 = tpu.memref_slice %arg5[%mul3A_88] : memref<320000xi32, #tpu.memory_space<hbm>> -> memref<64xi32, #tpu.memory_space<hbm>>
        tpu.wait_dma2 semaphore(%run_scoped3A : memref<!tpu.dma_semaphore, #tpu.memory_space<semaphore_mem>>) src(%dma_wait3A_120 : memref<64xi32, #tpu.memory_space<hbm>>) dst(%arg10 : memref<64xi32, #tpu.memory_space<vmem>>)
        tpu.yield
      }) : () -> ()
      "tpu.region"() ({
        %run_scoped3A = tpu.sem_alloc : memref<!tpu.dma_semaphore, #tpu.memory_space<semaphore_mem>>
        %dma_start3A_117 = tpu.memref_slice %arg6[%mul3A_88] : memref<320000xi32, #tpu.memory_space<hbm>> -> memref<64xi32, #tpu.memory_space<hbm>>
        %dma_start3A_118 = tpu.memref_slice %arg6[%mul3A_88] : memref<320000xi32, #tpu.memory_space<hbm>> -> memref<64xi32, #tpu.memory_space<hbm>>
        tpu.enqueue_dma source(%dma_start3A_118 : memref<64xi32, #tpu.memory_space<hbm>>) target(%arg11 : memref<64xi32, #tpu.memory_space<vmem>>) target_semaphore(%run_scoped3A : memref<!tpu.dma_semaphore, #tpu.memory_space<semaphore_mem>>)
        %dma_wait3A_119 = tpu.memref_slice %arg6[%mul3A_88] : memref<320000xi32, #tpu.memory_space<hbm>> -> memref<64xi32, #tpu.memory_space<hbm>>
        %dma_wait3A_120 = tpu.memref_slice %arg6[%mul3A_88] : memref<320000xi32, #tpu.memory_space<hbm>> -> memref<64xi32, #tpu.memory_space<hbm>>
        tpu.wait_dma2 semaphore(%run_scoped3A : memref<!tpu.dma_semaphore, #tpu.memory_space<semaphore_mem>>) src(%dma_wait3A_120 : memref<64xi32, #tpu.memory_space<hbm>>) dst(%arg11 : memref<64xi32, #tpu.memory_space<vmem>>)
        tpu.yield
      }) : () -> ()
      %dma_start3A = arith.constant 0 : i32
      %dma_start3A_89 = arith.constant 0 : i32
      %dma_start3A_90 = tpu.memref_slice %arg2[%dma_start3A, %dma_start3A_89] : memref<10000x128xf32, #tpu.memory_space<hbm>> -> memref<10000x128xf32, #tpu.memory_space<hbm>>
      tpu.enqueue_indirect_dma source(%dma_start3A_90 : memref<10000x128xf32, #tpu.memory_space<hbm>>) target(%arg12 : memref<64x128xf32, #tpu.memory_space<vmem>>) offsets(%arg11 : memref<64xi32, #tpu.memory_space<vmem>>) semaphore(%arg19 : memref<!tpu.dma_semaphore, #tpu.memory_space<semaphore_mem>>)
      %dma_start3A_91 = arith.constant 0 : i32
      %dma_start3A_92 = arith.constant 0 : i32
      %dma_start3A_93 = tpu.memref_slice %arg3[%dma_start3A_91, %dma_start3A_92] : memref<10000x128xf32, #tpu.memory_space<hbm>> -> memref<10000x128xf32, #tpu.memory_space<hbm>>
      tpu.enqueue_indirect_dma source(%dma_start3A_93 : memref<10000x128xf32, #tpu.memory_space<hbm>>) target(%arg13 : memref<64x128xf32, #tpu.memory_space<vmem>>) offsets(%arg10 : memref<64xi32, #tpu.memory_space<vmem>>) semaphore(%arg20 : memref<!tpu.dma_semaphore, #tpu.memory_space<semaphore_mem>>)
      %dma_start3A_94 = arith.constant 0 : i32
      %dma_start3A_95 = arith.constant 0 : i32
      %dma_start3A_96 = tpu.memref_slice %arg4[%dma_start3A_94, %dma_start3A_95] : memref<10000x128xf32, #tpu.memory_space<hbm>> -> memref<10000x128xf32, #tpu.memory_space<hbm>>
      tpu.enqueue_indirect_dma source(%dma_start3A_96 : memref<10000x128xf32, #tpu.memory_space<hbm>>) target(%arg14 : memref<64x128xf32, #tpu.memory_space<vmem>>) offsets(%arg10 : memref<64xi32, #tpu.memory_space<vmem>>) semaphore(%arg21 : memref<!tpu.dma_semaphore, #tpu.memory_space<semaphore_mem>>)
      %mul3A_97 = arith.constant 32 : i32
      %mul3A_98 = arith.muli %while3A_83, %mul3A_97 : i32
      %add3A_99 = arith.addi %add3A, %mul3A_98 : i32
      %mul3A_100 = arith.constant 8 : i32
      %mul3A_101 = arith.muli %add3A_99, %mul3A_100 : i32
      %mul3A_102 = arith.constant 64 : i32
      %mul3A_103 = arith.muli %mul3A_101, %mul3A_102 : i32
      "tpu.region"() ({
        %run_scoped3A = tpu.sem_alloc : memref<!tpu.dma_semaphore, #tpu.memory_space<semaphore_mem>>
        %dma_start3A_117 = tpu.memref_slice %arg7[%mul3A_103] : memref<2560000xf32, #tpu.memory_space<hbm>> -> memref<512xf32, #tpu.memory_space<hbm>>
        %dma_start3A_118 = tpu.memref_slice %arg7[%mul3A_103] : memref<2560000xf32, #tpu.memory_space<hbm>> -> memref<512xf32, #tpu.memory_space<hbm>>
        tpu.enqueue_dma source(%dma_start3A_118 : memref<512xf32, #tpu.memory_space<hbm>>) target(%arg15 : memref<512xf32, #tpu.memory_space<vmem>>) target_semaphore(%run_scoped3A : memref<!tpu.dma_semaphore, #tpu.memory_space<semaphore_mem>>)
        %dma_wait3A_119 = tpu.memref_slice %arg7[%mul3A_103] : memref<2560000xf32, #tpu.memory_space<hbm>> -> memref<512xf32, #tpu.memory_space<hbm>>
        %dma_wait3A_120 = tpu.memref_slice %arg7[%mul3A_103] : memref<2560000xf32, #tpu.memory_space<hbm>> -> memref<512xf32, #tpu.memory_space<hbm>>
        tpu.wait_dma2 semaphore(%run_scoped3A : memref<!tpu.dma_semaphore, #tpu.memory_space<semaphore_mem>>) src(%dma_wait3A_120 : memref<512xf32, #tpu.memory_space<hbm>>) dst(%arg15 : memref<512xf32, #tpu.memory_space<vmem>>)
        tpu.yield
      }) : () -> ()
      %dma_wait3A = arith.constant 0 : i32
      %dma_wait3A_104 = arith.constant 0 : i32
      %dma_wait3A_105 = tpu.memref_slice %arg2[%dma_wait3A, %dma_wait3A_104] : memref<10000x128xf32, #tpu.memory_space<hbm>> -> memref<10000x128xf32, #tpu.memory_space<hbm>>
      tpu.wait_indirect_dma semaphore(%arg19 : memref<!tpu.dma_semaphore, #tpu.memory_space<semaphore_mem>>) src(%dma_wait3A_105 : memref<10000x128xf32, #tpu.memory_space<hbm>>) dst(%arg12 : memref<64x128xf32, #tpu.memory_space<vmem>>)
      %dma_wait3A_106 = arith.constant 0 : i32
      %dma_wait3A_107 = arith.constant 0 : i32
      %dma_wait3A_108 = tpu.memref_slice %arg3[%dma_wait3A_106, %dma_wait3A_107] : memref<10000x128xf32, #tpu.memory_space<hbm>> -> memref<10000x128xf32, #tpu.memory_space<hbm>>
      tpu.wait_indirect_dma semaphore(%arg20 : memref<!tpu.dma_semaphore, #tpu.memory_space<semaphore_mem>>) src(%dma_wait3A_108 : memref<10000x128xf32, #tpu.memory_space<hbm>>) dst(%arg13 : memref<64x128xf32, #tpu.memory_space<vmem>>)
      %dma_wait3A_109 = arith.constant 0 : i32
      %dma_wait3A_110 = arith.constant 0 : i32
      %dma_wait3A_111 = tpu.memref_slice %arg4[%dma_wait3A_109, %dma_wait3A_110] : memref<10000x128xf32, #tpu.memory_space<hbm>> -> memref<10000x128xf32, #tpu.memory_space<hbm>>
      tpu.wait_indirect_dma semaphore(%arg21 : memref<!tpu.dma_semaphore, #tpu.memory_space<semaphore_mem>>) src(%dma_wait3A_111 : memref<10000x128xf32, #tpu.memory_space<hbm>>) dst(%arg14 : memref<64x128xf32, #tpu.memory_space<vmem>>)
      %scan3A = arith.constant 0 : i32
      %scan3A_112 = arith.constant 0 : i32
      %scan3A_113 = arith.constant 4 : i32
      %scan3A_114 = arith.addi %scan3A_112, %scan3A_113 : i32
      %scan3A_115 = arith.constant 1 : i32
      scf.for %scan3A_117 = %scan3A_112 to %scan3A_114 step %scan3A_115  : i32 {
        %mul3A_118 = arith.constant 16 : i32
        %mul3A_119 = arith.muli %scan3A_117, %mul3A_118 : i32
        %add3A_120 = vector.broadcast %mul3A_119 : i32 to vector<16xi32>
        %add3A_121 = arith.addi %iota3A, %add3A_120 : vector<16xi32>
        %scan3A_122 = arith.constant 0 : i32
        %scan3A_123 = arith.constant 0 : i32
        %scan3A_124 = arith.constant 8 : i32
        %scan3A_125 = arith.addi %scan3A_123, %scan3A_124 : i32
        %scan3A_126 = arith.constant 1 : i32
        scf.for %scan3A_128 = %scan3A_123 to %scan3A_125 step %scan3A_126  : i32 {
          %mul3A_129 = arith.constant 16 : i32
          %mul3A_130 = arith.muli %scan3A_128, %mul3A_129 : i32
          %broadcast_in_dim3A = arith.constant 0.000000e+00 : f32
          %broadcast_in_dim3A_131 = vector.broadcast %broadcast_in_dim3A : f32 to vector<16xf32>
          %add3A_132 = arith.constant 0 : i32
          %add3A_133 = arith.addi %mul3A_130, %add3A_132 : i32
          %broadcast_in_dim3A_134 = vector.broadcast %add3A_133 : i32 to vector<16xi32>
          %gather3A = tpu.vector_load_idx %arg12[%add3A_121, %broadcast_in_dim3A_134] : memref<64x128xf32, #tpu.memory_space<vmem>>[vector<16xi32>, vector<16xi32>], vector<16xf32>,
          %broadcast_in_dim3A_135 = vector.broadcast %add3A_133 : i32 to vector<16xi32>
          %gather3A_136 = tpu.vector_load_idx %arg13[%add3A_121, %broadcast_in_dim3A_135] : memref<64x128xf32, #tpu.memory_space<vmem>>[vector<16xi32>, vector<16xi32>], vector<16xf32>,
          %mul3A_137 = arith.mulf %gather3A, %gather3A_136 : vector<16xf32>
          %add3A_138 = arith.addf %broadcast_in_dim3A_131, %mul3A_137 : vector<16xf32>
          %add3A_139 = arith.constant 1 : i32
          %add3A_140 = arith.addi %mul3A_130, %add3A_139 : i32
          %broadcast_in_dim3A_141 = vector.broadcast %add3A_140 : i32 to vector<16xi32>
          %gather3A_142 = tpu.vector_load_idx %arg12[%add3A_121, %broadcast_in_dim3A_141] : memref<64x128xf32, #tpu.memory_space<vmem>>[vector<16xi32>, vector<16xi32>], vector<16xf32>,
          %broadcast_in_dim3A_143 = vector.broadcast %add3A_140 : i32 to vector<16xi32>
          %gather3A_144 = tpu.vector_load_idx %arg13[%add3A_121, %broadcast_in_dim3A_143] : memref<64x128xf32, #tpu.memory_space<vmem>>[vector<16xi32>, vector<16xi32>], vector<16xf32>,
          %mul3A_145 = arith.mulf %gather3A_142, %gather3A_144 : vector<16xf32>
          %add3A_146 = arith.addf %add3A_138, %mul3A_145 : vector<16xf32>
          %add3A_147 = arith.constant 2 : i32
          %add3A_148 = arith.addi %mul3A_130, %add3A_147 : i32
          %broadcast_in_dim3A_149 = vector.broadcast %add3A_148 : i32 to vector<16xi32>
          %gather3A_150 = tpu.vector_load_idx %arg12[%add3A_121, %broadcast_in_dim3A_149] : memref<64x128xf32, #tpu.memory_space<vmem>>[vector<16xi32>, vector<16xi32>], vector<16xf32>,
          %broadcast_in_dim3A_151 = vector.broadcast %add3A_148 : i32 to vector<16xi32>
          %gather3A_152 = tpu.vector_load_idx %arg13[%add3A_121, %broadcast_in_dim3A_151] : memref<64x128xf32, #tpu.memory_space<vmem>>[vector<16xi32>, vector<16xi32>], vector<16xf32>,
          %mul3A_153 = arith.mulf %gather3A_150, %gather3A_152 : vector<16xf32>
          %add3A_154 = arith.addf %add3A_146, %mul3A_153 : vector<16xf32>
          %add3A_155 = arith.constant 3 : i32
          %add3A_156 = arith.addi %mul3A_130, %add3A_155 : i32
          %broadcast_in_dim3A_157 = vector.broadcast %add3A_156 : i32 to vector<16xi32>
          %gather3A_158 = tpu.vector_load_idx %arg12[%add3A_121, %broadcast_in_dim3A_157] : memref<64x128xf32, #tpu.memory_space<vmem>>[vector<16xi32>, vector<16xi32>], vector<16xf32>,
          %broadcast_in_dim3A_159 = vector.broadcast %add3A_156 : i32 to vector<16xi32>
          %gather3A_160 = tpu.vector_load_idx %arg13[%add3A_121, %broadcast_in_dim3A_159] : memref<64x128xf32, #tpu.memory_space<vmem>>[vector<16xi32>, vector<16xi32>], vector<16xf32>,
          %mul3A_161 = arith.mulf %gather3A_158, %gather3A_160 : vector<16xf32>
          %add3A_162 = arith.addf %add3A_154, %mul3A_161 : vector<16xf32>
          %add3A_163 = arith.constant 4 : i32
          %add3A_164 = arith.addi %mul3A_130, %add3A_163 : i32
          %broadcast_in_dim3A_165 = vector.broadcast %add3A_164 : i32 to vector<16xi32>
          %gather3A_166 = tpu.vector_load_idx %arg12[%add3A_121, %broadcast_in_dim3A_165] : memref<64x128xf32, #tpu.memory_space<vmem>>[vector<16xi32>, vector<16xi32>], vector<16xf32>,
          %broadcast_in_dim3A_167 = vector.broadcast %add3A_164 : i32 to vector<16xi32>
          %gather3A_168 = tpu.vector_load_idx %arg13[%add3A_121, %broadcast_in_dim3A_167] : memref<64x128xf32, #tpu.memory_space<vmem>>[vector<16xi32>, vector<16xi32>], vector<16xf32>,
          %mul3A_169 = arith.mulf %gather3A_166, %gather3A_168 : vector<16xf32>
          %add3A_170 = arith.addf %add3A_162, %mul3A_169 : vector<16xf32>
          %add3A_171 = arith.constant 5 : i32
          %add3A_172 = arith.addi %mul3A_130, %add3A_171 : i32
          %broadcast_in_dim3A_173 = vector.broadcast %add3A_172 : i32 to vector<16xi32>
          %gather3A_174 = tpu.vector_load_idx %arg12[%add3A_121, %broadcast_in_dim3A_173] : memref<64x128xf32, #tpu.memory_space<vmem>>[vector<16xi32>, vector<16xi32>], vector<16xf32>,
          %broadcast_in_dim3A_175 = vector.broadcast %add3A_172 : i32 to vector<16xi32>
          %gather3A_176 = tpu.vector_load_idx %arg13[%add3A_121, %broadcast_in_dim3A_175] : memref<64x128xf32, #tpu.memory_space<vmem>>[vector<16xi32>, vector<16xi32>], vector<16xf32>,
          %mul3A_177 = arith.mulf %gather3A_174, %gather3A_176 : vector<16xf32>
          %add3A_178 = arith.addf %add3A_170, %mul3A_177 : vector<16xf32>
          %add3A_179 = arith.constant 6 : i32
          %add3A_180 = arith.addi %mul3A_130, %add3A_179 : i32
          %broadcast_in_dim3A_181 = vector.broadcast %add3A_180 : i32 to vector<16xi32>
          %gather3A_182 = tpu.vector_load_idx %arg12[%add3A_121, %broadcast_in_dim3A_181] : memref<64x128xf32, #tpu.memory_space<vmem>>[vector<16xi32>, vector<16xi32>], vector<16xf32>,
          %broadcast_in_dim3A_183 = vector.broadcast %add3A_180 : i32 to vector<16xi32>
          %gather3A_184 = tpu.vector_load_idx %arg13[%add3A_121, %broadcast_in_dim3A_183] : memref<64x128xf32, #tpu.memory_space<vmem>>[vector<16xi32>, vector<16xi32>], vector<16xf32>,
          %mul3A_185 = arith.mulf %gather3A_182, %gather3A_184 : vector<16xf32>
          %add3A_186 = arith.addf %add3A_178, %mul3A_185 : vector<16xf32>
          %add3A_187 = arith.constant 7 : i32
          %add3A_188 = arith.addi %mul3A_130, %add3A_187 : i32
          %broadcast_in_dim3A_189 = vector.broadcast %add3A_188 : i32 to vector<16xi32>
          %gather3A_190 = tpu.vector_load_idx %arg12[%add3A_121, %broadcast_in_dim3A_189] : memref<64x128xf32, #tpu.memory_space<vmem>>[vector<16xi32>, vector<16xi32>], vector<16xf32>,
          %broadcast_in_dim3A_191 = vector.broadcast %add3A_188 : i32 to vector<16xi32>
          %gather3A_192 = tpu.vector_load_idx %arg13[%add3A_121, %broadcast_in_dim3A_191] : memref<64x128xf32, #tpu.memory_space<vmem>>[vector<16xi32>, vector<16xi32>], vector<16xf32>,
          %mul3A_193 = arith.mulf %gather3A_190, %gather3A_192 : vector<16xf32>
          %add3A_194 = arith.addf %add3A_186, %mul3A_193 : vector<16xf32>
          %add3A_195 = arith.constant 8 : i32
          %add3A_196 = arith.addi %mul3A_130, %add3A_195 : i32
          %broadcast_in_dim3A_197 = vector.broadcast %add3A_196 : i32 to vector<16xi32>
          %gather3A_198 = tpu.vector_load_idx %arg12[%add3A_121, %broadcast_in_dim3A_197] : memref<64x128xf32, #tpu.memory_space<vmem>>[vector<16xi32>, vector<16xi32>], vector<16xf32>,
          %broadcast_in_dim3A_199 = vector.broadcast %add3A_196 : i32 to vector<16xi32>
          %gather3A_200 = tpu.vector_load_idx %arg13[%add3A_121, %broadcast_in_dim3A_199] : memref<64x128xf32, #tpu.memory_space<vmem>>[vector<16xi32>, vector<16xi32>], vector<16xf32>,
          %mul3A_201 = arith.mulf %gather3A_198, %gather3A_200 : vector<16xf32>
          %add3A_202 = arith.addf %add3A_194, %mul3A_201 : vector<16xf32>
          %add3A_203 = arith.constant 9 : i32
          %add3A_204 = arith.addi %mul3A_130, %add3A_203 : i32
          %broadcast_in_dim3A_205 = vector.broadcast %add3A_204 : i32 to vector<16xi32>
          %gather3A_206 = tpu.vector_load_idx %arg12[%add3A_121, %broadcast_in_dim3A_205] : memref<64x128xf32, #tpu.memory_space<vmem>>[vector<16xi32>, vector<16xi32>], vector<16xf32>,
          %broadcast_in_dim3A_207 = vector.broadcast %add3A_204 : i32 to vector<16xi32>
          %gather3A_208 = tpu.vector_load_idx %arg13[%add3A_121, %broadcast_in_dim3A_207] : memref<64x128xf32, #tpu.memory_space<vmem>>[vector<16xi32>, vector<16xi32>], vector<16xf32>,
          %mul3A_209 = arith.mulf %gather3A_206, %gather3A_208 : vector<16xf32>
          %add3A_210 = arith.addf %add3A_202, %mul3A_209 : vector<16xf32>
          %add3A_211 = arith.constant 10 : i32
          %add3A_212 = arith.addi %mul3A_130, %add3A_211 : i32
          %broadcast_in_dim3A_213 = vector.broadcast %add3A_212 : i32 to vector<16xi32>
          %gather3A_214 = tpu.vector_load_idx %arg12[%add3A_121, %broadcast_in_dim3A_213] : memref<64x128xf32, #tpu.memory_space<vmem>>[vector<16xi32>, vector<16xi32>], vector<16xf32>,
          %broadcast_in_dim3A_215 = vector.broadcast %add3A_212 : i32 to vector<16xi32>
          %gather3A_216 = tpu.vector_load_idx %arg13[%add3A_121, %broadcast_in_dim3A_215] : memref<64x128xf32, #tpu.memory_space<vmem>>[vector<16xi32>, vector<16xi32>], vector<16xf32>,
          %mul3A_217 = arith.mulf %gather3A_214, %gather3A_216 : vector<16xf32>
          %add3A_218 = arith.addf %add3A_210, %mul3A_217 : vector<16xf32>
          %add3A_219 = arith.constant 11 : i32
          %add3A_220 = arith.addi %mul3A_130, %add3A_219 : i32
          %broadcast_in_dim3A_221 = vector.broadcast %add3A_220 : i32 to vector<16xi32>
          %gather3A_222 = tpu.vector_load_idx %arg12[%add3A_121, %broadcast_in_dim3A_221] : memref<64x128xf32, #tpu.memory_space<vmem>>[vector<16xi32>, vector<16xi32>], vector<16xf32>,
          %broadcast_in_dim3A_223 = vector.broadcast %add3A_220 : i32 to vector<16xi32>
          %gather3A_224 = tpu.vector_load_idx %arg13[%add3A_121, %broadcast_in_dim3A_223] : memref<64x128xf32, #tpu.memory_space<vmem>>[vector<16xi32>, vector<16xi32>], vector<16xf32>,
          %mul3A_225 = arith.mulf %gather3A_222, %gather3A_224 : vector<16xf32>
          %add3A_226 = arith.addf %add3A_218, %mul3A_225 : vector<16xf32>
          %add3A_227 = arith.constant 12 : i32
          %add3A_228 = arith.addi %mul3A_130, %add3A_227 : i32
          %broadcast_in_dim3A_229 = vector.broadcast %add3A_228 : i32 to vector<16xi32>
          %gather3A_230 = tpu.vector_load_idx %arg12[%add3A_121, %broadcast_in_dim3A_229] : memref<64x128xf32, #tpu.memory_space<vmem>>[vector<16xi32>, vector<16xi32>], vector<16xf32>,
          %broadcast_in_dim3A_231 = vector.broadcast %add3A_228 : i32 to vector<16xi32>
          %gather3A_232 = tpu.vector_load_idx %arg13[%add3A_121, %broadcast_in_dim3A_231] : memref<64x128xf32, #tpu.memory_space<vmem>>[vector<16xi32>, vector<16xi32>], vector<16xf32>,
          %mul3A_233 = arith.mulf %gather3A_230, %gather3A_232 : vector<16xf32>
          %add3A_234 = arith.addf %add3A_226, %mul3A_233 : vector<16xf32>
          %add3A_235 = arith.constant 13 : i32
          %add3A_236 = arith.addi %mul3A_130, %add3A_235 : i32
          %broadcast_in_dim3A_237 = vector.broadcast %add3A_236 : i32 to vector<16xi32>
          %gather3A_238 = tpu.vector_load_idx %arg12[%add3A_121, %broadcast_in_dim3A_237] : memref<64x128xf32, #tpu.memory_space<vmem>>[vector<16xi32>, vector<16xi32>], vector<16xf32>,
          %broadcast_in_dim3A_239 = vector.broadcast %add3A_236 : i32 to vector<16xi32>
          %gather3A_240 = tpu.vector_load_idx %arg13[%add3A_121, %broadcast_in_dim3A_239] : memref<64x128xf32, #tpu.memory_space<vmem>>[vector<16xi32>, vector<16xi32>], vector<16xf32>,
          %mul3A_241 = arith.mulf %gather3A_238, %gather3A_240 : vector<16xf32>
          %add3A_242 = arith.addf %add3A_234, %mul3A_241 : vector<16xf32>
          %add3A_243 = arith.constant 14 : i32
          %add3A_244 = arith.addi %mul3A_130, %add3A_243 : i32
          %broadcast_in_dim3A_245 = vector.broadcast %add3A_244 : i32 to vector<16xi32>
          %gather3A_246 = tpu.vector_load_idx %arg12[%add3A_121, %broadcast_in_dim3A_245] : memref<64x128xf32, #tpu.memory_space<vmem>>[vector<16xi32>, vector<16xi32>], vector<16xf32>,
          %broadcast_in_dim3A_247 = vector.broadcast %add3A_244 : i32 to vector<16xi32>
          %gather3A_248 = tpu.vector_load_idx %arg13[%add3A_121, %broadcast_in_dim3A_247] : memref<64x128xf32, #tpu.memory_space<vmem>>[vector<16xi32>, vector<16xi32>], vector<16xf32>,
          %mul3A_249 = arith.mulf %gather3A_246, %gather3A_248 : vector<16xf32>
          %add3A_250 = arith.addf %add3A_242, %mul3A_249 : vector<16xf32>
          %add3A_251 = arith.constant 15 : i32
          %add3A_252 = arith.addi %mul3A_130, %add3A_251 : i32
          %broadcast_in_dim3A_253 = vector.broadcast %add3A_252 : i32 to vector<16xi32>
          %gather3A_254 = tpu.vector_load_idx %arg12[%add3A_121, %broadcast_in_dim3A_253] : memref<64x128xf32, #tpu.memory_space<vmem>>[vector<16xi32>, vector<16xi32>], vector<16xf32>,
          %broadcast_in_dim3A_255 = vector.broadcast %add3A_252 : i32 to vector<16xi32>
          %gather3A_256 = tpu.vector_load_idx %arg13[%add3A_121, %broadcast_in_dim3A_255] : memref<64x128xf32, #tpu.memory_space<vmem>>[vector<16xi32>, vector<16xi32>], vector<16xf32>,
          %mul3A_257 = arith.mulf %gather3A_254, %gather3A_256 : vector<16xf32>
          %add3A_258 = arith.addf %add3A_250, %mul3A_257 : vector<16xf32>
          %mul3A_259 = arith.constant 64 : i32
          %mul3A_260 = arith.muli %scan3A_128, %mul3A_259 : i32
          %add3A_261 = vector.broadcast %mul3A_260 : i32 to vector<16xi32>
          %add3A_262 = arith.addi %add3A_261, %add3A_121 : vector<16xi32>
          %gather3A_263 = tpu.vector_load_idx %arg15[%add3A_262] : memref<512xf32, #tpu.memory_space<vmem>>[vector<16xi32>], vector<16xf32>,
          %mul3A_264 = arith.constant 2.500000e-01 : f32
          %mul3A_265 = vector.broadcast %mul3A_264 : f32 to vector<16xf32>
          %mul3A_266 = arith.mulf %add3A_258, %mul3A_265 : vector<16xf32>
          %add3A_267 = arith.addf %mul3A_266, %gather3A_263 : vector<16xf32>
          %exp3A = math.exp %add3A_267 : vector<16xf32>
          %add3A_268 = arith.constant 0 : i32
          %add3A_269 = arith.addi %mul3A_130, %add3A_268 : i32
          %broadcast_in_dim3A_270 = vector.broadcast %add3A_269 : i32 to vector<16xi32>
          %gather3A_271 = tpu.vector_load_idx %arg14[%add3A_121, %broadcast_in_dim3A_270] : memref<64x128xf32, #tpu.memory_space<vmem>>[vector<16xi32>, vector<16xi32>], vector<16xf32>,
          %broadcast_in_dim3A_272 = vector.broadcast %add3A_269 : i32 to vector<16xi32>
          %mul3A_273 = arith.mulf %gather3A_271, %exp3A : vector<16xf32>
          tpu.vector_store_idx %arg16[%add3A_121, %broadcast_in_dim3A_272], %mul3A_273 : memref<64x128xf32, #tpu.memory_space<vmem>>[vector<16xi32>, vector<16xi32>], vector<16xf32>,
          %add3A_274 = arith.constant 1 : i32
          %add3A_275 = arith.addi %mul3A_130, %add3A_274 : i32
          %broadcast_in_dim3A_276 = vector.broadcast %add3A_275 : i32 to vector<16xi32>
          %gather3A_277 = tpu.vector_load_idx %arg14[%add3A_121, %broadcast_in_dim3A_276] : memref<64x128xf32, #tpu.memory_space<vmem>>[vector<16xi32>, vector<16xi32>], vector<16xf32>,
          %broadcast_in_dim3A_278 = vector.broadcast %add3A_275 : i32 to vector<16xi32>
          %mul3A_279 = arith.mulf %gather3A_277, %exp3A : vector<16xf32>
          tpu.vector_store_idx %arg16[%add3A_121, %broadcast_in_dim3A_278], %mul3A_279 : memref<64x128xf32, #tpu.memory_space<vmem>>[vector<16xi32>, vector<16xi32>], vector<16xf32>,
          %add3A_280 = arith.constant 2 : i32
          %add3A_281 = arith.addi %mul3A_130, %add3A_280 : i32
          %broadcast_in_dim3A_282 = vector.broadcast %add3A_281 : i32 to vector<16xi32>
          %gather3A_283 = tpu.vector_load_idx %arg14[%add3A_121, %broadcast_in_dim3A_282] : memref<64x128xf32, #tpu.memory_space<vmem>>[vector<16xi32>, vector<16xi32>], vector<16xf32>,
          %broadcast_in_dim3A_284 = vector.broadcast %add3A_281 : i32 to vector<16xi32>
          %mul3A_285 = arith.mulf %gather3A_283, %exp3A : vector<16xf32>
          tpu.vector_store_idx %arg16[%add3A_121, %broadcast_in_dim3A_284], %mul3A_285 : memref<64x128xf32, #tpu.memory_space<vmem>>[vector<16xi32>, vector<16xi32>], vector<16xf32>,
          %add3A_286 = arith.constant 3 : i32
          %add3A_287 = arith.addi %mul3A_130, %add3A_286 : i32
          %broadcast_in_dim3A_288 = vector.broadcast %add3A_287 : i32 to vector<16xi32>
          %gather3A_289 = tpu.vector_load_idx %arg14[%add3A_121, %broadcast_in_dim3A_288] : memref<64x128xf32, #tpu.memory_space<vmem>>[vector<16xi32>, vector<16xi32>], vector<16xf32>,
          %broadcast_in_dim3A_290 = vector.broadcast %add3A_287 : i32 to vector<16xi32>
          %mul3A_291 = arith.mulf %gather3A_289, %exp3A : vector<16xf32>
          tpu.vector_store_idx %arg16[%add3A_121, %broadcast_in_dim3A_290], %mul3A_291 : memref<64x128xf32, #tpu.memory_space<vmem>>[vector<16xi32>, vector<16xi32>], vector<16xf32>,
          %add3A_292 = arith.constant 4 : i32
          %add3A_293 = arith.addi %mul3A_130, %add3A_292 : i32
          %broadcast_in_dim3A_294 = vector.broadcast %add3A_293 : i32 to vector<16xi32>
          %gather3A_295 = tpu.vector_load_idx %arg14[%add3A_121, %broadcast_in_dim3A_294] : memref<64x128xf32, #tpu.memory_space<vmem>>[vector<16xi32>, vector<16xi32>], vector<16xf32>,
          %broadcast_in_dim3A_296 = vector.broadcast %add3A_293 : i32 to vector<16xi32>
          %mul3A_297 = arith.mulf %gather3A_295, %exp3A : vector<16xf32>
          tpu.vector_store_idx %arg16[%add3A_121, %broadcast_in_dim3A_296], %mul3A_297 : memref<64x128xf32, #tpu.memory_space<vmem>>[vector<16xi32>, vector<16xi32>], vector<16xf32>,
          %add3A_298 = arith.constant 5 : i32
          %add3A_299 = arith.addi %mul3A_130, %add3A_298 : i32
          %broadcast_in_dim3A_300 = vector.broadcast %add3A_299 : i32 to vector<16xi32>
          %gather3A_301 = tpu.vector_load_idx %arg14[%add3A_121, %broadcast_in_dim3A_300] : memref<64x128xf32, #tpu.memory_space<vmem>>[vector<16xi32>, vector<16xi32>], vector<16xf32>,
          %broadcast_in_dim3A_302 = vector.broadcast %add3A_299 : i32 to vector<16xi32>
          %mul3A_303 = arith.mulf %gather3A_301, %exp3A : vector<16xf32>
          tpu.vector_store_idx %arg16[%add3A_121, %broadcast_in_dim3A_302], %mul3A_303 : memref<64x128xf32, #tpu.memory_space<vmem>>[vector<16xi32>, vector<16xi32>], vector<16xf32>,
          %add3A_304 = arith.constant 6 : i32
          %add3A_305 = arith.addi %mul3A_130, %add3A_304 : i32
          %broadcast_in_dim3A_306 = vector.broadcast %add3A_305 : i32 to vector<16xi32>
          %gather3A_307 = tpu.vector_load_idx %arg14[%add3A_121, %broadcast_in_dim3A_306] : memref<64x128xf32, #tpu.memory_space<vmem>>[vector<16xi32>, vector<16xi32>], vector<16xf32>,
          %broadcast_in_dim3A_308 = vector.broadcast %add3A_305 : i32 to vector<16xi32>
          %mul3A_309 = arith.mulf %gather3A_307, %exp3A : vector<16xf32>
          tpu.vector_store_idx %arg16[%add3A_121, %broadcast_in_dim3A_308], %mul3A_309 : memref<64x128xf32, #tpu.memory_space<vmem>>[vector<16xi32>, vector<16xi32>], vector<16xf32>,
          %add3A_310 = arith.constant 7 : i32
          %add3A_311 = arith.addi %mul3A_130, %add3A_310 : i32
          %broadcast_in_dim3A_312 = vector.broadcast %add3A_311 : i32 to vector<16xi32>
          %gather3A_313 = tpu.vector_load_idx %arg14[%add3A_121, %broadcast_in_dim3A_312] : memref<64x128xf32, #tpu.memory_space<vmem>>[vector<16xi32>, vector<16xi32>], vector<16xf32>,
          %broadcast_in_dim3A_314 = vector.broadcast %add3A_311 : i32 to vector<16xi32>
          %mul3A_315 = arith.mulf %gather3A_313, %exp3A : vector<16xf32>
          tpu.vector_store_idx %arg16[%add3A_121, %broadcast_in_dim3A_314], %mul3A_315 : memref<64x128xf32, #tpu.memory_space<vmem>>[vector<16xi32>, vector<16xi32>], vector<16xf32>,
          %add3A_316 = arith.constant 8 : i32
          %add3A_317 = arith.addi %mul3A_130, %add3A_316 : i32
          %broadcast_in_dim3A_318 = vector.broadcast %add3A_317 : i32 to vector<16xi32>
          %gather3A_319 = tpu.vector_load_idx %arg14[%add3A_121, %broadcast_in_dim3A_318] : memref<64x128xf32, #tpu.memory_space<vmem>>[vector<16xi32>, vector<16xi32>], vector<16xf32>,
          %broadcast_in_dim3A_320 = vector.broadcast %add3A_317 : i32 to vector<16xi32>
          %mul3A_321 = arith.mulf %gather3A_319, %exp3A : vector<16xf32>
          tpu.vector_store_idx %arg16[%add3A_121, %broadcast_in_dim3A_320], %mul3A_321 : memref<64x128xf32, #tpu.memory_space<vmem>>[vector<16xi32>, vector<16xi32>], vector<16xf32>,
          %add3A_322 = arith.constant 9 : i32
          %add3A_323 = arith.addi %mul3A_130, %add3A_322 : i32
          %broadcast_in_dim3A_324 = vector.broadcast %add3A_323 : i32 to vector<16xi32>
          %gather3A_325 = tpu.vector_load_idx %arg14[%add3A_121, %broadcast_in_dim3A_324] : memref<64x128xf32, #tpu.memory_space<vmem>>[vector<16xi32>, vector<16xi32>], vector<16xf32>,
          %broadcast_in_dim3A_326 = vector.broadcast %add3A_323 : i32 to vector<16xi32>
          %mul3A_327 = arith.mulf %gather3A_325, %exp3A : vector<16xf32>
          tpu.vector_store_idx %arg16[%add3A_121, %broadcast_in_dim3A_326], %mul3A_327 : memref<64x128xf32, #tpu.memory_space<vmem>>[vector<16xi32>, vector<16xi32>], vector<16xf32>,
          %add3A_328 = arith.constant 10 : i32
          %add3A_329 = arith.addi %mul3A_130, %add3A_328 : i32
          %broadcast_in_dim3A_330 = vector.broadcast %add3A_329 : i32 to vector<16xi32>
          %gather3A_331 = tpu.vector_load_idx %arg14[%add3A_121, %broadcast_in_dim3A_330] : memref<64x128xf32, #tpu.memory_space<vmem>>[vector<16xi32>, vector<16xi32>], vector<16xf32>,
          %broadcast_in_dim3A_332 = vector.broadcast %add3A_329 : i32 to vector<16xi32>
          %mul3A_333 = arith.mulf %gather3A_331, %exp3A : vector<16xf32>
          tpu.vector_store_idx %arg16[%add3A_121, %broadcast_in_dim3A_332], %mul3A_333 : memref<64x128xf32, #tpu.memory_space<vmem>>[vector<16xi32>, vector<16xi32>], vector<16xf32>,
          %add3A_334 = arith.constant 11 : i32
          %add3A_335 = arith.addi %mul3A_130, %add3A_334 : i32
          %broadcast_in_dim3A_336 = vector.broadcast %add3A_335 : i32 to vector<16xi32>
          %gather3A_337 = tpu.vector_load_idx %arg14[%add3A_121, %broadcast_in_dim3A_336] : memref<64x128xf32, #tpu.memory_space<vmem>>[vector<16xi32>, vector<16xi32>], vector<16xf32>,
          %broadcast_in_dim3A_338 = vector.broadcast %add3A_335 : i32 to vector<16xi32>
          %mul3A_339 = arith.mulf %gather3A_337, %exp3A : vector<16xf32>
          tpu.vector_store_idx %arg16[%add3A_121, %broadcast_in_dim3A_338], %mul3A_339 : memref<64x128xf32, #tpu.memory_space<vmem>>[vector<16xi32>, vector<16xi32>], vector<16xf32>,
          %add3A_340 = arith.constant 12 : i32
          %add3A_341 = arith.addi %mul3A_130, %add3A_340 : i32
          %broadcast_in_dim3A_342 = vector.broadcast %add3A_341 : i32 to vector<16xi32>
          %gather3A_343 = tpu.vector_load_idx %arg14[%add3A_121, %broadcast_in_dim3A_342] : memref<64x128xf32, #tpu.memory_space<vmem>>[vector<16xi32>, vector<16xi32>], vector<16xf32>,
          %broadcast_in_dim3A_344 = vector.broadcast %add3A_341 : i32 to vector<16xi32>
          %mul3A_345 = arith.mulf %gather3A_343, %exp3A : vector<16xf32>
          tpu.vector_store_idx %arg16[%add3A_121, %broadcast_in_dim3A_344], %mul3A_345 : memref<64x128xf32, #tpu.memory_space<vmem>>[vector<16xi32>, vector<16xi32>], vector<16xf32>,
          %add3A_346 = arith.constant 13 : i32
          %add3A_347 = arith.addi %mul3A_130, %add3A_346 : i32
          %broadcast_in_dim3A_348 = vector.broadcast %add3A_347 : i32 to vector<16xi32>
          %gather3A_349 = tpu.vector_load_idx %arg14[%add3A_121, %broadcast_in_dim3A_348] : memref<64x128xf32, #tpu.memory_space<vmem>>[vector<16xi32>, vector<16xi32>], vector<16xf32>,
          %broadcast_in_dim3A_350 = vector.broadcast %add3A_347 : i32 to vector<16xi32>
          %mul3A_351 = arith.mulf %gather3A_349, %exp3A : vector<16xf32>
          tpu.vector_store_idx %arg16[%add3A_121, %broadcast_in_dim3A_350], %mul3A_351 : memref<64x128xf32, #tpu.memory_space<vmem>>[vector<16xi32>, vector<16xi32>], vector<16xf32>,
          %add3A_352 = arith.constant 14 : i32
          %add3A_353 = arith.addi %mul3A_130, %add3A_352 : i32
          %broadcast_in_dim3A_354 = vector.broadcast %add3A_353 : i32 to vector<16xi32>
          %gather3A_355 = tpu.vector_load_idx %arg14[%add3A_121, %broadcast_in_dim3A_354] : memref<64x128xf32, #tpu.memory_space<vmem>>[vector<16xi32>, vector<16xi32>], vector<16xf32>,
          %broadcast_in_dim3A_356 = vector.broadcast %add3A_353 : i32 to vector<16xi32>
          %mul3A_357 = arith.mulf %gather3A_355, %exp3A : vector<16xf32>
          tpu.vector_store_idx %arg16[%add3A_121, %broadcast_in_dim3A_356], %mul3A_357 : memref<64x128xf32, #tpu.memory_space<vmem>>[vector<16xi32>, vector<16xi32>], vector<16xf32>,
          %add3A_358 = arith.constant 15 : i32
          %add3A_359 = arith.addi %mul3A_130, %add3A_358 : i32
          %broadcast_in_dim3A_360 = vector.broadcast %add3A_359 : i32 to vector<16xi32>
          %gather3A_361 = tpu.vector_load_idx %arg14[%add3A_121, %broadcast_in_dim3A_360] : memref<64x128xf32, #tpu.memory_space<vmem>>[vector<16xi32>, vector<16xi32>], vector<16xf32>,
          %broadcast_in_dim3A_362 = vector.broadcast %add3A_359 : i32 to vector<16xi32>
          %mul3A_363 = arith.mulf %gather3A_361, %exp3A : vector<16xf32>
          tpu.vector_store_idx %arg16[%add3A_121, %broadcast_in_dim3A_362], %mul3A_363 : memref<64x128xf32, #tpu.memory_space<vmem>>[vector<16xi32>, vector<16xi32>], vector<16xf32>,
        }
        %scan3A_127 = arith.constant 8 : i32
      }
      %scan3A_116 = arith.constant 4 : i32
      "tpu.region"() ({
        %run_scoped3A = tpu.sem_alloc : memref<!tpu.dma_semaphore, #tpu.memory_space<semaphore_mem>>
        %dma_start3A_117 = arith.constant 0 : i32
        %dma_start3A_118 = arith.constant 0 : i32
        %dma_start3A_119 = tpu.memref_slice %arg18[%dma_start3A_117, %dma_start3A_118] : memref<10000x128xf32, #tpu.memory_space<vmem_shared>> -> memref<10000x128xf32, #tpu.memory_space<vmem_shared>>
        tpu.enqueue_indirect_dma source(%arg16 : memref<64x128xf32, #tpu.memory_space<vmem>>) target(%dma_start3A_119 : memref<10000x128xf32, #tpu.memory_space<vmem_shared>>) offsets(%arg11 : memref<64xi32, #tpu.memory_space<vmem>>) semaphore(%run_scoped3A : memref<!tpu.dma_semaphore, #tpu.memory_space<semaphore_mem>>) {add = true}
        %dma_wait3A_120 = arith.constant 0 : i32
        %dma_wait3A_121 = arith.constant 0 : i32
        %dma_wait3A_122 = tpu.memref_slice %arg18[%dma_wait3A_120, %dma_wait3A_121] : memref<10000x128xf32, #tpu.memory_space<vmem_shared>> -> memref<10000x128xf32, #tpu.memory_space<vmem_shared>>
        tpu.wait_indirect_dma semaphore(%run_scoped3A : memref<!tpu.dma_semaphore, #tpu.memory_space<semaphore_mem>>) src(%arg16 : memref<64x128xf32, #tpu.memory_space<vmem>>) dst(%dma_wait3A_122 : memref<10000x128xf32, #tpu.memory_space<vmem_shared>>)
        tpu.yield
      }) : () -> ()
    }
    %barrier3A_72 = arith.constant 0 : index
    tpu.barrier barrier_id(%barrier3A_72)
    %while3A_73 = arith.constant 0 : i32
    %while3A_74 = arith.constant 0 : i32
    %while3A_75 = arith.subi %select_n3A, %while3A_74 : i32
    %while3A_76 = arith.addi %while3A_74, %while3A_75 : i32
    %while3A_77 = arith.constant 1 : i32
    %while3A_78 = arith.divsi %while3A_75, %while3A_77 : i32
    %while3A_79 = arith.muli %while3A_78, %while3A_77 : i32
    %while3A_80 = arith.addi %while3A_74, %while3A_79 : i32
    %while3A_81 = arith.constant 1 : i32
    scf.for %while3A_83 = %while3A_74 to %while3A_80 step %while3A_81  : i32 {
      %mul3A_84 = arith.constant 16 : i32
      %mul3A_85 = arith.muli %while3A_83, %mul3A_84 : i32
      %add3A_86 = arith.addi %arg1, %mul3A_85 : i32
      %mul3A_87 = arith.constant 40 : i32
      %mul3A_88 = arith.muli %add3A_86, %mul3A_87 : i32
      "tpu.region"() ({
        %run_scoped3A = tpu.sem_alloc : memref<!tpu.dma_semaphore, #tpu.memory_space<semaphore_mem>>
        %dma_start3A = arith.constant 0 : i32
        %dma_start3A_89 = tpu.memref_slice %arg18[%mul3A_88, %dma_start3A] : memref<10000x128xf32, #tpu.memory_space<vmem_shared>> -> memref<40x128xf32, #tpu.memory_space<vmem_shared>>
        %dma_start3A_90 = arith.constant 0 : i32
        %dma_start3A_91 = tpu.memref_slice %arg18[%mul3A_88, %dma_start3A_90] : memref<10000x128xf32, #tpu.memory_space<vmem_shared>> -> memref<40x128xf32, #tpu.memory_space<vmem_shared>>
        tpu.enqueue_dma source(%dma_start3A_91 : memref<40x128xf32, #tpu.memory_space<vmem_shared>>) target(%arg17 : memref<40x128xf32, #tpu.memory_space<vmem>>) target_semaphore(%run_scoped3A : memref<!tpu.dma_semaphore, #tpu.memory_space<semaphore_mem>>)
        %dma_wait3A = arith.constant 0 : i32
        %dma_wait3A_92 = tpu.memref_slice %arg18[%mul3A_88, %dma_wait3A] : memref<10000x128xf32, #tpu.memory_space<vmem_shared>> -> memref<40x128xf32, #tpu.memory_space<vmem_shared>>
        %dma_wait3A_93 = arith.constant 0 : i32
        %dma_wait3A_94 = tpu.memref_slice %arg18[%mul3A_88, %dma_wait3A_93] : memref<10000x128xf32, #tpu.memory_space<vmem_shared>> -> memref<40x128xf32, #tpu.memory_space<vmem_shared>>
        tpu.wait_dma2 semaphore(%run_scoped3A : memref<!tpu.dma_semaphore, #tpu.memory_space<semaphore_mem>>) src(%dma_wait3A_94 : memref<40x128xf32, #tpu.memory_space<vmem_shared>>) dst(%arg17 : memref<40x128xf32, #tpu.memory_space<vmem>>)
        tpu.yield
      }) : () -> ()
      "tpu.region"() ({
        %run_scoped3A = tpu.sem_alloc : memref<!tpu.dma_semaphore, #tpu.memory_space<semaphore_mem>>
        %dma_start3A = arith.constant 0 : i32
        %dma_start3A_89 = tpu.memref_slice %arg9[%arg0, %mul3A_88, %dma_start3A] : memref<2x10000x128xf32, #tpu.memory_space<hbm>> -> memref<1x40x128xf32, #tpu.memory_space<hbm>>
        %dma_start3A_90 = tpu.memref_squeeze %dma_start3A_89 : memref<1x40x128xf32, #tpu.memory_space<hbm>> -> memref<40x128xf32, #tpu.memory_space<hbm>>
        %dma_start3A_91 = arith.constant 0 : i32
        %dma_start3A_92 = tpu.memref_slice %arg9[%arg0, %mul3A_88, %dma_start3A_91] : memref<2x10000x128xf32, #tpu.memory_space<hbm>> -> memref<1x40x128xf32, #tpu.memory_space<hbm>>
        %dma_start3A_93 = tpu.memref_squeeze %dma_start3A_92 : memref<1x40x128xf32, #tpu.memory_space<hbm>> -> memref<40x128xf32, #tpu.memory_space<hbm>>
        tpu.enqueue_dma source(%arg17 : memref<40x128xf32, #tpu.memory_space<vmem>>) target(%dma_start3A_93 : memref<40x128xf32, #tpu.memory_space<hbm>>) target_semaphore(%run_scoped3A : memref<!tpu.dma_semaphore, #tpu.memory_space<semaphore_mem>>)
        %dma_wait3A = arith.constant 0 : i32
        %dma_wait3A_94 = tpu.memref_slice %arg9[%arg0, %mul3A_88, %dma_wait3A] : memref<2x10000x128xf32, #tpu.memory_space<hbm>> -> memref<1x40x128xf32, #tpu.memory_space<hbm>>
        %dma_wait3A_95 = tpu.memref_squeeze %dma_wait3A_94 : memref<1x40x128xf32, #tpu.memory_space<hbm>> -> memref<40x128xf32, #tpu.memory_space<hbm>>
        %dma_wait3A_96 = arith.constant 0 : i32
        %dma_wait3A_97 = tpu.memref_slice %arg9[%arg0, %mul3A_88, %dma_wait3A_96] : memref<2x10000x128xf32, #tpu.memory_space<hbm>> -> memref<1x40x128xf32, #tpu.memory_space<hbm>>
        %dma_wait3A_98 = tpu.memref_squeeze %dma_wait3A_97 : memref<1x40x128xf32, #tpu.memory_space<hbm>> -> memref<40x128xf32, #tpu.memory_space<hbm>>
        tpu.wait_dma2 semaphore(%run_scoped3A : memref<!tpu.dma_semaphore, #tpu.memory_space<semaphore_mem>>) src(%arg17 : memref<40x128xf32, #tpu.memory_space<vmem>>) dst(%dma_wait3A_98 : memref<40x128xf32, #tpu.memory_space<hbm>>)
        tpu.yield
      }) : () -> ()
    }
    %while3A_82 = arith.constant 1 : i32
    scf.for %while3A_83 = %while3A_80 to %while3A_76 step %while3A_82  : i32 {
      %mul3A_84 = arith.constant 16 : i32
      %mul3A_85 = arith.muli %while3A_83, %mul3A_84 : i32
      %add3A_86 = arith.addi %arg1, %mul3A_85 : i32
      %mul3A_87 = arith.constant 40 : i32
      %mul3A_88 = arith.muli %add3A_86, %mul3A_87 : i32
      "tpu.region"() ({
        %run_scoped3A = tpu.sem_alloc : memref<!tpu.dma_semaphore, #tpu.memory_space<semaphore_mem>>
        %dma_start3A = arith.constant 0 : i32
        %dma_start3A_89 = tpu.memref_slice %arg18[%mul3A_88, %dma_start3A] : memref<10000x128xf32, #tpu.memory_space<vmem_shared>> -> memref<40x128xf32, #tpu.memory_space<vmem_shared>>
        %dma_start3A_90 = arith.constant 0 : i32
        %dma_start3A_91 = tpu.memref_slice %arg18[%mul3A_88, %dma_start3A_90] : memref<10000x128xf32, #tpu.memory_space<vmem_shared>> -> memref<40x128xf32, #tpu.memory_space<vmem_shared>>
        tpu.enqueue_dma source(%dma_start3A_91 : memref<40x128xf32, #tpu.memory_space<vmem_shared>>) target(%arg17 : memref<40x128xf32, #tpu.memory_space<vmem>>) target_semaphore(%run_scoped3A : memref<!tpu.dma_semaphore, #tpu.memory_space<semaphore_mem>>)
        %dma_wait3A = arith.constant 0 : i32
        %dma_wait3A_92 = tpu.memref_slice %arg18[%mul3A_88, %dma_wait3A] : memref<10000x128xf32, #tpu.memory_space<vmem_shared>> -> memref<40x128xf32, #tpu.memory_space<vmem_shared>>
        %dma_wait3A_93 = arith.constant 0 : i32
        %dma_wait3A_94 = tpu.memref_slice %arg18[%mul3A_88, %dma_wait3A_93] : memref<10000x128xf32, #tpu.memory_space<vmem_shared>> -> memref<40x128xf32, #tpu.memory_space<vmem_shared>>
        tpu.wait_dma2 semaphore(%run_scoped3A : memref<!tpu.dma_semaphore, #tpu.memory_space<semaphore_mem>>) src(%dma_wait3A_94 : memref<40x128xf32, #tpu.memory_space<vmem_shared>>) dst(%arg17 : memref<40x128xf32, #tpu.memory_space<vmem>>)
        tpu.yield
      }) : () -> ()
      "tpu.region"() ({
        %run_scoped3A = tpu.sem_alloc : memref<!tpu.dma_semaphore, #tpu.memory_space<semaphore_mem>>
        %dma_start3A = arith.constant 0 : i32
        %dma_start3A_89 = tpu.memref_slice %arg9[%arg0, %mul3A_88, %dma_start3A] : memref<2x10000x128xf32, #tpu.memory_space<hbm>> -> memref<1x40x128xf32, #tpu.memory_space<hbm>>
        %dma_start3A_90 = tpu.memref_squeeze %dma_start3A_89 : memref<1x40x128xf32, #tpu.memory_space<hbm>> -> memref<40x128xf32, #tpu.memory_space<hbm>>
        %dma_start3A_91 = arith.constant 0 : i32
        %dma_start3A_92 = tpu.memref_slice %arg9[%arg0, %mul3A_88, %dma_start3A_91] : memref<2x10000x128xf32, #tpu.memory_space<hbm>> -> memref<1x40x128xf32, #tpu.memory_space<hbm>>
        %dma_start3A_93 = tpu.memref_squeeze %dma_start3A_92 : memref<1x40x128xf32, #tpu.memory_space<hbm>> -> memref<40x128xf32, #tpu.memory_space<hbm>>
        tpu.enqueue_dma source(%arg17 : memref<40x128xf32, #tpu.memory_space<vmem>>) target(%dma_start3A_93 : memref<40x128xf32, #tpu.memory_space<hbm>>) target_semaphore(%run_scoped3A : memref<!tpu.dma_semaphore, #tpu.memory_space<semaphore_mem>>)
        %dma_wait3A = arith.constant 0 : i32
        %dma_wait3A_94 = tpu.memref_slice %arg9[%arg0, %mul3A_88, %dma_wait3A] : memref<2x10000x128xf32, #tpu.memory_space<hbm>> -> memref<1x40x128xf32, #tpu.memory_space<hbm>>
        %dma_wait3A_95 = tpu.memref_squeeze %dma_wait3A_94 : memref<1x40x128xf32, #tpu.memory_space<hbm>> -> memref<40x128xf32, #tpu.memory_space<hbm>>
        %dma_wait3A_96 = arith.constant 0 : i32
        %dma_wait3A_97 = tpu.memref_slice %arg9[%arg0, %mul3A_88, %dma_wait3A_96] : memref<2x10000x128xf32, #tpu.memory_space<hbm>> -> memref<1x40x128xf32, #tpu.memory_space<hbm>>
        %dma_wait3A_98 = tpu.memref_squeeze %dma_wait3A_97 : memref<1x40x128xf32, #tpu.memory_space<hbm>> -> memref<40x128xf32, #tpu.memory_space<hbm>>
        tpu.wait_dma2 semaphore(%run_scoped3A : memref<!tpu.dma_semaphore, #tpu.memory_space<semaphore_mem>>) src(%arg17 : memref<40x128xf32, #tpu.memory_space<vmem>>) dst(%dma_wait3A_98 : memref<40x128xf32, #tpu.memory_space<hbm>>)
        tpu.yield
      }) : () -> ()
    }
    return
  }
}

#map = affine_map<(d0, d1) -> (0, 0)>
#map1 = affine_map<(d0, d1) -> (0)>
#map2 = affine_map<(d0, d1) -> (0, 0, 0)>
module attributes {stable_mosaic.version = 14 : i64} {
  func.func @body(%arg0: i32, %arg1: i32, %arg2: memref<10000x128xf32, #tpu.memory_space<hbm>>, %arg3: memref<10000x128xf32, #tpu.memory_space<hbm>>, %arg4: memref<320000xi32, #tpu.memory_space<hbm>>, %arg5: memref<320000xi32, #tpu.memory_space<hbm>>, %arg6: memref<2560000xf32, #tpu.memory_space<hbm>>, %arg7: memref<40x128xf32, #tpu.memory_space<hbm>>, %arg8: memref<2x10000x128xf32, #tpu.memory_space<hbm>>, %arg9: memref<64xi32, #tpu.memory_space<vmem>>, %arg10: memref<64xi32, #tpu.memory_space<vmem>>, %arg11: memref<64x128xf32, #tpu.memory_space<vmem>>, %arg12: memref<64x128xf32, #tpu.memory_space<vmem>>, %arg13: memref<512xf32, #tpu.memory_space<vmem>>, %arg14: memref<64x128xf32, #tpu.memory_space<vmem>>, %arg15: memref<40x128xf32, #tpu.memory_space<vmem>>, %arg16: memref<10000x128xf32, #tpu.memory_space<vmem_shared>>, %arg17: memref<!tpu.dma_semaphore, #tpu.memory_space<semaphore_mem>>, %arg18: memref<!tpu.dma_semaphore, #tpu.memory_space<semaphore_mem>>) attributes {dimension_semantics = [#tpu.dimension_semantics<core_parallel>, #tpu.dimension_semantics<subcore_parallel>], iteration_bounds = array<i64: 2, 16>, scalar_prefetch = 0 : i64, scratch_operands = 10 : i64, tpu.core_type = #tpu.core_type<sc_vector_subcore>, window_params = [{transform_indices = #map}, {transform_indices = #map}, {transform_indices = #map1}, {transform_indices = #map1}, {transform_indices = #map1}, {transform_indices = #map}, {transform_indices = #map2}]} {
    %mul3A = arith.constant 2 : i32
    %mul3A_0 = arith.muli %arg1, %mul3A : i32
    %add3A = arith.addi %mul3A_0, %arg0 : i32
    "tpu.region"() ({
      %run_scoped3A = tpu.sem_alloc : memref<!tpu.dma_semaphore, #tpu.memory_space<semaphore_mem>>
      %dma_start3A = arith.constant 0 : i32
      %dma_start3A_83 = arith.constant 0 : i32
      %dma_start3A_84 = tpu.memref_slice %arg7[%dma_start3A, %dma_start3A_83] : memref<40x128xf32, #tpu.memory_space<hbm>> -> memref<40x128xf32, #tpu.memory_space<hbm>>
      %dma_start3A_85 = arith.constant 0 : i32
      %dma_start3A_86 = arith.constant 0 : i32
      %dma_start3A_87 = tpu.memref_slice %arg7[%dma_start3A_85, %dma_start3A_86] : memref<40x128xf32, #tpu.memory_space<hbm>> -> memref<40x128xf32, #tpu.memory_space<hbm>>
      tpu.enqueue_dma source(%dma_start3A_87 : memref<40x128xf32, #tpu.memory_space<hbm>>) target(%arg15 : memref<40x128xf32, #tpu.memory_space<vmem>>) target_semaphore(%run_scoped3A : memref<!tpu.dma_semaphore, #tpu.memory_space<semaphore_mem>>)
      %dma_wait3A = arith.constant 0 : i32
      %dma_wait3A_88 = arith.constant 0 : i32
      %dma_wait3A_89 = tpu.memref_slice %arg7[%dma_wait3A, %dma_wait3A_88] : memref<40x128xf32, #tpu.memory_space<hbm>> -> memref<40x128xf32, #tpu.memory_space<hbm>>
      %dma_wait3A_90 = arith.constant 0 : i32
      %dma_wait3A_91 = arith.constant 0 : i32
      %dma_wait3A_92 = tpu.memref_slice %arg7[%dma_wait3A_90, %dma_wait3A_91] : memref<40x128xf32, #tpu.memory_space<hbm>> -> memref<40x128xf32, #tpu.memory_space<hbm>>
      tpu.wait_dma2 semaphore(%run_scoped3A : memref<!tpu.dma_semaphore, #tpu.memory_space<semaphore_mem>>) src(%dma_wait3A_92 : memref<40x128xf32, #tpu.memory_space<hbm>>) dst(%arg15 : memref<40x128xf32, #tpu.memory_space<vmem>>)
      tpu.yield
    }) : () -> ()
    "tpu.region"() ({
      %run_scoped3A = tpu.sem_alloc : memref<!tpu.dma_semaphore, #tpu.memory_space<semaphore_mem>>
      %dma_start3A = arith.constant 0 : i32
      %dma_start3A_83 = arith.constant 0 : i32
      %dma_start3A_84 = tpu.memref_slice %arg7[%dma_start3A, %dma_start3A_83] : memref<40x128xf32, #tpu.memory_space<hbm>> -> memref<64x128xf32, #tpu.memory_space<hbm>>
      %dma_start3A_85 = arith.constant 0 : i32
      %dma_start3A_86 = arith.constant 0 : i32
      %dma_start3A_87 = tpu.memref_slice %arg7[%dma_start3A_85, %dma_start3A_86] : memref<40x128xf32, #tpu.memory_space<hbm>> -> memref<64x128xf32, #tpu.memory_space<hbm>>
      tpu.enqueue_dma source(%dma_start3A_87 : memref<64x128xf32, #tpu.memory_space<hbm>>) target(%arg14 : memref<64x128xf32, #tpu.memory_space<vmem>>) target_semaphore(%run_scoped3A : memref<!tpu.dma_semaphore, #tpu.memory_space<semaphore_mem>>)
      %dma_wait3A = arith.constant 0 : i32
      %dma_wait3A_88 = arith.constant 0 : i32
      %dma_wait3A_89 = tpu.memref_slice %arg7[%dma_wait3A, %dma_wait3A_88] : memref<40x128xf32, #tpu.memory_space<hbm>> -> memref<64x128xf32, #tpu.memory_space<hbm>>
      %dma_wait3A_90 = arith.constant 0 : i32
      %dma_wait3A_91 = arith.constant 0 : i32
      %dma_wait3A_92 = tpu.memref_slice %arg7[%dma_wait3A_90, %dma_wait3A_91] : memref<40x128xf32, #tpu.memory_space<hbm>> -> memref<64x128xf32, #tpu.memory_space<hbm>>
      tpu.wait_dma2 semaphore(%run_scoped3A : memref<!tpu.dma_semaphore, #tpu.memory_space<semaphore_mem>>) src(%dma_wait3A_92 : memref<64x128xf32, #tpu.memory_space<hbm>>) dst(%arg14 : memref<64x128xf32, #tpu.memory_space<vmem>>)
      tpu.yield
    }) : () -> ()
    %sub3A = arith.constant 250 : i32
    %sub3A_1 = arith.subi %sub3A, %arg1 : i32
    %add3A_2 = arith.constant 16 : i32
    %add3A_3 = arith.addi %sub3A_1, %add3A_2 : i32
    %sub3A_4 = arith.constant 1 : i32
    %sub3A_5 = arith.subi %add3A_3, %sub3A_4 : i32
    %jit3A = arith.constant 16 : i32
    %div3A = arith.divsi %sub3A_5, %jit3A : i32
    %sign3A = arith.constant 0 : i32
    %sign3A_6 = arith.cmpi sgt, %sub3A_5, %sign3A : i32
    %sign3A_7 = arith.extui %sign3A_6 : i1 to i32
    %sign3A_8 = arith.constant 0 : i32
    %sign3A_9 = arith.cmpi slt, %sub3A_5, %sign3A_8 : i32
    %sign3A_10 = arith.extui %sign3A_9 : i1 to i32
    %sign3A_11 = arith.subi %sign3A_7, %sign3A_10 : i32
    %sign3A_12 = arith.constant 0 : i32
    %sign3A_13 = arith.cmpi sgt, %jit3A, %sign3A_12 : i32
    %sign3A_14 = arith.extui %sign3A_13 : i1 to i32
    %sign3A_15 = arith.constant 0 : i32
    %sign3A_16 = arith.cmpi slt, %jit3A, %sign3A_15 : i32
    %sign3A_17 = arith.extui %sign3A_16 : i1 to i32
    %sign3A_18 = arith.subi %sign3A_14, %sign3A_17 : i32
    %ne3A = arith.cmpi ne, %sign3A_11, %sign3A_18 : i32
    %rem3A = arith.remsi %sub3A_5, %jit3A : i32
    %ne3A_19 = arith.constant 0 : i32
    %ne3A_20 = arith.cmpi ne, %rem3A, %ne3A_19 : i32
    %and3A = arith.andi %ne3A, %ne3A_20 : i1
    %sub3A_21 = arith.constant 1 : i32
    %sub3A_22 = arith.subi %div3A, %sub3A_21 : i32
    %select_n3A = arith.select %and3A, %sub3A_22, %div3A : i32
    %while3A = arith.constant 0 : i32
    %while3A_23 = arith.constant 0 : i32
    %while3A_24 = arith.subi %select_n3A, %while3A_23 : i32
    %while3A_25 = arith.addi %while3A_23, %while3A_24 : i32
    %while3A_26 = arith.constant 1 : i32
    %while3A_27 = arith.divsi %while3A_24, %while3A_26 : i32
    %while3A_28 = arith.muli %while3A_27, %while3A_26 : i32
    %while3A_29 = arith.addi %while3A_23, %while3A_28 : i32
    %while3A_30 = arith.constant 1 : i32
    scf.for %while3A_83 = %while3A_23 to %while3A_29 step %while3A_30  : i32 {
      %mul3A_84 = arith.constant 16 : i32
      %mul3A_85 = arith.muli %while3A_83, %mul3A_84 : i32
      %add3A_86 = arith.addi %arg1, %mul3A_85 : i32
      %mul3A_87 = arith.constant 40 : i32
      %mul3A_88 = arith.muli %add3A_86, %mul3A_87 : i32
      "tpu.region"() ({
        %run_scoped3A = tpu.sem_alloc : memref<!tpu.dma_semaphore, #tpu.memory_space<semaphore_mem>>
        %dma_start3A = arith.constant 0 : i32
        %dma_start3A_89 = tpu.memref_slice %arg16[%mul3A_88, %dma_start3A] : memref<10000x128xf32, #tpu.memory_space<vmem_shared>> -> memref<40x128xf32, #tpu.memory_space<vmem_shared>>
        %dma_start3A_90 = arith.constant 0 : i32
        %dma_start3A_91 = tpu.memref_slice %arg16[%mul3A_88, %dma_start3A_90] : memref<10000x128xf32, #tpu.memory_space<vmem_shared>> -> memref<40x128xf32, #tpu.memory_space<vmem_shared>>
        tpu.enqueue_dma source(%arg15 : memref<40x128xf32, #tpu.memory_space<vmem>>) target(%dma_start3A_91 : memref<40x128xf32, #tpu.memory_space<vmem_shared>>) target_semaphore(%run_scoped3A : memref<!tpu.dma_semaphore, #tpu.memory_space<semaphore_mem>>)
        %dma_wait3A = arith.constant 0 : i32
        %dma_wait3A_92 = tpu.memref_slice %arg16[%mul3A_88, %dma_wait3A] : memref<10000x128xf32, #tpu.memory_space<vmem_shared>> -> memref<40x128xf32, #tpu.memory_space<vmem_shared>>
        %dma_wait3A_93 = arith.constant 0 : i32
        %dma_wait3A_94 = tpu.memref_slice %arg16[%mul3A_88, %dma_wait3A_93] : memref<10000x128xf32, #tpu.memory_space<vmem_shared>> -> memref<40x128xf32, #tpu.memory_space<vmem_shared>>
        tpu.wait_dma2 semaphore(%run_scoped3A : memref<!tpu.dma_semaphore, #tpu.memory_space<semaphore_mem>>) src(%arg15 : memref<40x128xf32, #tpu.memory_space<vmem>>) dst(%dma_wait3A_94 : memref<40x128xf32, #tpu.memory_space<vmem_shared>>)
        tpu.yield
      }) : () -> ()
    }
    %while3A_31 = arith.constant 1 : i32
    scf.for %while3A_83 = %while3A_29 to %while3A_25 step %while3A_31  : i32 {
      %mul3A_84 = arith.constant 16 : i32
      %mul3A_85 = arith.muli %while3A_83, %mul3A_84 : i32
      %add3A_86 = arith.addi %arg1, %mul3A_85 : i32
      %mul3A_87 = arith.constant 40 : i32
      %mul3A_88 = arith.muli %add3A_86, %mul3A_87 : i32
      "tpu.region"() ({
        %run_scoped3A = tpu.sem_alloc : memref<!tpu.dma_semaphore, #tpu.memory_space<semaphore_mem>>
        %dma_start3A = arith.constant 0 : i32
        %dma_start3A_89 = tpu.memref_slice %arg16[%mul3A_88, %dma_start3A] : memref<10000x128xf32, #tpu.memory_space<vmem_shared>> -> memref<40x128xf32, #tpu.memory_space<vmem_shared>>
        %dma_start3A_90 = arith.constant 0 : i32
        %dma_start3A_91 = tpu.memref_slice %arg16[%mul3A_88, %dma_start3A_90] : memref<10000x128xf32, #tpu.memory_space<vmem_shared>> -> memref<40x128xf32, #tpu.memory_space<vmem_shared>>
        tpu.enqueue_dma source(%arg15 : memref<40x128xf32, #tpu.memory_space<vmem>>) target(%dma_start3A_91 : memref<40x128xf32, #tpu.memory_space<vmem_shared>>) target_semaphore(%run_scoped3A : memref<!tpu.dma_semaphore, #tpu.memory_space<semaphore_mem>>)
        %dma_wait3A = arith.constant 0 : i32
        %dma_wait3A_92 = tpu.memref_slice %arg16[%mul3A_88, %dma_wait3A] : memref<10000x128xf32, #tpu.memory_space<vmem_shared>> -> memref<40x128xf32, #tpu.memory_space<vmem_shared>>
        %dma_wait3A_93 = arith.constant 0 : i32
        %dma_wait3A_94 = tpu.memref_slice %arg16[%mul3A_88, %dma_wait3A_93] : memref<10000x128xf32, #tpu.memory_space<vmem_shared>> -> memref<40x128xf32, #tpu.memory_space<vmem_shared>>
        tpu.wait_dma2 semaphore(%run_scoped3A : memref<!tpu.dma_semaphore, #tpu.memory_space<semaphore_mem>>) src(%arg15 : memref<40x128xf32, #tpu.memory_space<vmem>>) dst(%dma_wait3A_94 : memref<40x128xf32, #tpu.memory_space<vmem_shared>>)
        tpu.yield
      }) : () -> ()
    }
    %barrier3A = arith.constant 0 : index
    tpu.barrier barrier_id(%barrier3A)
    %iota3A = tpu.iota {dimensions = array<i32: 0>} : vector<16xi32>
    %sub3A_32 = arith.constant 5000 : i32
    %sub3A_33 = arith.subi %sub3A_32, %add3A : i32
    %add3A_34 = arith.constant 32 : i32
    %add3A_35 = arith.addi %sub3A_33, %add3A_34 : i32
    %sub3A_36 = arith.constant 1 : i32
    %sub3A_37 = arith.subi %add3A_35, %sub3A_36 : i32
    %jit3A_38 = arith.constant 32 : i32
    %div3A_39 = arith.divsi %sub3A_37, %jit3A_38 : i32
    %sign3A_40 = arith.constant 0 : i32
    %sign3A_41 = arith.cmpi sgt, %sub3A_37, %sign3A_40 : i32
    %sign3A_42 = arith.extui %sign3A_41 : i1 to i32
    %sign3A_43 = arith.constant 0 : i32
    %sign3A_44 = arith.cmpi slt, %sub3A_37, %sign3A_43 : i32
    %sign3A_45 = arith.extui %sign3A_44 : i1 to i32
    %sign3A_46 = arith.subi %sign3A_42, %sign3A_45 : i32
    %sign3A_47 = arith.constant 0 : i32
    %sign3A_48 = arith.cmpi sgt, %jit3A_38, %sign3A_47 : i32
    %sign3A_49 = arith.extui %sign3A_48 : i1 to i32
    %sign3A_50 = arith.constant 0 : i32
    %sign3A_51 = arith.cmpi slt, %jit3A_38, %sign3A_50 : i32
    %sign3A_52 = arith.extui %sign3A_51 : i1 to i32
    %sign3A_53 = arith.subi %sign3A_49, %sign3A_52 : i32
    %ne3A_54 = arith.cmpi ne, %sign3A_46, %sign3A_53 : i32
    %rem3A_55 = arith.remsi %sub3A_37, %jit3A_38 : i32
    %ne3A_56 = arith.constant 0 : i32
    %ne3A_57 = arith.cmpi ne, %rem3A_55, %ne3A_56 : i32
    %and3A_58 = arith.andi %ne3A_54, %ne3A_57 : i1
    %sub3A_59 = arith.constant 1 : i32
    %sub3A_60 = arith.subi %div3A_39, %sub3A_59 : i32
    %select_n3A_61 = arith.select %and3A_58, %sub3A_60, %div3A_39 : i32
    %while3A_62 = arith.constant 0 : i32
    %while3A_63 = arith.constant 0 : i32
    %while3A_64 = arith.subi %select_n3A_61, %while3A_63 : i32
    %while3A_65 = arith.addi %while3A_63, %while3A_64 : i32
    %while3A_66 = arith.constant 1 : i32
    %while3A_67 = arith.divsi %while3A_64, %while3A_66 : i32
    %while3A_68 = arith.muli %while3A_67, %while3A_66 : i32
    %while3A_69 = arith.addi %while3A_63, %while3A_68 : i32
    %while3A_70 = arith.constant 1 : i32
    scf.for %while3A_83 = %while3A_63 to %while3A_69 step %while3A_70  : i32 {
      %mul3A_84 = arith.constant 32 : i32
      %mul3A_85 = arith.muli %while3A_83, %mul3A_84 : i32
      %add3A_86 = arith.addi %add3A, %mul3A_85 : i32
      %mul3A_87 = arith.constant 64 : i32
      %mul3A_88 = arith.muli %add3A_86, %mul3A_87 : i32
      "tpu.region"() ({
        %run_scoped3A = tpu.sem_alloc : memref<!tpu.dma_semaphore, #tpu.memory_space<semaphore_mem>>
        %dma_start3A_111 = tpu.memref_slice %arg4[%mul3A_88] : memref<320000xi32, #tpu.memory_space<hbm>> -> memref<64xi32, #tpu.memory_space<hbm>>
        %dma_start3A_112 = tpu.memref_slice %arg4[%mul3A_88] : memref<320000xi32, #tpu.memory_space<hbm>> -> memref<64xi32, #tpu.memory_space<hbm>>
        tpu.enqueue_dma source(%dma_start3A_112 : memref<64xi32, #tpu.memory_space<hbm>>) target(%arg9 : memref<64xi32, #tpu.memory_space<vmem>>) target_semaphore(%run_scoped3A : memref<!tpu.dma_semaphore, #tpu.memory_space<semaphore_mem>>)
        %dma_wait3A_113 = tpu.memref_slice %arg4[%mul3A_88] : memref<320000xi32, #tpu.memory_space<hbm>> -> memref<64xi32, #tpu.memory_space<hbm>>
        %dma_wait3A_114 = tpu.memref_slice %arg4[%mul3A_88] : memref<320000xi32, #tpu.memory_space<hbm>> -> memref<64xi32, #tpu.memory_space<hbm>>
        tpu.wait_dma2 semaphore(%run_scoped3A : memref<!tpu.dma_semaphore, #tpu.memory_space<semaphore_mem>>) src(%dma_wait3A_114 : memref<64xi32, #tpu.memory_space<hbm>>) dst(%arg9 : memref<64xi32, #tpu.memory_space<vmem>>)
        tpu.yield
      }) : () -> ()
      "tpu.region"() ({
        %run_scoped3A = tpu.sem_alloc : memref<!tpu.dma_semaphore, #tpu.memory_space<semaphore_mem>>
        %dma_start3A_111 = tpu.memref_slice %arg5[%mul3A_88] : memref<320000xi32, #tpu.memory_space<hbm>> -> memref<64xi32, #tpu.memory_space<hbm>>
        %dma_start3A_112 = tpu.memref_slice %arg5[%mul3A_88] : memref<320000xi32, #tpu.memory_space<hbm>> -> memref<64xi32, #tpu.memory_space<hbm>>
        tpu.enqueue_dma source(%dma_start3A_112 : memref<64xi32, #tpu.memory_space<hbm>>) target(%arg10 : memref<64xi32, #tpu.memory_space<vmem>>) target_semaphore(%run_scoped3A : memref<!tpu.dma_semaphore, #tpu.memory_space<semaphore_mem>>)
        %dma_wait3A_113 = tpu.memref_slice %arg5[%mul3A_88] : memref<320000xi32, #tpu.memory_space<hbm>> -> memref<64xi32, #tpu.memory_space<hbm>>
        %dma_wait3A_114 = tpu.memref_slice %arg5[%mul3A_88] : memref<320000xi32, #tpu.memory_space<hbm>> -> memref<64xi32, #tpu.memory_space<hbm>>
        tpu.wait_dma2 semaphore(%run_scoped3A : memref<!tpu.dma_semaphore, #tpu.memory_space<semaphore_mem>>) src(%dma_wait3A_114 : memref<64xi32, #tpu.memory_space<hbm>>) dst(%arg10 : memref<64xi32, #tpu.memory_space<vmem>>)
        tpu.yield
      }) : () -> ()
      %dma_start3A = arith.constant 0 : i32
      %dma_start3A_89 = arith.constant 0 : i32
      %dma_start3A_90 = tpu.memref_slice %arg2[%dma_start3A, %dma_start3A_89] : memref<10000x128xf32, #tpu.memory_space<hbm>> -> memref<10000x128xf32, #tpu.memory_space<hbm>>
      tpu.enqueue_indirect_dma source(%dma_start3A_90 : memref<10000x128xf32, #tpu.memory_space<hbm>>) target(%arg11 : memref<64x128xf32, #tpu.memory_space<vmem>>) offsets(%arg10 : memref<64xi32, #tpu.memory_space<vmem>>) semaphore(%arg17 : memref<!tpu.dma_semaphore, #tpu.memory_space<semaphore_mem>>)
      %dma_start3A_91 = arith.constant 0 : i32
      %dma_start3A_92 = arith.constant 0 : i32
      %dma_start3A_93 = tpu.memref_slice %arg3[%dma_start3A_91, %dma_start3A_92] : memref<10000x128xf32, #tpu.memory_space<hbm>> -> memref<10000x128xf32, #tpu.memory_space<hbm>>
      tpu.enqueue_indirect_dma source(%dma_start3A_93 : memref<10000x128xf32, #tpu.memory_space<hbm>>) target(%arg12 : memref<64x128xf32, #tpu.memory_space<vmem>>) offsets(%arg9 : memref<64xi32, #tpu.memory_space<vmem>>) semaphore(%arg18 : memref<!tpu.dma_semaphore, #tpu.memory_space<semaphore_mem>>)
      %mul3A_94 = arith.constant 32 : i32
      %mul3A_95 = arith.muli %while3A_83, %mul3A_94 : i32
      %add3A_96 = arith.addi %add3A, %mul3A_95 : i32
      %mul3A_97 = arith.constant 8 : i32
      %mul3A_98 = arith.muli %add3A_96, %mul3A_97 : i32
      %mul3A_99 = arith.constant 64 : i32
      %mul3A_100 = arith.muli %mul3A_98, %mul3A_99 : i32
      "tpu.region"() ({
        %run_scoped3A = tpu.sem_alloc : memref<!tpu.dma_semaphore, #tpu.memory_space<semaphore_mem>>
        %dma_start3A_111 = tpu.memref_slice %arg6[%mul3A_100] : memref<2560000xf32, #tpu.memory_space<hbm>> -> memref<512xf32, #tpu.memory_space<hbm>>
        %dma_start3A_112 = tpu.memref_slice %arg6[%mul3A_100] : memref<2560000xf32, #tpu.memory_space<hbm>> -> memref<512xf32, #tpu.memory_space<hbm>>
        tpu.enqueue_dma source(%dma_start3A_112 : memref<512xf32, #tpu.memory_space<hbm>>) target(%arg13 : memref<512xf32, #tpu.memory_space<vmem>>) target_semaphore(%run_scoped3A : memref<!tpu.dma_semaphore, #tpu.memory_space<semaphore_mem>>)
        %dma_wait3A_113 = tpu.memref_slice %arg6[%mul3A_100] : memref<2560000xf32, #tpu.memory_space<hbm>> -> memref<512xf32, #tpu.memory_space<hbm>>
        %dma_wait3A_114 = tpu.memref_slice %arg6[%mul3A_100] : memref<2560000xf32, #tpu.memory_space<hbm>> -> memref<512xf32, #tpu.memory_space<hbm>>
        tpu.wait_dma2 semaphore(%run_scoped3A : memref<!tpu.dma_semaphore, #tpu.memory_space<semaphore_mem>>) src(%dma_wait3A_114 : memref<512xf32, #tpu.memory_space<hbm>>) dst(%arg13 : memref<512xf32, #tpu.memory_space<vmem>>)
        tpu.yield
      }) : () -> ()
      %dma_wait3A = arith.constant 0 : i32
      %dma_wait3A_101 = arith.constant 0 : i32
      %dma_wait3A_102 = tpu.memref_slice %arg2[%dma_wait3A, %dma_wait3A_101] : memref<10000x128xf32, #tpu.memory_space<hbm>> -> memref<10000x128xf32, #tpu.memory_space<hbm>>
      tpu.wait_indirect_dma semaphore(%arg17 : memref<!tpu.dma_semaphore, #tpu.memory_space<semaphore_mem>>) src(%dma_wait3A_102 : memref<10000x128xf32, #tpu.memory_space<hbm>>) dst(%arg11 : memref<64x128xf32, #tpu.memory_space<vmem>>)
      %dma_wait3A_103 = arith.constant 0 : i32
      %dma_wait3A_104 = arith.constant 0 : i32
      %dma_wait3A_105 = tpu.memref_slice %arg3[%dma_wait3A_103, %dma_wait3A_104] : memref<10000x128xf32, #tpu.memory_space<hbm>> -> memref<10000x128xf32, #tpu.memory_space<hbm>>
      tpu.wait_indirect_dma semaphore(%arg18 : memref<!tpu.dma_semaphore, #tpu.memory_space<semaphore_mem>>) src(%dma_wait3A_105 : memref<10000x128xf32, #tpu.memory_space<hbm>>) dst(%arg12 : memref<64x128xf32, #tpu.memory_space<vmem>>)
      %scan3A = arith.constant 0 : i32
      %scan3A_106 = arith.constant 0 : i32
      %scan3A_107 = arith.constant 4 : i32
      %scan3A_108 = arith.addi %scan3A_106, %scan3A_107 : i32
      %scan3A_109 = arith.constant 1 : i32
      scf.for %scan3A_111 = %scan3A_106 to %scan3A_108 step %scan3A_109  : i32 {
        %mul3A_112 = arith.constant 16 : i32
        %mul3A_113 = arith.muli %scan3A_111, %mul3A_112 : i32
        %add3A_114 = vector.broadcast %mul3A_113 : i32 to vector<16xi32>
        %add3A_115 = arith.addi %iota3A, %add3A_114 : vector<16xi32>
        %scan3A_116 = arith.constant 0 : i32
        %scan3A_117 = arith.constant 0 : i32
        %scan3A_118 = arith.constant 8 : i32
        %scan3A_119 = arith.addi %scan3A_117, %scan3A_118 : i32
        %scan3A_120 = arith.constant 1 : i32
        scf.for %scan3A_122 = %scan3A_117 to %scan3A_119 step %scan3A_120  : i32 {
          %mul3A_123 = arith.constant 16 : i32
          %mul3A_124 = arith.muli %scan3A_122, %mul3A_123 : i32
          %broadcast_in_dim3A = arith.constant 0.000000e+00 : f32
          %broadcast_in_dim3A_125 = vector.broadcast %broadcast_in_dim3A : f32 to vector<16xf32>
          %add3A_126 = arith.constant 0 : i32
          %add3A_127 = arith.addi %mul3A_124, %add3A_126 : i32
          %broadcast_in_dim3A_128 = vector.broadcast %add3A_127 : i32 to vector<16xi32>
          %gather3A = tpu.vector_load_idx %arg11[%add3A_115, %broadcast_in_dim3A_128] : memref<64x128xf32, #tpu.memory_space<vmem>>[vector<16xi32>, vector<16xi32>], vector<16xf32>,
          %broadcast_in_dim3A_129 = vector.broadcast %add3A_127 : i32 to vector<16xi32>
          %gather3A_130 = tpu.vector_load_idx %arg12[%add3A_115, %broadcast_in_dim3A_129] : memref<64x128xf32, #tpu.memory_space<vmem>>[vector<16xi32>, vector<16xi32>], vector<16xf32>,
          %mul3A_131 = arith.mulf %gather3A, %gather3A_130 : vector<16xf32>
          %add3A_132 = arith.addf %broadcast_in_dim3A_125, %mul3A_131 : vector<16xf32>
          %add3A_133 = arith.constant 1 : i32
          %add3A_134 = arith.addi %mul3A_124, %add3A_133 : i32
          %broadcast_in_dim3A_135 = vector.broadcast %add3A_134 : i32 to vector<16xi32>
          %gather3A_136 = tpu.vector_load_idx %arg11[%add3A_115, %broadcast_in_dim3A_135] : memref<64x128xf32, #tpu.memory_space<vmem>>[vector<16xi32>, vector<16xi32>], vector<16xf32>,
          %broadcast_in_dim3A_137 = vector.broadcast %add3A_134 : i32 to vector<16xi32>
          %gather3A_138 = tpu.vector_load_idx %arg12[%add3A_115, %broadcast_in_dim3A_137] : memref<64x128xf32, #tpu.memory_space<vmem>>[vector<16xi32>, vector<16xi32>], vector<16xf32>,
          %mul3A_139 = arith.mulf %gather3A_136, %gather3A_138 : vector<16xf32>
          %add3A_140 = arith.addf %add3A_132, %mul3A_139 : vector<16xf32>
          %add3A_141 = arith.constant 2 : i32
          %add3A_142 = arith.addi %mul3A_124, %add3A_141 : i32
          %broadcast_in_dim3A_143 = vector.broadcast %add3A_142 : i32 to vector<16xi32>
          %gather3A_144 = tpu.vector_load_idx %arg11[%add3A_115, %broadcast_in_dim3A_143] : memref<64x128xf32, #tpu.memory_space<vmem>>[vector<16xi32>, vector<16xi32>], vector<16xf32>,
          %broadcast_in_dim3A_145 = vector.broadcast %add3A_142 : i32 to vector<16xi32>
          %gather3A_146 = tpu.vector_load_idx %arg12[%add3A_115, %broadcast_in_dim3A_145] : memref<64x128xf32, #tpu.memory_space<vmem>>[vector<16xi32>, vector<16xi32>], vector<16xf32>,
          %mul3A_147 = arith.mulf %gather3A_144, %gather3A_146 : vector<16xf32>
          %add3A_148 = arith.addf %add3A_140, %mul3A_147 : vector<16xf32>
          %add3A_149 = arith.constant 3 : i32
          %add3A_150 = arith.addi %mul3A_124, %add3A_149 : i32
          %broadcast_in_dim3A_151 = vector.broadcast %add3A_150 : i32 to vector<16xi32>
          %gather3A_152 = tpu.vector_load_idx %arg11[%add3A_115, %broadcast_in_dim3A_151] : memref<64x128xf32, #tpu.memory_space<vmem>>[vector<16xi32>, vector<16xi32>], vector<16xf32>,
          %broadcast_in_dim3A_153 = vector.broadcast %add3A_150 : i32 to vector<16xi32>
          %gather3A_154 = tpu.vector_load_idx %arg12[%add3A_115, %broadcast_in_dim3A_153] : memref<64x128xf32, #tpu.memory_space<vmem>>[vector<16xi32>, vector<16xi32>], vector<16xf32>,
          %mul3A_155 = arith.mulf %gather3A_152, %gather3A_154 : vector<16xf32>
          %add3A_156 = arith.addf %add3A_148, %mul3A_155 : vector<16xf32>
          %add3A_157 = arith.constant 4 : i32
          %add3A_158 = arith.addi %mul3A_124, %add3A_157 : i32
          %broadcast_in_dim3A_159 = vector.broadcast %add3A_158 : i32 to vector<16xi32>
          %gather3A_160 = tpu.vector_load_idx %arg11[%add3A_115, %broadcast_in_dim3A_159] : memref<64x128xf32, #tpu.memory_space<vmem>>[vector<16xi32>, vector<16xi32>], vector<16xf32>,
          %broadcast_in_dim3A_161 = vector.broadcast %add3A_158 : i32 to vector<16xi32>
          %gather3A_162 = tpu.vector_load_idx %arg12[%add3A_115, %broadcast_in_dim3A_161] : memref<64x128xf32, #tpu.memory_space<vmem>>[vector<16xi32>, vector<16xi32>], vector<16xf32>,
          %mul3A_163 = arith.mulf %gather3A_160, %gather3A_162 : vector<16xf32>
          %add3A_164 = arith.addf %add3A_156, %mul3A_163 : vector<16xf32>
          %add3A_165 = arith.constant 5 : i32
          %add3A_166 = arith.addi %mul3A_124, %add3A_165 : i32
          %broadcast_in_dim3A_167 = vector.broadcast %add3A_166 : i32 to vector<16xi32>
          %gather3A_168 = tpu.vector_load_idx %arg11[%add3A_115, %broadcast_in_dim3A_167] : memref<64x128xf32, #tpu.memory_space<vmem>>[vector<16xi32>, vector<16xi32>], vector<16xf32>,
          %broadcast_in_dim3A_169 = vector.broadcast %add3A_166 : i32 to vector<16xi32>
          %gather3A_170 = tpu.vector_load_idx %arg12[%add3A_115, %broadcast_in_dim3A_169] : memref<64x128xf32, #tpu.memory_space<vmem>>[vector<16xi32>, vector<16xi32>], vector<16xf32>,
          %mul3A_171 = arith.mulf %gather3A_168, %gather3A_170 : vector<16xf32>
          %add3A_172 = arith.addf %add3A_164, %mul3A_171 : vector<16xf32>
          %add3A_173 = arith.constant 6 : i32
          %add3A_174 = arith.addi %mul3A_124, %add3A_173 : i32
          %broadcast_in_dim3A_175 = vector.broadcast %add3A_174 : i32 to vector<16xi32>
          %gather3A_176 = tpu.vector_load_idx %arg11[%add3A_115, %broadcast_in_dim3A_175] : memref<64x128xf32, #tpu.memory_space<vmem>>[vector<16xi32>, vector<16xi32>], vector<16xf32>,
          %broadcast_in_dim3A_177 = vector.broadcast %add3A_174 : i32 to vector<16xi32>
          %gather3A_178 = tpu.vector_load_idx %arg12[%add3A_115, %broadcast_in_dim3A_177] : memref<64x128xf32, #tpu.memory_space<vmem>>[vector<16xi32>, vector<16xi32>], vector<16xf32>,
          %mul3A_179 = arith.mulf %gather3A_176, %gather3A_178 : vector<16xf32>
          %add3A_180 = arith.addf %add3A_172, %mul3A_179 : vector<16xf32>
          %add3A_181 = arith.constant 7 : i32
          %add3A_182 = arith.addi %mul3A_124, %add3A_181 : i32
          %broadcast_in_dim3A_183 = vector.broadcast %add3A_182 : i32 to vector<16xi32>
          %gather3A_184 = tpu.vector_load_idx %arg11[%add3A_115, %broadcast_in_dim3A_183] : memref<64x128xf32, #tpu.memory_space<vmem>>[vector<16xi32>, vector<16xi32>], vector<16xf32>,
          %broadcast_in_dim3A_185 = vector.broadcast %add3A_182 : i32 to vector<16xi32>
          %gather3A_186 = tpu.vector_load_idx %arg12[%add3A_115, %broadcast_in_dim3A_185] : memref<64x128xf32, #tpu.memory_space<vmem>>[vector<16xi32>, vector<16xi32>], vector<16xf32>,
          %mul3A_187 = arith.mulf %gather3A_184, %gather3A_186 : vector<16xf32>
          %add3A_188 = arith.addf %add3A_180, %mul3A_187 : vector<16xf32>
          %add3A_189 = arith.constant 8 : i32
          %add3A_190 = arith.addi %mul3A_124, %add3A_189 : i32
          %broadcast_in_dim3A_191 = vector.broadcast %add3A_190 : i32 to vector<16xi32>
          %gather3A_192 = tpu.vector_load_idx %arg11[%add3A_115, %broadcast_in_dim3A_191] : memref<64x128xf32, #tpu.memory_space<vmem>>[vector<16xi32>, vector<16xi32>], vector<16xf32>,
          %broadcast_in_dim3A_193 = vector.broadcast %add3A_190 : i32 to vector<16xi32>
          %gather3A_194 = tpu.vector_load_idx %arg12[%add3A_115, %broadcast_in_dim3A_193] : memref<64x128xf32, #tpu.memory_space<vmem>>[vector<16xi32>, vector<16xi32>], vector<16xf32>,
          %mul3A_195 = arith.mulf %gather3A_192, %gather3A_194 : vector<16xf32>
          %add3A_196 = arith.addf %add3A_188, %mul3A_195 : vector<16xf32>
          %add3A_197 = arith.constant 9 : i32
          %add3A_198 = arith.addi %mul3A_124, %add3A_197 : i32
          %broadcast_in_dim3A_199 = vector.broadcast %add3A_198 : i32 to vector<16xi32>
          %gather3A_200 = tpu.vector_load_idx %arg11[%add3A_115, %broadcast_in_dim3A_199] : memref<64x128xf32, #tpu.memory_space<vmem>>[vector<16xi32>, vector<16xi32>], vector<16xf32>,
          %broadcast_in_dim3A_201 = vector.broadcast %add3A_198 : i32 to vector<16xi32>
          %gather3A_202 = tpu.vector_load_idx %arg12[%add3A_115, %broadcast_in_dim3A_201] : memref<64x128xf32, #tpu.memory_space<vmem>>[vector<16xi32>, vector<16xi32>], vector<16xf32>,
          %mul3A_203 = arith.mulf %gather3A_200, %gather3A_202 : vector<16xf32>
          %add3A_204 = arith.addf %add3A_196, %mul3A_203 : vector<16xf32>
          %add3A_205 = arith.constant 10 : i32
          %add3A_206 = arith.addi %mul3A_124, %add3A_205 : i32
          %broadcast_in_dim3A_207 = vector.broadcast %add3A_206 : i32 to vector<16xi32>
          %gather3A_208 = tpu.vector_load_idx %arg11[%add3A_115, %broadcast_in_dim3A_207] : memref<64x128xf32, #tpu.memory_space<vmem>>[vector<16xi32>, vector<16xi32>], vector<16xf32>,
          %broadcast_in_dim3A_209 = vector.broadcast %add3A_206 : i32 to vector<16xi32>
          %gather3A_210 = tpu.vector_load_idx %arg12[%add3A_115, %broadcast_in_dim3A_209] : memref<64x128xf32, #tpu.memory_space<vmem>>[vector<16xi32>, vector<16xi32>], vector<16xf32>,
          %mul3A_211 = arith.mulf %gather3A_208, %gather3A_210 : vector<16xf32>
          %add3A_212 = arith.addf %add3A_204, %mul3A_211 : vector<16xf32>
          %add3A_213 = arith.constant 11 : i32
          %add3A_214 = arith.addi %mul3A_124, %add3A_213 : i32
          %broadcast_in_dim3A_215 = vector.broadcast %add3A_214 : i32 to vector<16xi32>
          %gather3A_216 = tpu.vector_load_idx %arg11[%add3A_115, %broadcast_in_dim3A_215] : memref<64x128xf32, #tpu.memory_space<vmem>>[vector<16xi32>, vector<16xi32>], vector<16xf32>,
          %broadcast_in_dim3A_217 = vector.broadcast %add3A_214 : i32 to vector<16xi32>
          %gather3A_218 = tpu.vector_load_idx %arg12[%add3A_115, %broadcast_in_dim3A_217] : memref<64x128xf32, #tpu.memory_space<vmem>>[vector<16xi32>, vector<16xi32>], vector<16xf32>,
          %mul3A_219 = arith.mulf %gather3A_216, %gather3A_218 : vector<16xf32>
          %add3A_220 = arith.addf %add3A_212, %mul3A_219 : vector<16xf32>
          %add3A_221 = arith.constant 12 : i32
          %add3A_222 = arith.addi %mul3A_124, %add3A_221 : i32
          %broadcast_in_dim3A_223 = vector.broadcast %add3A_222 : i32 to vector<16xi32>
          %gather3A_224 = tpu.vector_load_idx %arg11[%add3A_115, %broadcast_in_dim3A_223] : memref<64x128xf32, #tpu.memory_space<vmem>>[vector<16xi32>, vector<16xi32>], vector<16xf32>,
          %broadcast_in_dim3A_225 = vector.broadcast %add3A_222 : i32 to vector<16xi32>
          %gather3A_226 = tpu.vector_load_idx %arg12[%add3A_115, %broadcast_in_dim3A_225] : memref<64x128xf32, #tpu.memory_space<vmem>>[vector<16xi32>, vector<16xi32>], vector<16xf32>,
          %mul3A_227 = arith.mulf %gather3A_224, %gather3A_226 : vector<16xf32>
          %add3A_228 = arith.addf %add3A_220, %mul3A_227 : vector<16xf32>
          %add3A_229 = arith.constant 13 : i32
          %add3A_230 = arith.addi %mul3A_124, %add3A_229 : i32
          %broadcast_in_dim3A_231 = vector.broadcast %add3A_230 : i32 to vector<16xi32>
          %gather3A_232 = tpu.vector_load_idx %arg11[%add3A_115, %broadcast_in_dim3A_231] : memref<64x128xf32, #tpu.memory_space<vmem>>[vector<16xi32>, vector<16xi32>], vector<16xf32>,
          %broadcast_in_dim3A_233 = vector.broadcast %add3A_230 : i32 to vector<16xi32>
          %gather3A_234 = tpu.vector_load_idx %arg12[%add3A_115, %broadcast_in_dim3A_233] : memref<64x128xf32, #tpu.memory_space<vmem>>[vector<16xi32>, vector<16xi32>], vector<16xf32>,
          %mul3A_235 = arith.mulf %gather3A_232, %gather3A_234 : vector<16xf32>
          %add3A_236 = arith.addf %add3A_228, %mul3A_235 : vector<16xf32>
          %add3A_237 = arith.constant 14 : i32
          %add3A_238 = arith.addi %mul3A_124, %add3A_237 : i32
          %broadcast_in_dim3A_239 = vector.broadcast %add3A_238 : i32 to vector<16xi32>
          %gather3A_240 = tpu.vector_load_idx %arg11[%add3A_115, %broadcast_in_dim3A_239] : memref<64x128xf32, #tpu.memory_space<vmem>>[vector<16xi32>, vector<16xi32>], vector<16xf32>,
          %broadcast_in_dim3A_241 = vector.broadcast %add3A_238 : i32 to vector<16xi32>
          %gather3A_242 = tpu.vector_load_idx %arg12[%add3A_115, %broadcast_in_dim3A_241] : memref<64x128xf32, #tpu.memory_space<vmem>>[vector<16xi32>, vector<16xi32>], vector<16xf32>,
          %mul3A_243 = arith.mulf %gather3A_240, %gather3A_242 : vector<16xf32>
          %add3A_244 = arith.addf %add3A_236, %mul3A_243 : vector<16xf32>
          %add3A_245 = arith.constant 15 : i32
          %add3A_246 = arith.addi %mul3A_124, %add3A_245 : i32
          %broadcast_in_dim3A_247 = vector.broadcast %add3A_246 : i32 to vector<16xi32>
          %gather3A_248 = tpu.vector_load_idx %arg11[%add3A_115, %broadcast_in_dim3A_247] : memref<64x128xf32, #tpu.memory_space<vmem>>[vector<16xi32>, vector<16xi32>], vector<16xf32>,
          %broadcast_in_dim3A_249 = vector.broadcast %add3A_246 : i32 to vector<16xi32>
          %gather3A_250 = tpu.vector_load_idx %arg12[%add3A_115, %broadcast_in_dim3A_249] : memref<64x128xf32, #tpu.memory_space<vmem>>[vector<16xi32>, vector<16xi32>], vector<16xf32>,
          %mul3A_251 = arith.mulf %gather3A_248, %gather3A_250 : vector<16xf32>
          %add3A_252 = arith.addf %add3A_244, %mul3A_251 : vector<16xf32>
          %mul3A_253 = arith.constant 64 : i32
          %mul3A_254 = arith.muli %scan3A_122, %mul3A_253 : i32
          %add3A_255 = vector.broadcast %mul3A_254 : i32 to vector<16xi32>
          %add3A_256 = arith.addi %add3A_255, %add3A_115 : vector<16xi32>
          %gather3A_257 = tpu.vector_load_idx %arg13[%add3A_256] : memref<512xf32, #tpu.memory_space<vmem>>[vector<16xi32>], vector<16xf32>,
          %mul3A_258 = arith.constant 2.500000e-01 : f32
          %mul3A_259 = vector.broadcast %mul3A_258 : f32 to vector<16xf32>
          %mul3A_260 = arith.mulf %add3A_252, %mul3A_259 : vector<16xf32>
          %add3A_261 = arith.addf %mul3A_260, %gather3A_257 : vector<16xf32>
          %exp3A = math.exp %add3A_261 : vector<16xf32>
          %broadcast_in_dim3A_262 = vector.broadcast %mul3A_124 : i32 to vector<16xi32>
          tpu.vector_store_idx %arg14[%add3A_115, %broadcast_in_dim3A_262], %exp3A : memref<64x128xf32, #tpu.memory_space<vmem>>[vector<16xi32>, vector<16xi32>], vector<16xf32>,
        }
        %scan3A_121 = arith.constant 8 : i32
      }
      %scan3A_110 = arith.constant 4 : i32
      "tpu.region"() ({
        %run_scoped3A = tpu.sem_alloc : memref<!tpu.dma_semaphore, #tpu.memory_space<semaphore_mem>>
        %dma_start3A_111 = arith.constant 0 : i32
        %dma_start3A_112 = arith.constant 0 : i32
        %dma_start3A_113 = tpu.memref_slice %arg16[%dma_start3A_111, %dma_start3A_112] : memref<10000x128xf32, #tpu.memory_space<vmem_shared>> -> memref<10000x128xf32, #tpu.memory_space<vmem_shared>>
        tpu.enqueue_indirect_dma source(%arg14 : memref<64x128xf32, #tpu.memory_space<vmem>>) target(%dma_start3A_113 : memref<10000x128xf32, #tpu.memory_space<vmem_shared>>) offsets(%arg10 : memref<64xi32, #tpu.memory_space<vmem>>) semaphore(%run_scoped3A : memref<!tpu.dma_semaphore, #tpu.memory_space<semaphore_mem>>) {add = true}
        %dma_wait3A_114 = arith.constant 0 : i32
        %dma_wait3A_115 = arith.constant 0 : i32
        %dma_wait3A_116 = tpu.memref_slice %arg16[%dma_wait3A_114, %dma_wait3A_115] : memref<10000x128xf32, #tpu.memory_space<vmem_shared>> -> memref<10000x128xf32, #tpu.memory_space<vmem_shared>>
        tpu.wait_indirect_dma semaphore(%run_scoped3A : memref<!tpu.dma_semaphore, #tpu.memory_space<semaphore_mem>>) src(%arg14 : memref<64x128xf32, #tpu.memory_space<vmem>>) dst(%dma_wait3A_116 : memref<10000x128xf32, #tpu.memory_space<vmem_shared>>)
        tpu.yield
      }) : () -> ()
    }
    %while3A_71 = arith.constant 1 : i32
    scf.for %while3A_83 = %while3A_69 to %while3A_65 step %while3A_71  : i32 {
      %mul3A_84 = arith.constant 32 : i32
      %mul3A_85 = arith.muli %while3A_83, %mul3A_84 : i32
      %add3A_86 = arith.addi %add3A, %mul3A_85 : i32
      %mul3A_87 = arith.constant 64 : i32
      %mul3A_88 = arith.muli %add3A_86, %mul3A_87 : i32
      "tpu.region"() ({
        %run_scoped3A = tpu.sem_alloc : memref<!tpu.dma_semaphore, #tpu.memory_space<semaphore_mem>>
        %dma_start3A_111 = tpu.memref_slice %arg4[%mul3A_88] : memref<320000xi32, #tpu.memory_space<hbm>> -> memref<64xi32, #tpu.memory_space<hbm>>
        %dma_start3A_112 = tpu.memref_slice %arg4[%mul3A_88] : memref<320000xi32, #tpu.memory_space<hbm>> -> memref<64xi32, #tpu.memory_space<hbm>>
        tpu.enqueue_dma source(%dma_start3A_112 : memref<64xi32, #tpu.memory_space<hbm>>) target(%arg9 : memref<64xi32, #tpu.memory_space<vmem>>) target_semaphore(%run_scoped3A : memref<!tpu.dma_semaphore, #tpu.memory_space<semaphore_mem>>)
        %dma_wait3A_113 = tpu.memref_slice %arg4[%mul3A_88] : memref<320000xi32, #tpu.memory_space<hbm>> -> memref<64xi32, #tpu.memory_space<hbm>>
        %dma_wait3A_114 = tpu.memref_slice %arg4[%mul3A_88] : memref<320000xi32, #tpu.memory_space<hbm>> -> memref<64xi32, #tpu.memory_space<hbm>>
        tpu.wait_dma2 semaphore(%run_scoped3A : memref<!tpu.dma_semaphore, #tpu.memory_space<semaphore_mem>>) src(%dma_wait3A_114 : memref<64xi32, #tpu.memory_space<hbm>>) dst(%arg9 : memref<64xi32, #tpu.memory_space<vmem>>)
        tpu.yield
      }) : () -> ()
      "tpu.region"() ({
        %run_scoped3A = tpu.sem_alloc : memref<!tpu.dma_semaphore, #tpu.memory_space<semaphore_mem>>
        %dma_start3A_111 = tpu.memref_slice %arg5[%mul3A_88] : memref<320000xi32, #tpu.memory_space<hbm>> -> memref<64xi32, #tpu.memory_space<hbm>>
        %dma_start3A_112 = tpu.memref_slice %arg5[%mul3A_88] : memref<320000xi32, #tpu.memory_space<hbm>> -> memref<64xi32, #tpu.memory_space<hbm>>
        tpu.enqueue_dma source(%dma_start3A_112 : memref<64xi32, #tpu.memory_space<hbm>>) target(%arg10 : memref<64xi32, #tpu.memory_space<vmem>>) target_semaphore(%run_scoped3A : memref<!tpu.dma_semaphore, #tpu.memory_space<semaphore_mem>>)
        %dma_wait3A_113 = tpu.memref_slice %arg5[%mul3A_88] : memref<320000xi32, #tpu.memory_space<hbm>> -> memref<64xi32, #tpu.memory_space<hbm>>
        %dma_wait3A_114 = tpu.memref_slice %arg5[%mul3A_88] : memref<320000xi32, #tpu.memory_space<hbm>> -> memref<64xi32, #tpu.memory_space<hbm>>
        tpu.wait_dma2 semaphore(%run_scoped3A : memref<!tpu.dma_semaphore, #tpu.memory_space<semaphore_mem>>) src(%dma_wait3A_114 : memref<64xi32, #tpu.memory_space<hbm>>) dst(%arg10 : memref<64xi32, #tpu.memory_space<vmem>>)
        tpu.yield
      }) : () -> ()
      %dma_start3A = arith.constant 0 : i32
      %dma_start3A_89 = arith.constant 0 : i32
      %dma_start3A_90 = tpu.memref_slice %arg2[%dma_start3A, %dma_start3A_89] : memref<10000x128xf32, #tpu.memory_space<hbm>> -> memref<10000x128xf32, #tpu.memory_space<hbm>>
      tpu.enqueue_indirect_dma source(%dma_start3A_90 : memref<10000x128xf32, #tpu.memory_space<hbm>>) target(%arg11 : memref<64x128xf32, #tpu.memory_space<vmem>>) offsets(%arg10 : memref<64xi32, #tpu.memory_space<vmem>>) semaphore(%arg17 : memref<!tpu.dma_semaphore, #tpu.memory_space<semaphore_mem>>)
      %dma_start3A_91 = arith.constant 0 : i32
      %dma_start3A_92 = arith.constant 0 : i32
      %dma_start3A_93 = tpu.memref_slice %arg3[%dma_start3A_91, %dma_start3A_92] : memref<10000x128xf32, #tpu.memory_space<hbm>> -> memref<10000x128xf32, #tpu.memory_space<hbm>>
      tpu.enqueue_indirect_dma source(%dma_start3A_93 : memref<10000x128xf32, #tpu.memory_space<hbm>>) target(%arg12 : memref<64x128xf32, #tpu.memory_space<vmem>>) offsets(%arg9 : memref<64xi32, #tpu.memory_space<vmem>>) semaphore(%arg18 : memref<!tpu.dma_semaphore, #tpu.memory_space<semaphore_mem>>)
      %mul3A_94 = arith.constant 32 : i32
      %mul3A_95 = arith.muli %while3A_83, %mul3A_94 : i32
      %add3A_96 = arith.addi %add3A, %mul3A_95 : i32
      %mul3A_97 = arith.constant 8 : i32
      %mul3A_98 = arith.muli %add3A_96, %mul3A_97 : i32
      %mul3A_99 = arith.constant 64 : i32
      %mul3A_100 = arith.muli %mul3A_98, %mul3A_99 : i32
      "tpu.region"() ({
        %run_scoped3A = tpu.sem_alloc : memref<!tpu.dma_semaphore, #tpu.memory_space<semaphore_mem>>
        %dma_start3A_111 = tpu.memref_slice %arg6[%mul3A_100] : memref<2560000xf32, #tpu.memory_space<hbm>> -> memref<512xf32, #tpu.memory_space<hbm>>
        %dma_start3A_112 = tpu.memref_slice %arg6[%mul3A_100] : memref<2560000xf32, #tpu.memory_space<hbm>> -> memref<512xf32, #tpu.memory_space<hbm>>
        tpu.enqueue_dma source(%dma_start3A_112 : memref<512xf32, #tpu.memory_space<hbm>>) target(%arg13 : memref<512xf32, #tpu.memory_space<vmem>>) target_semaphore(%run_scoped3A : memref<!tpu.dma_semaphore, #tpu.memory_space<semaphore_mem>>)
        %dma_wait3A_113 = tpu.memref_slice %arg6[%mul3A_100] : memref<2560000xf32, #tpu.memory_space<hbm>> -> memref<512xf32, #tpu.memory_space<hbm>>
        %dma_wait3A_114 = tpu.memref_slice %arg6[%mul3A_100] : memref<2560000xf32, #tpu.memory_space<hbm>> -> memref<512xf32, #tpu.memory_space<hbm>>
        tpu.wait_dma2 semaphore(%run_scoped3A : memref<!tpu.dma_semaphore, #tpu.memory_space<semaphore_mem>>) src(%dma_wait3A_114 : memref<512xf32, #tpu.memory_space<hbm>>) dst(%arg13 : memref<512xf32, #tpu.memory_space<vmem>>)
        tpu.yield
      }) : () -> ()
      %dma_wait3A = arith.constant 0 : i32
      %dma_wait3A_101 = arith.constant 0 : i32
      %dma_wait3A_102 = tpu.memref_slice %arg2[%dma_wait3A, %dma_wait3A_101] : memref<10000x128xf32, #tpu.memory_space<hbm>> -> memref<10000x128xf32, #tpu.memory_space<hbm>>
      tpu.wait_indirect_dma semaphore(%arg17 : memref<!tpu.dma_semaphore, #tpu.memory_space<semaphore_mem>>) src(%dma_wait3A_102 : memref<10000x128xf32, #tpu.memory_space<hbm>>) dst(%arg11 : memref<64x128xf32, #tpu.memory_space<vmem>>)
      %dma_wait3A_103 = arith.constant 0 : i32
      %dma_wait3A_104 = arith.constant 0 : i32
      %dma_wait3A_105 = tpu.memref_slice %arg3[%dma_wait3A_103, %dma_wait3A_104] : memref<10000x128xf32, #tpu.memory_space<hbm>> -> memref<10000x128xf32, #tpu.memory_space<hbm>>
      tpu.wait_indirect_dma semaphore(%arg18 : memref<!tpu.dma_semaphore, #tpu.memory_space<semaphore_mem>>) src(%dma_wait3A_105 : memref<10000x128xf32, #tpu.memory_space<hbm>>) dst(%arg12 : memref<64x128xf32, #tpu.memory_space<vmem>>)
      %scan3A = arith.constant 0 : i32
      %scan3A_106 = arith.constant 0 : i32
      %scan3A_107 = arith.constant 4 : i32
      %scan3A_108 = arith.addi %scan3A_106, %scan3A_107 : i32
      %scan3A_109 = arith.constant 1 : i32
      scf.for %scan3A_111 = %scan3A_106 to %scan3A_108 step %scan3A_109  : i32 {
        %mul3A_112 = arith.constant 16 : i32
        %mul3A_113 = arith.muli %scan3A_111, %mul3A_112 : i32
        %add3A_114 = vector.broadcast %mul3A_113 : i32 to vector<16xi32>
        %add3A_115 = arith.addi %iota3A, %add3A_114 : vector<16xi32>
        %scan3A_116 = arith.constant 0 : i32
        %scan3A_117 = arith.constant 0 : i32
        %scan3A_118 = arith.constant 8 : i32
        %scan3A_119 = arith.addi %scan3A_117, %scan3A_118 : i32
        %scan3A_120 = arith.constant 1 : i32
        scf.for %scan3A_122 = %scan3A_117 to %scan3A_119 step %scan3A_120  : i32 {
          %mul3A_123 = arith.constant 16 : i32
          %mul3A_124 = arith.muli %scan3A_122, %mul3A_123 : i32
          %broadcast_in_dim3A = arith.constant 0.000000e+00 : f32
          %broadcast_in_dim3A_125 = vector.broadcast %broadcast_in_dim3A : f32 to vector<16xf32>
          %add3A_126 = arith.constant 0 : i32
          %add3A_127 = arith.addi %mul3A_124, %add3A_126 : i32
          %broadcast_in_dim3A_128 = vector.broadcast %add3A_127 : i32 to vector<16xi32>
          %gather3A = tpu.vector_load_idx %arg11[%add3A_115, %broadcast_in_dim3A_128] : memref<64x128xf32, #tpu.memory_space<vmem>>[vector<16xi32>, vector<16xi32>], vector<16xf32>,
          %broadcast_in_dim3A_129 = vector.broadcast %add3A_127 : i32 to vector<16xi32>
          %gather3A_130 = tpu.vector_load_idx %arg12[%add3A_115, %broadcast_in_dim3A_129] : memref<64x128xf32, #tpu.memory_space<vmem>>[vector<16xi32>, vector<16xi32>], vector<16xf32>,
          %mul3A_131 = arith.mulf %gather3A, %gather3A_130 : vector<16xf32>
          %add3A_132 = arith.addf %broadcast_in_dim3A_125, %mul3A_131 : vector<16xf32>
          %add3A_133 = arith.constant 1 : i32
          %add3A_134 = arith.addi %mul3A_124, %add3A_133 : i32
          %broadcast_in_dim3A_135 = vector.broadcast %add3A_134 : i32 to vector<16xi32>
          %gather3A_136 = tpu.vector_load_idx %arg11[%add3A_115, %broadcast_in_dim3A_135] : memref<64x128xf32, #tpu.memory_space<vmem>>[vector<16xi32>, vector<16xi32>], vector<16xf32>,
          %broadcast_in_dim3A_137 = vector.broadcast %add3A_134 : i32 to vector<16xi32>
          %gather3A_138 = tpu.vector_load_idx %arg12[%add3A_115, %broadcast_in_dim3A_137] : memref<64x128xf32, #tpu.memory_space<vmem>>[vector<16xi32>, vector<16xi32>], vector<16xf32>,
          %mul3A_139 = arith.mulf %gather3A_136, %gather3A_138 : vector<16xf32>
          %add3A_140 = arith.addf %add3A_132, %mul3A_139 : vector<16xf32>
          %add3A_141 = arith.constant 2 : i32
          %add3A_142 = arith.addi %mul3A_124, %add3A_141 : i32
          %broadcast_in_dim3A_143 = vector.broadcast %add3A_142 : i32 to vector<16xi32>
          %gather3A_144 = tpu.vector_load_idx %arg11[%add3A_115, %broadcast_in_dim3A_143] : memref<64x128xf32, #tpu.memory_space<vmem>>[vector<16xi32>, vector<16xi32>], vector<16xf32>,
          %broadcast_in_dim3A_145 = vector.broadcast %add3A_142 : i32 to vector<16xi32>
          %gather3A_146 = tpu.vector_load_idx %arg12[%add3A_115, %broadcast_in_dim3A_145] : memref<64x128xf32, #tpu.memory_space<vmem>>[vector<16xi32>, vector<16xi32>], vector<16xf32>,
          %mul3A_147 = arith.mulf %gather3A_144, %gather3A_146 : vector<16xf32>
          %add3A_148 = arith.addf %add3A_140, %mul3A_147 : vector<16xf32>
          %add3A_149 = arith.constant 3 : i32
          %add3A_150 = arith.addi %mul3A_124, %add3A_149 : i32
          %broadcast_in_dim3A_151 = vector.broadcast %add3A_150 : i32 to vector<16xi32>
          %gather3A_152 = tpu.vector_load_idx %arg11[%add3A_115, %broadcast_in_dim3A_151] : memref<64x128xf32, #tpu.memory_space<vmem>>[vector<16xi32>, vector<16xi32>], vector<16xf32>,
          %broadcast_in_dim3A_153 = vector.broadcast %add3A_150 : i32 to vector<16xi32>
          %gather3A_154 = tpu.vector_load_idx %arg12[%add3A_115, %broadcast_in_dim3A_153] : memref<64x128xf32, #tpu.memory_space<vmem>>[vector<16xi32>, vector<16xi32>], vector<16xf32>,
          %mul3A_155 = arith.mulf %gather3A_152, %gather3A_154 : vector<16xf32>
          %add3A_156 = arith.addf %add3A_148, %mul3A_155 : vector<16xf32>
          %add3A_157 = arith.constant 4 : i32
          %add3A_158 = arith.addi %mul3A_124, %add3A_157 : i32
          %broadcast_in_dim3A_159 = vector.broadcast %add3A_158 : i32 to vector<16xi32>
          %gather3A_160 = tpu.vector_load_idx %arg11[%add3A_115, %broadcast_in_dim3A_159] : memref<64x128xf32, #tpu.memory_space<vmem>>[vector<16xi32>, vector<16xi32>], vector<16xf32>,
          %broadcast_in_dim3A_161 = vector.broadcast %add3A_158 : i32 to vector<16xi32>
          %gather3A_162 = tpu.vector_load_idx %arg12[%add3A_115, %broadcast_in_dim3A_161] : memref<64x128xf32, #tpu.memory_space<vmem>>[vector<16xi32>, vector<16xi32>], vector<16xf32>,
          %mul3A_163 = arith.mulf %gather3A_160, %gather3A_162 : vector<16xf32>
          %add3A_164 = arith.addf %add3A_156, %mul3A_163 : vector<16xf32>
          %add3A_165 = arith.constant 5 : i32
          %add3A_166 = arith.addi %mul3A_124, %add3A_165 : i32
          %broadcast_in_dim3A_167 = vector.broadcast %add3A_166 : i32 to vector<16xi32>
          %gather3A_168 = tpu.vector_load_idx %arg11[%add3A_115, %broadcast_in_dim3A_167] : memref<64x128xf32, #tpu.memory_space<vmem>>[vector<16xi32>, vector<16xi32>], vector<16xf32>,
          %broadcast_in_dim3A_169 = vector.broadcast %add3A_166 : i32 to vector<16xi32>
          %gather3A_170 = tpu.vector_load_idx %arg12[%add3A_115, %broadcast_in_dim3A_169] : memref<64x128xf32, #tpu.memory_space<vmem>>[vector<16xi32>, vector<16xi32>], vector<16xf32>,
          %mul3A_171 = arith.mulf %gather3A_168, %gather3A_170 : vector<16xf32>
          %add3A_172 = arith.addf %add3A_164, %mul3A_171 : vector<16xf32>
          %add3A_173 = arith.constant 6 : i32
          %add3A_174 = arith.addi %mul3A_124, %add3A_173 : i32
          %broadcast_in_dim3A_175 = vector.broadcast %add3A_174 : i32 to vector<16xi32>
          %gather3A_176 = tpu.vector_load_idx %arg11[%add3A_115, %broadcast_in_dim3A_175] : memref<64x128xf32, #tpu.memory_space<vmem>>[vector<16xi32>, vector<16xi32>], vector<16xf32>,
          %broadcast_in_dim3A_177 = vector.broadcast %add3A_174 : i32 to vector<16xi32>
          %gather3A_178 = tpu.vector_load_idx %arg12[%add3A_115, %broadcast_in_dim3A_177] : memref<64x128xf32, #tpu.memory_space<vmem>>[vector<16xi32>, vector<16xi32>], vector<16xf32>,
          %mul3A_179 = arith.mulf %gather3A_176, %gather3A_178 : vector<16xf32>
          %add3A_180 = arith.addf %add3A_172, %mul3A_179 : vector<16xf32>
          %add3A_181 = arith.constant 7 : i32
          %add3A_182 = arith.addi %mul3A_124, %add3A_181 : i32
          %broadcast_in_dim3A_183 = vector.broadcast %add3A_182 : i32 to vector<16xi32>
          %gather3A_184 = tpu.vector_load_idx %arg11[%add3A_115, %broadcast_in_dim3A_183] : memref<64x128xf32, #tpu.memory_space<vmem>>[vector<16xi32>, vector<16xi32>], vector<16xf32>,
          %broadcast_in_dim3A_185 = vector.broadcast %add3A_182 : i32 to vector<16xi32>
          %gather3A_186 = tpu.vector_load_idx %arg12[%add3A_115, %broadcast_in_dim3A_185] : memref<64x128xf32, #tpu.memory_space<vmem>>[vector<16xi32>, vector<16xi32>], vector<16xf32>,
          %mul3A_187 = arith.mulf %gather3A_184, %gather3A_186 : vector<16xf32>
          %add3A_188 = arith.addf %add3A_180, %mul3A_187 : vector<16xf32>
          %add3A_189 = arith.constant 8 : i32
          %add3A_190 = arith.addi %mul3A_124, %add3A_189 : i32
          %broadcast_in_dim3A_191 = vector.broadcast %add3A_190 : i32 to vector<16xi32>
          %gather3A_192 = tpu.vector_load_idx %arg11[%add3A_115, %broadcast_in_dim3A_191] : memref<64x128xf32, #tpu.memory_space<vmem>>[vector<16xi32>, vector<16xi32>], vector<16xf32>,
          %broadcast_in_dim3A_193 = vector.broadcast %add3A_190 : i32 to vector<16xi32>
          %gather3A_194 = tpu.vector_load_idx %arg12[%add3A_115, %broadcast_in_dim3A_193] : memref<64x128xf32, #tpu.memory_space<vmem>>[vector<16xi32>, vector<16xi32>], vector<16xf32>,
          %mul3A_195 = arith.mulf %gather3A_192, %gather3A_194 : vector<16xf32>
          %add3A_196 = arith.addf %add3A_188, %mul3A_195 : vector<16xf32>
          %add3A_197 = arith.constant 9 : i32
          %add3A_198 = arith.addi %mul3A_124, %add3A_197 : i32
          %broadcast_in_dim3A_199 = vector.broadcast %add3A_198 : i32 to vector<16xi32>
          %gather3A_200 = tpu.vector_load_idx %arg11[%add3A_115, %broadcast_in_dim3A_199] : memref<64x128xf32, #tpu.memory_space<vmem>>[vector<16xi32>, vector<16xi32>], vector<16xf32>,
          %broadcast_in_dim3A_201 = vector.broadcast %add3A_198 : i32 to vector<16xi32>
          %gather3A_202 = tpu.vector_load_idx %arg12[%add3A_115, %broadcast_in_dim3A_201] : memref<64x128xf32, #tpu.memory_space<vmem>>[vector<16xi32>, vector<16xi32>], vector<16xf32>,
          %mul3A_203 = arith.mulf %gather3A_200, %gather3A_202 : vector<16xf32>
          %add3A_204 = arith.addf %add3A_196, %mul3A_203 : vector<16xf32>
          %add3A_205 = arith.constant 10 : i32
          %add3A_206 = arith.addi %mul3A_124, %add3A_205 : i32
          %broadcast_in_dim3A_207 = vector.broadcast %add3A_206 : i32 to vector<16xi32>
          %gather3A_208 = tpu.vector_load_idx %arg11[%add3A_115, %broadcast_in_dim3A_207] : memref<64x128xf32, #tpu.memory_space<vmem>>[vector<16xi32>, vector<16xi32>], vector<16xf32>,
          %broadcast_in_dim3A_209 = vector.broadcast %add3A_206 : i32 to vector<16xi32>
          %gather3A_210 = tpu.vector_load_idx %arg12[%add3A_115, %broadcast_in_dim3A_209] : memref<64x128xf32, #tpu.memory_space<vmem>>[vector<16xi32>, vector<16xi32>], vector<16xf32>,
          %mul3A_211 = arith.mulf %gather3A_208, %gather3A_210 : vector<16xf32>
          %add3A_212 = arith.addf %add3A_204, %mul3A_211 : vector<16xf32>
          %add3A_213 = arith.constant 11 : i32
          %add3A_214 = arith.addi %mul3A_124, %add3A_213 : i32
          %broadcast_in_dim3A_215 = vector.broadcast %add3A_214 : i32 to vector<16xi32>
          %gather3A_216 = tpu.vector_load_idx %arg11[%add3A_115, %broadcast_in_dim3A_215] : memref<64x128xf32, #tpu.memory_space<vmem>>[vector<16xi32>, vector<16xi32>], vector<16xf32>,
          %broadcast_in_dim3A_217 = vector.broadcast %add3A_214 : i32 to vector<16xi32>
          %gather3A_218 = tpu.vector_load_idx %arg12[%add3A_115, %broadcast_in_dim3A_217] : memref<64x128xf32, #tpu.memory_space<vmem>>[vector<16xi32>, vector<16xi32>], vector<16xf32>,
          %mul3A_219 = arith.mulf %gather3A_216, %gather3A_218 : vector<16xf32>
          %add3A_220 = arith.addf %add3A_212, %mul3A_219 : vector<16xf32>
          %add3A_221 = arith.constant 12 : i32
          %add3A_222 = arith.addi %mul3A_124, %add3A_221 : i32
          %broadcast_in_dim3A_223 = vector.broadcast %add3A_222 : i32 to vector<16xi32>
          %gather3A_224 = tpu.vector_load_idx %arg11[%add3A_115, %broadcast_in_dim3A_223] : memref<64x128xf32, #tpu.memory_space<vmem>>[vector<16xi32>, vector<16xi32>], vector<16xf32>,
          %broadcast_in_dim3A_225 = vector.broadcast %add3A_222 : i32 to vector<16xi32>
          %gather3A_226 = tpu.vector_load_idx %arg12[%add3A_115, %broadcast_in_dim3A_225] : memref<64x128xf32, #tpu.memory_space<vmem>>[vector<16xi32>, vector<16xi32>], vector<16xf32>,
          %mul3A_227 = arith.mulf %gather3A_224, %gather3A_226 : vector<16xf32>
          %add3A_228 = arith.addf %add3A_220, %mul3A_227 : vector<16xf32>
          %add3A_229 = arith.constant 13 : i32
          %add3A_230 = arith.addi %mul3A_124, %add3A_229 : i32
          %broadcast_in_dim3A_231 = vector.broadcast %add3A_230 : i32 to vector<16xi32>
          %gather3A_232 = tpu.vector_load_idx %arg11[%add3A_115, %broadcast_in_dim3A_231] : memref<64x128xf32, #tpu.memory_space<vmem>>[vector<16xi32>, vector<16xi32>], vector<16xf32>,
          %broadcast_in_dim3A_233 = vector.broadcast %add3A_230 : i32 to vector<16xi32>
          %gather3A_234 = tpu.vector_load_idx %arg12[%add3A_115, %broadcast_in_dim3A_233] : memref<64x128xf32, #tpu.memory_space<vmem>>[vector<16xi32>, vector<16xi32>], vector<16xf32>,
          %mul3A_235 = arith.mulf %gather3A_232, %gather3A_234 : vector<16xf32>
          %add3A_236 = arith.addf %add3A_228, %mul3A_235 : vector<16xf32>
          %add3A_237 = arith.constant 14 : i32
          %add3A_238 = arith.addi %mul3A_124, %add3A_237 : i32
          %broadcast_in_dim3A_239 = vector.broadcast %add3A_238 : i32 to vector<16xi32>
          %gather3A_240 = tpu.vector_load_idx %arg11[%add3A_115, %broadcast_in_dim3A_239] : memref<64x128xf32, #tpu.memory_space<vmem>>[vector<16xi32>, vector<16xi32>], vector<16xf32>,
          %broadcast_in_dim3A_241 = vector.broadcast %add3A_238 : i32 to vector<16xi32>
          %gather3A_242 = tpu.vector_load_idx %arg12[%add3A_115, %broadcast_in_dim3A_241] : memref<64x128xf32, #tpu.memory_space<vmem>>[vector<16xi32>, vector<16xi32>], vector<16xf32>,
          %mul3A_243 = arith.mulf %gather3A_240, %gather3A_242 : vector<16xf32>
          %add3A_244 = arith.addf %add3A_236, %mul3A_243 : vector<16xf32>
          %add3A_245 = arith.constant 15 : i32
          %add3A_246 = arith.addi %mul3A_124, %add3A_245 : i32
          %broadcast_in_dim3A_247 = vector.broadcast %add3A_246 : i32 to vector<16xi32>
          %gather3A_248 = tpu.vector_load_idx %arg11[%add3A_115, %broadcast_in_dim3A_247] : memref<64x128xf32, #tpu.memory_space<vmem>>[vector<16xi32>, vector<16xi32>], vector<16xf32>,
          %broadcast_in_dim3A_249 = vector.broadcast %add3A_246 : i32 to vector<16xi32>
          %gather3A_250 = tpu.vector_load_idx %arg12[%add3A_115, %broadcast_in_dim3A_249] : memref<64x128xf32, #tpu.memory_space<vmem>>[vector<16xi32>, vector<16xi32>], vector<16xf32>,
          %mul3A_251 = arith.mulf %gather3A_248, %gather3A_250 : vector<16xf32>
          %add3A_252 = arith.addf %add3A_244, %mul3A_251 : vector<16xf32>
          %mul3A_253 = arith.constant 64 : i32
          %mul3A_254 = arith.muli %scan3A_122, %mul3A_253 : i32
          %add3A_255 = vector.broadcast %mul3A_254 : i32 to vector<16xi32>
          %add3A_256 = arith.addi %add3A_255, %add3A_115 : vector<16xi32>
          %gather3A_257 = tpu.vector_load_idx %arg13[%add3A_256] : memref<512xf32, #tpu.memory_space<vmem>>[vector<16xi32>], vector<16xf32>,
          %mul3A_258 = arith.constant 2.500000e-01 : f32
          %mul3A_259 = vector.broadcast %mul3A_258 : f32 to vector<16xf32>
          %mul3A_260 = arith.mulf %add3A_252, %mul3A_259 : vector<16xf32>
          %add3A_261 = arith.addf %mul3A_260, %gather3A_257 : vector<16xf32>
          %exp3A = math.exp %add3A_261 : vector<16xf32>
          %broadcast_in_dim3A_262 = vector.broadcast %mul3A_124 : i32 to vector<16xi32>
          tpu.vector_store_idx %arg14[%add3A_115, %broadcast_in_dim3A_262], %exp3A : memref<64x128xf32, #tpu.memory_space<vmem>>[vector<16xi32>, vector<16xi32>], vector<16xf32>,
        }
        %scan3A_121 = arith.constant 8 : i32
      }
      %scan3A_110 = arith.constant 4 : i32
      "tpu.region"() ({
        %run_scoped3A = tpu.sem_alloc : memref<!tpu.dma_semaphore, #tpu.memory_space<semaphore_mem>>
        %dma_start3A_111 = arith.constant 0 : i32
        %dma_start3A_112 = arith.constant 0 : i32
        %dma_start3A_113 = tpu.memref_slice %arg16[%dma_start3A_111, %dma_start3A_112] : memref<10000x128xf32, #tpu.memory_space<vmem_shared>> -> memref<10000x128xf32, #tpu.memory_space<vmem_shared>>
        tpu.enqueue_indirect_dma source(%arg14 : memref<64x128xf32, #tpu.memory_space<vmem>>) target(%dma_start3A_113 : memref<10000x128xf32, #tpu.memory_space<vmem_shared>>) offsets(%arg10 : memref<64xi32, #tpu.memory_space<vmem>>) semaphore(%run_scoped3A : memref<!tpu.dma_semaphore, #tpu.memory_space<semaphore_mem>>) {add = true}
        %dma_wait3A_114 = arith.constant 0 : i32
        %dma_wait3A_115 = arith.constant 0 : i32
        %dma_wait3A_116 = tpu.memref_slice %arg16[%dma_wait3A_114, %dma_wait3A_115] : memref<10000x128xf32, #tpu.memory_space<vmem_shared>> -> memref<10000x128xf32, #tpu.memory_space<vmem_shared>>
        tpu.wait_indirect_dma semaphore(%run_scoped3A : memref<!tpu.dma_semaphore, #tpu.memory_space<semaphore_mem>>) src(%arg14 : memref<64x128xf32, #tpu.memory_space<vmem>>) dst(%dma_wait3A_116 : memref<10000x128xf32, #tpu.memory_space<vmem_shared>>)
        tpu.yield
      }) : () -> ()
    }
    %barrier3A_72 = arith.constant 0 : index
    tpu.barrier barrier_id(%barrier3A_72)
    %while3A_73 = arith.constant 0 : i32
    %while3A_74 = arith.constant 0 : i32
    %while3A_75 = arith.subi %select_n3A, %while3A_74 : i32
    %while3A_76 = arith.addi %while3A_74, %while3A_75 : i32
    %while3A_77 = arith.constant 1 : i32
    %while3A_78 = arith.divsi %while3A_75, %while3A_77 : i32
    %while3A_79 = arith.muli %while3A_78, %while3A_77 : i32
    %while3A_80 = arith.addi %while3A_74, %while3A_79 : i32
    %while3A_81 = arith.constant 1 : i32
    scf.for %while3A_83 = %while3A_74 to %while3A_80 step %while3A_81  : i32 {
      %mul3A_84 = arith.constant 16 : i32
      %mul3A_85 = arith.muli %while3A_83, %mul3A_84 : i32
      %add3A_86 = arith.addi %arg1, %mul3A_85 : i32
      %mul3A_87 = arith.constant 40 : i32
      %mul3A_88 = arith.muli %add3A_86, %mul3A_87 : i32
      "tpu.region"() ({
        %run_scoped3A = tpu.sem_alloc : memref<!tpu.dma_semaphore, #tpu.memory_space<semaphore_mem>>
        %dma_start3A = arith.constant 0 : i32
        %dma_start3A_89 = tpu.memref_slice %arg16[%mul3A_88, %dma_start3A] : memref<10000x128xf32, #tpu.memory_space<vmem_shared>> -> memref<40x128xf32, #tpu.memory_space<vmem_shared>>
        %dma_start3A_90 = arith.constant 0 : i32
        %dma_start3A_91 = tpu.memref_slice %arg16[%mul3A_88, %dma_start3A_90] : memref<10000x128xf32, #tpu.memory_space<vmem_shared>> -> memref<40x128xf32, #tpu.memory_space<vmem_shared>>
        tpu.enqueue_dma source(%dma_start3A_91 : memref<40x128xf32, #tpu.memory_space<vmem_shared>>) target(%arg15 : memref<40x128xf32, #tpu.memory_space<vmem>>) target_semaphore(%run_scoped3A : memref<!tpu.dma_semaphore, #tpu.memory_space<semaphore_mem>>)
        %dma_wait3A = arith.constant 0 : i32
        %dma_wait3A_92 = tpu.memref_slice %arg16[%mul3A_88, %dma_wait3A] : memref<10000x128xf32, #tpu.memory_space<vmem_shared>> -> memref<40x128xf32, #tpu.memory_space<vmem_shared>>
        %dma_wait3A_93 = arith.constant 0 : i32
        %dma_wait3A_94 = tpu.memref_slice %arg16[%mul3A_88, %dma_wait3A_93] : memref<10000x128xf32, #tpu.memory_space<vmem_shared>> -> memref<40x128xf32, #tpu.memory_space<vmem_shared>>
        tpu.wait_dma2 semaphore(%run_scoped3A : memref<!tpu.dma_semaphore, #tpu.memory_space<semaphore_mem>>) src(%dma_wait3A_94 : memref<40x128xf32, #tpu.memory_space<vmem_shared>>) dst(%arg15 : memref<40x128xf32, #tpu.memory_space<vmem>>)
        tpu.yield
      }) : () -> ()
      "tpu.region"() ({
        %run_scoped3A = tpu.sem_alloc : memref<!tpu.dma_semaphore, #tpu.memory_space<semaphore_mem>>
        %dma_start3A = arith.constant 0 : i32
        %dma_start3A_89 = tpu.memref_slice %arg8[%arg0, %mul3A_88, %dma_start3A] : memref<2x10000x128xf32, #tpu.memory_space<hbm>> -> memref<1x40x128xf32, #tpu.memory_space<hbm>>
        %dma_start3A_90 = tpu.memref_squeeze %dma_start3A_89 : memref<1x40x128xf32, #tpu.memory_space<hbm>> -> memref<40x128xf32, #tpu.memory_space<hbm>>
        %dma_start3A_91 = arith.constant 0 : i32
        %dma_start3A_92 = tpu.memref_slice %arg8[%arg0, %mul3A_88, %dma_start3A_91] : memref<2x10000x128xf32, #tpu.memory_space<hbm>> -> memref<1x40x128xf32, #tpu.memory_space<hbm>>
        %dma_start3A_93 = tpu.memref_squeeze %dma_start3A_92 : memref<1x40x128xf32, #tpu.memory_space<hbm>> -> memref<40x128xf32, #tpu.memory_space<hbm>>
        tpu.enqueue_dma source(%arg15 : memref<40x128xf32, #tpu.memory_space<vmem>>) target(%dma_start3A_93 : memref<40x128xf32, #tpu.memory_space<hbm>>) target_semaphore(%run_scoped3A : memref<!tpu.dma_semaphore, #tpu.memory_space<semaphore_mem>>)
        %dma_wait3A = arith.constant 0 : i32
        %dma_wait3A_94 = tpu.memref_slice %arg8[%arg0, %mul3A_88, %dma_wait3A] : memref<2x10000x128xf32, #tpu.memory_space<hbm>> -> memref<1x40x128xf32, #tpu.memory_space<hbm>>
        %dma_wait3A_95 = tpu.memref_squeeze %dma_wait3A_94 : memref<1x40x128xf32, #tpu.memory_space<hbm>> -> memref<40x128xf32, #tpu.memory_space<hbm>>
        %dma_wait3A_96 = arith.constant 0 : i32
        %dma_wait3A_97 = tpu.memref_slice %arg8[%arg0, %mul3A_88, %dma_wait3A_96] : memref<2x10000x128xf32, #tpu.memory_space<hbm>> -> memref<1x40x128xf32, #tpu.memory_space<hbm>>
        %dma_wait3A_98 = tpu.memref_squeeze %dma_wait3A_97 : memref<1x40x128xf32, #tpu.memory_space<hbm>> -> memref<40x128xf32, #tpu.memory_space<hbm>>
        tpu.wait_dma2 semaphore(%run_scoped3A : memref<!tpu.dma_semaphore, #tpu.memory_space<semaphore_mem>>) src(%arg15 : memref<40x128xf32, #tpu.memory_space<vmem>>) dst(%dma_wait3A_98 : memref<40x128xf32, #tpu.memory_space<hbm>>)
        tpu.yield
      }) : () -> ()
    }
    %while3A_82 = arith.constant 1 : i32
    scf.for %while3A_83 = %while3A_80 to %while3A_76 step %while3A_82  : i32 {
      %mul3A_84 = arith.constant 16 : i32
      %mul3A_85 = arith.muli %while3A_83, %mul3A_84 : i32
      %add3A_86 = arith.addi %arg1, %mul3A_85 : i32
      %mul3A_87 = arith.constant 40 : i32
      %mul3A_88 = arith.muli %add3A_86, %mul3A_87 : i32
      "tpu.region"() ({
        %run_scoped3A = tpu.sem_alloc : memref<!tpu.dma_semaphore, #tpu.memory_space<semaphore_mem>>
        %dma_start3A = arith.constant 0 : i32
        %dma_start3A_89 = tpu.memref_slice %arg16[%mul3A_88, %dma_start3A] : memref<10000x128xf32, #tpu.memory_space<vmem_shared>> -> memref<40x128xf32, #tpu.memory_space<vmem_shared>>
        %dma_start3A_90 = arith.constant 0 : i32
        %dma_start3A_91 = tpu.memref_slice %arg16[%mul3A_88, %dma_start3A_90] : memref<10000x128xf32, #tpu.memory_space<vmem_shared>> -> memref<40x128xf32, #tpu.memory_space<vmem_shared>>
        tpu.enqueue_dma source(%dma_start3A_91 : memref<40x128xf32, #tpu.memory_space<vmem_shared>>) target(%arg15 : memref<40x128xf32, #tpu.memory_space<vmem>>) target_semaphore(%run_scoped3A : memref<!tpu.dma_semaphore, #tpu.memory_space<semaphore_mem>>)
        %dma_wait3A = arith.constant 0 : i32
        %dma_wait3A_92 = tpu.memref_slice %arg16[%mul3A_88, %dma_wait3A] : memref<10000x128xf32, #tpu.memory_space<vmem_shared>> -> memref<40x128xf32, #tpu.memory_space<vmem_shared>>
        %dma_wait3A_93 = arith.constant 0 : i32
        %dma_wait3A_94 = tpu.memref_slice %arg16[%mul3A_88, %dma_wait3A_93] : memref<10000x128xf32, #tpu.memory_space<vmem_shared>> -> memref<40x128xf32, #tpu.memory_space<vmem_shared>>
        tpu.wait_dma2 semaphore(%run_scoped3A : memref<!tpu.dma_semaphore, #tpu.memory_space<semaphore_mem>>) src(%dma_wait3A_94 : memref<40x128xf32, #tpu.memory_space<vmem_shared>>) dst(%arg15 : memref<40x128xf32, #tpu.memory_space<vmem>>)
        tpu.yield
      }) : () -> ()
      "tpu.region"() ({
        %run_scoped3A = tpu.sem_alloc : memref<!tpu.dma_semaphore, #tpu.memory_space<semaphore_mem>>
        %dma_start3A = arith.constant 0 : i32
        %dma_start3A_89 = tpu.memref_slice %arg8[%arg0, %mul3A_88, %dma_start3A] : memref<2x10000x128xf32, #tpu.memory_space<hbm>> -> memref<1x40x128xf32, #tpu.memory_space<hbm>>
        %dma_start3A_90 = tpu.memref_squeeze %dma_start3A_89 : memref<1x40x128xf32, #tpu.memory_space<hbm>> -> memref<40x128xf32, #tpu.memory_space<hbm>>
        %dma_start3A_91 = arith.constant 0 : i32
        %dma_start3A_92 = tpu.memref_slice %arg8[%arg0, %mul3A_88, %dma_start3A_91] : memref<2x10000x128xf32, #tpu.memory_space<hbm>> -> memref<1x40x128xf32, #tpu.memory_space<hbm>>
        %dma_start3A_93 = tpu.memref_squeeze %dma_start3A_92 : memref<1x40x128xf32, #tpu.memory_space<hbm>> -> memref<40x128xf32, #tpu.memory_space<hbm>>
        tpu.enqueue_dma source(%arg15 : memref<40x128xf32, #tpu.memory_space<vmem>>) target(%dma_start3A_93 : memref<40x128xf32, #tpu.memory_space<hbm>>) target_semaphore(%run_scoped3A : memref<!tpu.dma_semaphore, #tpu.memory_space<semaphore_mem>>)
        %dma_wait3A = arith.constant 0 : i32
        %dma_wait3A_94 = tpu.memref_slice %arg8[%arg0, %mul3A_88, %dma_wait3A] : memref<2x10000x128xf32, #tpu.memory_space<hbm>> -> memref<1x40x128xf32, #tpu.memory_space<hbm>>
        %dma_wait3A_95 = tpu.memref_squeeze %dma_wait3A_94 : memref<1x40x128xf32, #tpu.memory_space<hbm>> -> memref<40x128xf32, #tpu.memory_space<hbm>>
        %dma_wait3A_96 = arith.constant 0 : i32
        %dma_wait3A_97 = tpu.memref_slice %arg8[%arg0, %mul3A_88, %dma_wait3A_96] : memref<2x10000x128xf32, #tpu.memory_space<hbm>> -> memref<1x40x128xf32, #tpu.memory_space<hbm>>
        %dma_wait3A_98 = tpu.memref_squeeze %dma_wait3A_97 : memref<1x40x128xf32, #tpu.memory_space<hbm>> -> memref<40x128xf32, #tpu.memory_space<hbm>>
        tpu.wait_dma2 semaphore(%run_scoped3A : memref<!tpu.dma_semaphore, #tpu.memory_space<semaphore_mem>>) src(%arg15 : memref<40x128xf32, #tpu.memory_space<vmem>>) dst(%dma_wait3A_98 : memref<40x128xf32, #tpu.memory_space<hbm>>)
        tpu.yield
      }) : () -> ()
    }
    return
  }
}

module attributes {stable_mosaic.version = 14 : i64} {
  func.func @_bias_body(%arg0: i32, %arg1: memref<16x2560xf32, #tpu.memory_space<vmem>>, %arg2: memref<16x8xf32, #tpu.memory_space<vmem>>, %arg3: memref<8x2560xf32, #tpu.memory_space<vmem>>) attributes {dimension_semantics = [#tpu.dimension_semantics<arbitrary>], iteration_bounds = array<i64: 125>, scalar_prefetch = 0 : i64, scratch_operands = 0 : i64, tpu.core_type = #tpu.core_type<tc>, window_params = [{transform_indices = @transform_0, window_bounds = array<i64: 16, 2560>}, {pipeline_mode = #tpu.pipeline_mode<synchronous>, transform_indices = @transform_1, window_bounds = array<i64: 16, 8>}, {transform_indices = @transform_2, window_bounds = array<i64: 8, 2560>}]} {
    %get3A = arith.constant 0 : index
    %get3A_0 = arith.constant 0 : index
    %get3A_1 = vector.load %arg2[%get3A, %get3A_0] : memref<16x8xf32, #tpu.memory_space<vmem>>, vector<16x8xf32>
    %get3A_2 = arith.constant 0 : index
    %get3A_3 = arith.constant 0 : index
    %get3A_4 = vector.load %arg1[%get3A_2, %get3A_3] : memref<16x2560xf32, #tpu.memory_space<vmem>>, vector<16x2560xf32>
    %dot_general3A = arith.constant dense<0.000000e+00> : vector<8x2560xf32>
    %dot_general3A_5 = tpu.matmul %get3A_1, %get3A_4, %dot_general3A {dimension_numbers = #tpu.dot_dimension_numbers<[0], [0], [1], [1], [0, 1, 1, 1], [], []>, transpose_lhs_hint = false} : vector<16x8xf32>, vector<16x2560xf32>, vector<8x2560xf32> -> vector<8x2560xf32>
    %swap3A = arith.constant 0 : index
    %swap3A_6 = arith.constant 0 : index
    %swap3A_7 = vector.load %arg3[%swap3A, %swap3A_6] : memref<8x2560xf32, #tpu.memory_space<vmem>>, vector<8x2560xf32>
    tpu.vector_store %arg3[%swap3A, %swap3A_6], %dot_general3A_5 {strides = array<i32>} : memref<8x2560xf32, #tpu.memory_space<vmem>>, vector<8x2560xf32>,
    return
  }
  func.func @transform_0(%arg0: i32) -> (i32, i32) {
    %c0_i32 = arith.constant 0 : i32
    %c0_i32_0 = arith.constant 0 : i32
    return %c0_i32, %arg0 : i32, i32
  }
  func.func @transform_1(%arg0: i32) -> (i32, i32) {
    %c0_i32 = arith.constant 0 : i32
    %c0_i32_0 = arith.constant 0 : i32
    %c0_i32_1 = arith.constant 0 : i32
    return %c0_i32, %c0_i32_0 : i32, i32
  }
  func.func @transform_2(%arg0: i32) -> (i32, i32) {
    %c0_i32 = arith.constant 0 : i32
    %c0_i32_0 = arith.constant 0 : i32
    return %c0_i32, %arg0 : i32, i32
  }
}

module attributes {stable_mosaic.version = 14 : i64} {
  func.func @_qkv_body(%arg0: i32, %arg1: memref<1000x128xf32, #tpu.memory_space<vmem>>, %arg2: memref<128x384xf32, #tpu.memory_space<vmem>>, %arg3: memref<1000x128xf32, #tpu.memory_space<vmem>>, %arg4: memref<1000x128xf32, #tpu.memory_space<vmem>>, %arg5: memref<1000x128xf32, #tpu.memory_space<vmem>>) attributes {dimension_semantics = [#tpu.dimension_semantics<arbitrary>], iteration_bounds = array<i64: 10>, scalar_prefetch = 0 : i64, scratch_operands = 0 : i64, tpu.core_type = #tpu.core_type<tc>, window_params = [{transform_indices = @transform_0, window_bounds = array<i64: 1000, 128>}, {pipeline_mode = #tpu.pipeline_mode<synchronous>, transform_indices = @transform_1, window_bounds = array<i64: 128, 384>}, {transform_indices = @transform_2, window_bounds = array<i64: 1000, 128>}, {transform_indices = @transform_3, window_bounds = array<i64: 1000, 128>}, {transform_indices = @transform_4, window_bounds = array<i64: 1000, 128>}]} {
    %get3A = arith.constant 0 : index
    %get3A_0 = arith.constant 0 : index
    %get3A_1 = vector.load %arg1[%get3A, %get3A_0] : memref<1000x128xf32, #tpu.memory_space<vmem>>, vector<1000x128xf32>
    %get3A_2 = arith.constant 0 : index
    %get3A_3 = arith.constant 0 : index
    %get3A_4 = vector.load %arg2[%get3A_2, %get3A_3] : memref<128x384xf32, #tpu.memory_space<vmem>>, vector<128x384xf32>
    %slice3A = vector.extract_strided_slice %get3A_4 {offsets = [0, 0], sizes = [128, 128], strides = [1, 1]} : vector<128x384xf32> to vector<128x128xf32>
    %dot_general3A = arith.constant dense<0.000000e+00> : vector<1000x128xf32>
    %dot_general3A_5 = tpu.matmul %get3A_1, %slice3A, %dot_general3A {dimension_numbers = #tpu.dot_dimension_numbers<[1], [0], [0], [1], [0, 0, 1, 1], [], []>, transpose_lhs_hint = false} : vector<1000x128xf32>, vector<128x128xf32>, vector<1000x128xf32> -> vector<1000x128xf32>
    %swap3A = arith.constant 0 : index
    %swap3A_6 = arith.constant 0 : index
    %swap3A_7 = vector.load %arg3[%swap3A, %swap3A_6] : memref<1000x128xf32, #tpu.memory_space<vmem>>, vector<1000x128xf32>
    tpu.vector_store %arg3[%swap3A, %swap3A_6], %dot_general3A_5 {strides = array<i32>} : memref<1000x128xf32, #tpu.memory_space<vmem>>, vector<1000x128xf32>,
    %slice3A_8 = vector.extract_strided_slice %get3A_4 {offsets = [0, 128], sizes = [128, 128], strides = [1, 1]} : vector<128x384xf32> to vector<128x128xf32>
    %dot_general3A_9 = arith.constant dense<0.000000e+00> : vector<1000x128xf32>
    %dot_general3A_10 = tpu.matmul %get3A_1, %slice3A_8, %dot_general3A_9 {dimension_numbers = #tpu.dot_dimension_numbers<[1], [0], [0], [1], [0, 0, 1, 1], [], []>, transpose_lhs_hint = false} : vector<1000x128xf32>, vector<128x128xf32>, vector<1000x128xf32> -> vector<1000x128xf32>
    %swap3A_11 = arith.constant 0 : index
    %swap3A_12 = arith.constant 0 : index
    %swap3A_13 = vector.load %arg4[%swap3A_11, %swap3A_12] : memref<1000x128xf32, #tpu.memory_space<vmem>>, vector<1000x128xf32>
    tpu.vector_store %arg4[%swap3A_11, %swap3A_12], %dot_general3A_10 {strides = array<i32>} : memref<1000x128xf32, #tpu.memory_space<vmem>>, vector<1000x128xf32>,
    %slice3A_14 = vector.extract_strided_slice %get3A_4 {offsets = [0, 256], sizes = [128, 128], strides = [1, 1]} : vector<128x384xf32> to vector<128x128xf32>
    %dot_general3A_15 = arith.constant dense<0.000000e+00> : vector<1000x128xf32>
    %dot_general3A_16 = tpu.matmul %get3A_1, %slice3A_14, %dot_general3A_15 {dimension_numbers = #tpu.dot_dimension_numbers<[1], [0], [0], [1], [0, 0, 1, 1], [], []>, transpose_lhs_hint = false} : vector<1000x128xf32>, vector<128x128xf32>, vector<1000x128xf32> -> vector<1000x128xf32>
    %swap3A_17 = arith.constant 0 : index
    %swap3A_18 = arith.constant 0 : index
    %swap3A_19 = vector.load %arg5[%swap3A_17, %swap3A_18] : memref<1000x128xf32, #tpu.memory_space<vmem>>, vector<1000x128xf32>
    tpu.vector_store %arg5[%swap3A_17, %swap3A_18], %dot_general3A_16 {strides = array<i32>} : memref<1000x128xf32, #tpu.memory_space<vmem>>, vector<1000x128xf32>,
    return
  }
  func.func @transform_0(%arg0: i32) -> (i32, i32) {
    %c0_i32 = arith.constant 0 : i32
    %c0_i32_0 = arith.constant 0 : i32
    return %arg0, %c0_i32 : i32, i32
  }
  func.func @transform_1(%arg0: i32) -> (i32, i32) {
    %c0_i32 = arith.constant 0 : i32
    %c0_i32_0 = arith.constant 0 : i32
    %c0_i32_1 = arith.constant 0 : i32
    return %c0_i32, %c0_i32_0 : i32, i32
  }
  func.func @transform_2(%arg0: i32) -> (i32, i32) {
    %c0_i32 = arith.constant 0 : i32
    %c0_i32_0 = arith.constant 0 : i32
    return %arg0, %c0_i32 : i32, i32
  }
  func.func @transform_3(%arg0: i32) -> (i32, i32) {
    %c0_i32 = arith.constant 0 : i32
    %c0_i32_0 = arith.constant 0 : i32
    return %arg0, %c0_i32 : i32, i32
  }
  func.func @transform_4(%arg0: i32) -> (i32, i32) {
    %c0_i32 = arith.constant 0 : i32
    %c0_i32_0 = arith.constant 0 : i32
    return %arg0, %c0_i32 : i32, i32
  }
}

module attributes {stable_mosaic.version = 14 : i64} {
  func.func @_fin_body(%arg0: i32, %arg1: memref<1000x128xf32, #tpu.memory_space<vmem>>, %arg2: memref<1000x128xf32, #tpu.memory_space<vmem>>, %arg3: memref<1000x128xf32, #tpu.memory_space<vmem>>, %arg4: memref<1000x128xf32, #tpu.memory_space<vmem>>, %arg5: memref<128x128xf32, #tpu.memory_space<vmem>>, %arg6: memref<1000x128xf32, #tpu.memory_space<vmem>>) attributes {dimension_semantics = [#tpu.dimension_semantics<arbitrary>], iteration_bounds = array<i64: 10>, scalar_prefetch = 0 : i64, scratch_operands = 0 : i64, tpu.core_type = #tpu.core_type<tc>, window_params = [{transform_indices = @transform_0, window_bounds = array<i64: 1000, 128>}, {transform_indices = @transform_1, window_bounds = array<i64: 1000, 128>}, {transform_indices = @transform_2, window_bounds = array<i64: 1000, 128>}, {transform_indices = @transform_3, window_bounds = array<i64: 1000, 128>}, {pipeline_mode = #tpu.pipeline_mode<synchronous>, transform_indices = @transform_4, window_bounds = array<i64: 128, 128>}, {transform_indices = @transform_5, window_bounds = array<i64: 1000, 128>}]} {
    %get3A = arith.constant 0 : index
    %get3A_0 = arith.constant 0 : index
    %get3A_1 = vector.load %arg3[%get3A, %get3A_0] : memref<1000x128xf32, #tpu.memory_space<vmem>>, vector<1000x128xf32>
    %get3A_2 = arith.constant 0 : index
    %get3A_3 = arith.constant 0 : index
    %get3A_4 = vector.load %arg4[%get3A_2, %get3A_3] : memref<1000x128xf32, #tpu.memory_space<vmem>>, vector<1000x128xf32>
    %add3A = arith.addf %get3A_1, %get3A_4 : vector<1000x128xf32>
    %get3A_5 = arith.constant 0 : index
    %get3A_6 = arith.constant 0 : index
    %get3A_7 = vector.load %arg5[%get3A_5, %get3A_6] : memref<128x128xf32, #tpu.memory_space<vmem>>, vector<128x128xf32>
    %dot_general3A = arith.constant dense<0.000000e+00> : vector<1000x128xf32>
    %dot_general3A_8 = tpu.matmul %add3A, %get3A_7, %dot_general3A {dimension_numbers = #tpu.dot_dimension_numbers<[1], [0], [0], [1], [0, 0, 1, 1], [], []>, transpose_lhs_hint = false} : vector<1000x128xf32>, vector<128x128xf32>, vector<1000x128xf32> -> vector<1000x128xf32>
    %get3A_9 = arith.constant 0 : index
    %get3A_10 = arith.constant 0 : index
    %get3A_11 = vector.load %arg1[%get3A_9, %get3A_10] : memref<1000x128xf32, #tpu.memory_space<vmem>>, vector<1000x128xf32>
    %get3A_12 = arith.constant 0 : index
    %get3A_13 = arith.constant 0 : index
    %get3A_14 = vector.load %arg2[%get3A_12, %get3A_13] : memref<1000x128xf32, #tpu.memory_space<vmem>>, vector<1000x128xf32>
    %add3A_15 = arith.addf %get3A_11, %get3A_14 : vector<1000x128xf32>
    %add3A_16 = arith.constant 1.000000e-16 : f32
    %add3A_17 = vector.broadcast %add3A_16 : f32 to vector<1000x128xf32>
    %add3A_18 = arith.addf %dot_general3A_8, %add3A_17 : vector<1000x128xf32>
    %div3A = arith.divf %add3A_15, %add3A_18 : vector<1000x128xf32>
    %swap3A = arith.constant 0 : index
    %swap3A_19 = arith.constant 0 : index
    %swap3A_20 = vector.load %arg6[%swap3A, %swap3A_19] : memref<1000x128xf32, #tpu.memory_space<vmem>>, vector<1000x128xf32>
    tpu.vector_store %arg6[%swap3A, %swap3A_19], %div3A {strides = array<i32>} : memref<1000x128xf32, #tpu.memory_space<vmem>>, vector<1000x128xf32>,
    return
  }
  func.func @transform_0(%arg0: i32) -> (i32, i32) {
    %c0_i32 = arith.constant 0 : i32
    %c0_i32_0 = arith.constant 0 : i32
    return %arg0, %c0_i32 : i32, i32
  }
  func.func @transform_1(%arg0: i32) -> (i32, i32) {
    %c0_i32 = arith.constant 0 : i32
    %c0_i32_0 = arith.constant 0 : i32
    return %arg0, %c0_i32 : i32, i32
  }
  func.func @transform_2(%arg0: i32) -> (i32, i32) {
    %c0_i32 = arith.constant 0 : i32
    %c0_i32_0 = arith.constant 0 : i32
    return %arg0, %c0_i32 : i32, i32
  }
  func.func @transform_3(%arg0: i32) -> (i32, i32) {
    %c0_i32 = arith.constant 0 : i32
    %c0_i32_0 = arith.constant 0 : i32
    return %arg0, %c0_i32 : i32, i32
  }
  func.func @transform_4(%arg0: i32) -> (i32, i32) {
    %c0_i32 = arith.constant 0 : i32
    %c0_i32_0 = arith.constant 0 : i32
    %c0_i32_1 = arith.constant 0 : i32
    return %c0_i32, %c0_i32_0 : i32, i32
  }
  func.func @transform_5(%arg0: i32) -> (i32, i32) {
    %c0_i32 = arith.constant 0 : i32
    %c0_i32_0 = arith.constant 0 : i32
    return %arg0, %c0_i32 : i32, i32
  }
}

</mosaic_0001>

<sc_bundles>
// kernel: kernel.10.cloned.1.call-start
scs
__scs_entry_jumppad:
0x0: {  	(pc) =	sbr.rel $0x88, $3  }
0x1: {  	(tag) =	ssettag $0x0;
	lr =	simm.s32 $0x1  }
0x2: {  	[smem:$0x3F9A] =	sst lr;
	_ =	strace $0xD0000000  }
0x3: {  	_ = 	snop  }
0x4: {  	_ = 	snop  }
0x5: {  	_ = 	snop  }
0x6: {  	_ = 	snop  }
0x7: {  	_ = 	snop  }
__scs_overlays_trampoline_lowered:
0x8: {  	[smem:$0x3FA9] =	sst s0  }
0x9: {  	[smem:$0x3FAA] =	sst s1  }
0xa: {  	[smem:$0x3FAB] =	sst s2  }
0xb: {  	[smem:$0x3FAC] =	sst s3  }
0xc: {  	[smem:$0x3FAD] =	sst s4  }
0xd: {  	[smem:$0x3FAE] =	sst s5  }
0xe: {  	[smem:$0x3FAF] =	sst s6  }
0xf: {  	[smem:$0x3FB0] =	sst s7  }
0x10: {  	[smem:$0x3FB1] =	sst s8  }
0x11: {  	[smem:$0x3FB2] =	sst s9;
	s0 =	simm.s32 @!p0 $0x0  }
0x12: {  	s1 =	sld [smem:$0x3F98];
	s0 =	simm.s32 @p0 $0x1  }
0x13: {  	[smem:$0x3FB3] =	sst s0;
	s0 =	simm.s32 @!p1 $0x0  }
0x14: {  	s2 =	sld [smem:$0x3F97];
	s0 =	simm.s32 @p1 $0x1  }
0x15: {  	[smem:$0x3FB4] =	sst s0;
	s0 =	simm.s32 @!p2 $0x0  }
0x16: {  	s3 =	sld [smem:$0x3FDB];
	s0 =	simm.s32 @p2 $0x1  }
0x17: {  	s4 =	simm.s32 $0x1BF5;
	[smem:$0x3FB6] =	sst s0  }
0x18: {  	s0 =	sld [smem:$0x3F99];
	_ =	swait.ge [sflag:s4], $0x0  }
0x19: {  	s7 =	sld [smem:$0x3F9A]  }
0x1a: {  	s8 =	sadd.s32 $0xFFFFE003, lr  }
0x1b: {  	s9 =	sadd.s32 $0xFFFFFEF7, lr;
	s5 =	simm.s32 $0xFFFFFFFF;
	p2 =	slt.u32 s8, $0xFFFFF086  }
0x1c: {  	p1 =	slt.u32 s9, $0xF7A;
	s5 =	simm.s32 @!p2 $0x0  }
0x1d: {  	s5 =	simm.s32 @p1 $0x1;
	p0 =	seq.s32 s7, s2  }
0x1e: {  	s7 =	smul.u32 @!p0 $0xF7A, s2;
	p2 =	seq.s32 @!p0 s5, $0x0  }
0x1f: {  	s9 =	smul.u32 $0xF7A, s1;
	s8 =	simm.s32 @!p0 $0x1BF5;
	p2 =	por !p2, p0  }
0x20: {  	[sflag:s8] =	ssyncset.s32 @!p0 $0xFFFFF086;
	s6 =	sadd.s32 @!p0 s3, s7;
	s7 =	simm.s32 @!p0 $0x108  }
0x21: {  	s3 =	sadd.s32 s3, s9;
	s6 =	sadd.s32 @!p0 $0x88, s6;
	s7 =	simm.s32 @p2 $0x1082  }
0x22: {  	[simem:s7], [sflag:s8] =	dma.local @!p0 [hbm:s6], $0xF7A  }
0x23: {  	s9 =	sor.u32 $0xD0000000, s2;
	s6 =	simm.s32 $0x108;
	_ =	swait.ge @!p0 [sflag:s8], $0x0  }
0x24: {  	s3 =	sadd.s32 $0x88, s3;
	s6 =	simm.s32 @!p1 $0x1082;
	[sflag:s4] =	ssyncset.s32 $0xFFFFF086  }
0x25: {  	[simem:s6], [sflag:s4] =	dma.local [hbm:s3], $0xF7A  }
0x26: {  	[smem:$0x3F9A] =	sst s1;
	(tag) =	ssettag s2;
	_ =	strace s9  }
0x27: {  	s1 =	sld [smem:$0x3FAA]  }
0x28: {  	s2 =	sld [smem:$0x3FAB]  }
0x29: {  	s4 =	sld [smem:$0x3FAD]  }
0x2a: {  	p0 =	seq.s32 s5, $0x0;
	s5 =	sld [smem:$0x3FAE]  }
0x2b: {  	s6 =	sld [smem:$0x3FAF]  }
0x2c: {  	s7 =	sld [smem:$0x3FB0]  }
0x2d: {  	s3 =	simm.s32 $0x108;
	s8 =	sld [smem:$0x3FB1]  }
0x2e: {  	s3 =	simm.s32 @!p0 $0x1082;
	s9 =	sld [smem:$0x3FB2]  }
0x2f: {  	lr =	sadd.s32 s0, s3;
	s0 =	sld [smem:$0x3FA9]  }
0x30: {  	s3 =	sld [smem:$0x3FAC]  }
0x31: {  	[smem:$0x3FB5] =	sst s10  }
0x32: {  	s10 =	sld [smem:$0x3FB3];
	_ =	sdelay $0x3  }
0x33: {  	p0 =	seq.s32 s10, $0x1;
	s10 =	sld [smem:$0x3FB5];
	_ =	sdelay $0x3  }
0x34: {  	[smem:$0x3FB5] =	sst s10  }
0x35: {  	s10 =	sld [smem:$0x3FB4];
	_ =	sdelay $0x3  }
0x36: {  	p1 =	seq.s32 s10, $0x1;
	s10 =	sld [smem:$0x3FB5];
	_ =	sdelay $0x3  }
0x37: {  	[smem:$0x3FB5] =	sst s10  }
0x38: {  	s10 =	sld [smem:$0x3FB6]  }
0x39: {  	_ = 	snop;
	(pc) =	sbr.ind lr, $3  }
0x3a: {  	_ = 	snop  }
0x3b: {  	_ = 	snop  }
0x3c: {  	p2 =	seq.s32 s10, $0x1;
	s10 =	sld [smem:$0x3FB5]  }
0x3d: {  	_ =	shalt  }
0x3e: {  	_ =	shalt  }
0x3f: {  	_ =	shalt  }
0x40: {  	_ =	shalt  }
0x41: {  	_ =	shalt  }
0x42: {  	_ =	shalt  }
0x43: {  	_ =	shalt  }
0x44: {  	_ =	shalt  }
0x45: {  	_ =	shalt  }
0x46: {  	_ =	shalt  }
0x47: {  	_ =	shalt  }
0x48: {  	_ =	shalt  }
0x49: {  	_ =	shalt  }
0x4a: {  	_ =	shalt  }
0x4b: {  	_ =	shalt  }
0x4c: {  	_ =	shalt  }
0x4d: {  	_ =	shalt  }
0x4e: {  	_ =	shalt  }
0x4f: {  	_ =	shalt  }
0x50: {  	_ =	shalt  }
0x51: {  	_ =	shalt  }
0x52: {  	_ =	shalt  }
0x53: {  	_ =	shalt  }
0x54: {  	_ =	shalt  }
0x55: {  	_ =	shalt  }
0x56: {  	_ =	shalt  }
0x57: {  	_ =	shalt  }
0x58: {  	_ =	shalt  }
0x59: {  	_ =	shalt  }
0x5a: {  	_ =	shalt  }
0x5b: {  	_ =	shalt  }
0x5c: {  	_ =	shalt  }
0x5d: {  	_ =	shalt  }
0x5e: {  	_ =	shalt  }
0x5f: {  	_ =	shalt  }
0x60: {  	_ =	shalt  }
0x61: {  	_ =	shalt  }
0x62: {  	_ =	shalt  }
0x63: {  	_ =	shalt  }
0x64: {  	_ =	shalt  }
0x65: {  	_ =	shalt  }
0x66: {  	_ =	shalt  }
0x67: {  	_ =	shalt  }
0x68: {  	_ =	shalt  }
0x69: {  	_ =	shalt  }
0x6a: {  	_ =	shalt  }
0x6b: {  	_ =	shalt  }
0x6c: {  	_ =	shalt  }
0x6d: {  	_ =	shalt  }
0x6e: {  	_ =	shalt  }
0x6f: {  	_ =	shalt  }
0x70: {  	_ =	shalt  }
0x71: {  	_ =	shalt  }
0x72: {  	_ =	shalt  }
0x73: {  	_ =	shalt  }
0x74: {  	_ =	shalt  }
0x75: {  	_ =	shalt  }
0x76: {  	_ =	shalt  }
0x77: {  	_ =	shalt  }
0x78: {  	_ =	shalt  }
0x79: {  	_ =	shalt  }
0x7a: {  	_ =	shalt  }
0x7b: {  	_ =	shalt  }
0x7c: {  	_ =	shalt  }
0x7d: {  	_ =	shalt  }
0x7e: {  	_ =	shalt  }
0x7f: {  	_ =	shalt  }
0x80: {  	_ =	shalt  }
0x81: {  	_ =	shalt  }
0x82: {  	_ =	shalt  }
0x83: {  	_ =	shalt  }
0x84: {  	_ =	shalt  }
0x85: {  	_ =	shalt  }
0x86: {  	_ =	shalt  }
0x87: {  	_ =	shalt  }
.Lfunc_end0:
.L_simem_size_0:
called_computation.1_lowered:
.L_overlay_start_0:
0x88: {  	s2 =	sld [smem:$0x3FD9]  }
0x89: {  	s3 =	sld [smem:$0x3FFE];
	_ =	sdelay $0x1  }
0x8a: {  	s1 =	srdreg.scid  }
0x8b: {  	s0 =	sand.u32 $0x1, s1  }
0x8c: {  	s17 =	sshll.u32 s0, $0xA;
	s2 =	sadd.s32 s3, s2  }
0x8d: {  	s2 =	sadd.s32 s2, s17  }
0x8e: {  	[smem:$0x3FC1] =	sst s2  }
0x8f: {  	_ = 	snop  }
0x90: {  	s2 =	sld [smem:$0x3FD0];
	(tm) =	ssettm $0x1  }
0x91: {  	s18 =	sld [smem:$0x3FFB];
	_ =	sdelay $0x3  }
0x92: {  	_ =	strace s18  }
0x93: {  	s3 =	sld [smem:$0x3FFC];
	_ =	sdelay $0x3  }
0x94: {  	_ =	strace s3  }
0x95: {  	s3 =	sld [smem:$0x3FFD];
	_ =	sdelay $0x3  }
0x96: {  	_ =	strace s3  }
0x97: {  	_ =	strace $0x8FFFFFFF  }
0x98: {  	s19 =	sld [smem:$0x3FDB];
	_ =	sdelay $0x1  }
0x99: {  	s4 =	simm.s32 $_scs_section_size  }
0x9a: {  	s5 =	simm.s32 $_size__tile_overlayer_lowered;
	s6 =	simm.s32 $_tile_overlayer_lowered  }
0x9b: {  	s22 =	simm.s32 $0x1BFF;
	s21 =	sshll.u32 s6, $0x1;
	s3 =	sadd.s32 s4, s19  }
0x9c: {  	s7 =	simm.s32 $0x0;
	s20 =	sshll.u32 s5, $0x1;
	s5 =	sadd.s32 s21, s3  }
0x9d: {  	[timem:s7], [sflag:s22] =	dma.local [hbm:s5], s20  }
0x9e: {  	_ =	swait.ge [sflag:s22], s20  }
0x9f: {  	s4 =	ssub.s32 $0x0, s20;
	[sflag:s22] =	ssyncset.done $0x0  }
0xa0: {  	[sflag:s22] =	ssyncadd.s32 s4;
	_ =	sdelay $0x1  }
0xa1: {  	s23 =	simm.s32 $0x1B8B  }
0xa2: {  	_ =	swait.ge [sflag:s23], $0x1  }
0xa3: {  	[sflag:s23] =	ssyncset.done $0x0  }
0xa4: {  	s25 =	simm.s32 $0x1B8E;
	s24 =	sld [smem:$0x3FFE];
	[sflag:s23] =	ssyncadd.s32 $0xFFFFFFFF  }
0xa5: {  	s26 =	simm.s32 $execute0_lowered;
	[smem:$0x3FD2] =	sst s25  }
0xa6: {  	s5 =	sshll.u32 s26, $0x1;
	_ =	strace $0x80000046;
	[dreg:$0x1] =	wrdreg $0xFFFFFFFF  }
0xa7: {  	s28 =	simm.s32 $_size_execute0_lowered;
	s3 =	sadd.s32 s3, s5;
	[dreg:$0x0] =	wrdreg $0x0  }
0xa8: {  	s5 =	sshll.u32 s28, $0x1;
	[dreg:$0x2] =	wrdreg s3  }
0xa9: {  	[dreg:$0x3] =	wrdreg s5  }
0xaa: {  	[dreg:$0x4] =	wrdreg $0xC0  }
0xab: {  	_ =	task [dreg:s7], $0x5FFFF  }
0xac: {  	[dreg:$0x1] =	wrdreg $0xFFFFFFFF  }
0xad: {  	[dreg:$0x0] =	wrdreg $0x60  }
0xae: {  	[dreg:$0x2] =	wrdreg s2  }
0xaf: {  	[dreg:$0x3] =	wrdreg s24  }
0xb0: {  	[dreg:$0x4] =	wrdreg $0x97000  }
0xb1: {  	[dreg:$0x5] =	wrdreg $0xA  }
0xb2: {  	_ =	task.clear_ibuf [dreg:s7], $0x6FFFF;
	_ =	strace $0x90000046  }
0xb3: {  	s29 =	simm.s32 $0xA;
	_ =	strace $0x80000048  }
0xb4: {  	_ =	swait.ge [sflag:s29], $0x1  }
0xb5: {  	[sflag:s29] =	ssyncadd.s32 $0xFFFFFFFF  }
0xb6: {  	_ =	strace $0x90000048  }
0xb7: {  	_ =	sfence  }
0xb8: {  	s30 =	sld [smem:$0x0];
	_ =	sdelay $0x2  }
0xb9: {  	s31 =	sshll.u32 s1, $0xD;
	s1 =	sshrl.u32 s1, $0x2  }
0xba: {  	s3 =	sand.u32 $0x4000, s31;
	s1 =	sadd.s32 s1, s30  }
0xbb: {  	s0 =	sor.u32 s3, s0;
	s1 =	sshll.u32 s1, $0x11  }
0xbc: {  	s0 =	sor.u32 s1, s0  }
0xbd: {  	s0 =	sadd.s32 $0x8F2B, s0  }
0xbe: {  	[sflag:s0] =	ssyncadd.remote.s32 $0x1  }
0xbf: {  	_ =	sfence.sel $0xFFFF  }
0xc0: {  	[dreg:$0x0] =	wrdreg $0xFFFFFFFF;
	(pc) =	sbr.abs _section_cstart, $3  }
0xc1: {  	[dreg:$0x1] =	wrdreg $0xFFFFFFFF  }
0xc2: {  	_ =	task.clear_ibuf [dreg:s7], $0x2FFFF;
	_ =	strace $0x9FFFFFFF  }
0xc3: {  	(tm) =	ssettm $0x7FFFFFFF  }
tec
execute0_lowered:
.L_overlay_start_1:
0x0: {  	(tag) =	ssettag $0x1  }
0x1: {  	s1 =	rddreg [dreg:$0x0]  }
0x2: {  	s0 =	rddreg [dreg:$0x1]  }
0x3: {  	s2 =	rddreg [dreg:$0x2];
	s4 =	simm.s32 $0x0;
	s3 =	srdreg.scid  }
0x4: {  	s14 =	stileid.u32;
	s17 =	simm.s32 $0x8300;
	s18 =	simm.s32 $0x4  }
0x5: {  	s19 =	simm.s32 $0x6300;
	s20 =	simm.s32 $0x80;
	s21 =	simm.s32 $0x40  }
0x6: {  	s22 =	simm.s32 $0x100;
	s28 =	simm.s32 $0x2;
	s29 =	simm.s32 $0x3  }
0x7: {  	s31 =	simm.s32 $0x0;
	[smem:$0x7FF] =	sst s4;
	s3 =	sand.u32 $0x1, s3  }
0x8: {  	s11 =	smul.u32 $0x1400, s14;
	s5 =	sadd.s32 $0x15400, s0;
	s6 =	sadd.s32 $0x3C600, s0  }
0x9: {  	s7 =	sadd.s32 $0xB600, s0;
	s8 =	sadd.s32 $0x1800, s0;
	s9 =	sadd.s32 $0xB1800, s0  }
0xa: {  	s23 =	sadd.s32 $0x63800, s0;
	s13 =	ssub.s32 $0x109, s14;
	s26 =	smul.u32 $0x5000, s14  }
0xb: {  	s25 =	sshll.u32 s14, $0x1;
	s10 =	smul.u32 $0x138800, s3;
	_ =	strace $0x80000047  }
0xc: {  	[dreg:$0x4] =	wrdreg s23;
	s12 =	ssub.s32 $0x2, s3;
	s14 =	sshrl.u32 s13, $0x4  }
0xd: {  	s23 =	simm.s32 $0x2100;
	s24 =	sshrl.u32 s12, $0x1;
	[dreg:$0x5] =	wrdreg s14  }
0xe: {  	s10 =	sadd.s32 s11, s10;
	s11 =	sor.u32 s25, s3;
	s3 =	sshrl.u32 s26, $0x2  }
0xf: {  	s25 =	simm.s32 $0x6100;
	s26 =	simm.s32 $0x1;
	s10 =	sshrl.u32 s10, $0x3  }
0x10: {  	s0 =	sadd.s32 s10, s0;
	s10 =	ssub.s32 s12, s24;
	s12 =	sadd.s32 s3, s2  }
0x11: {  	s30 =	ssub.s32 $0x13A7, s11;
	s10 =	smax.u32 s10, $0x1;
	[dreg:$0x7] =	wrdreg s12  }
0x12: {  	s13 =	sshrl.u32 s30, $0x5;
	s0 =	sadd.s32 $0xFFA00, s0;
	[dreg:$0x6] =	wrdreg s10  }
0x13: {  	v0 =	vlaneseq.u32;
	s24 =	simm.s32 $0x4100;
	s3 =	simm.s32 $0x0;
	[dreg:$0x8] =	wrdreg s0  }
.LBB2_1:
0x14: {  	[dreg:$0x9] =	wrdreg s3  }
0x15: {  	s0 =	rddreg [dreg:$0x4]  }
0x16: {  	[tilespmem:s17], [sflag:$0x4] =	stream.linear.gather [hbm4b:s0+s4], $0x1400, $0x38;
	[tilespmem:$0x1CF80] =	vst v63  }
0x17: {  	_ =	swait.ge [sflag:s18], $0x1400  }
0x18: {  	[sflag:s18] =	ssyncset.done $0x0  }
0x19: {  	[sflag:s18] =	ssyncadd.s32 $0xFFFFEC00  }
0x1a: {  	[tilespmem:s19], [sflag:$0x4] =	stream.linear.gather [hbm4b:s0+s4], $0x2000, $0x38;
	[tilespmem:$0x1CF80] =	vst v63  }
0x1b: {  	p0 =	sne.s32 s14, $0x1;
	_ =	swait.ge [sflag:s18], $0x2000  }
.Ltmp0:
0x1c: {  	[sflag:s18] =	ssyncset.done $0x0;
	(pc) =	sbr.rel @!p0 .LBB2_3-.Ltmp0, $4  }
0x1d: {  	[sflag:s18] =	ssyncadd.s32 $0xFFFFE000  }
0x1e: {  	[spmem:s12] =	stream.linear.scatter [tilespmem:s17], [sflag:$0x4], $0x1400, $0x38;
	[tilespmem:$0x1CF80] =	vst v63  }
0x1f: {  	_ =	swait.ge [sflag:s18], $0x1400  }
0x20: {  	s3 =	smov.u32 s12;
	s0 =	sadd.s32 $0xFFFFFFFF, s14;
	[sflag:s18] =	ssyncset.done $0x0  }
.LBB2_2:
0x21: {  	p1 =	sne.s32 s0, $0x1;
	[sflag:s18] =	ssyncadd.s32 $0xFFFFEC00;
	s3 =	sadd.s32 $0x14000, s3  }
.Ltmp1:
0x22: {  	s0 =	sadd.s32 $0xFFFFFFFF, s0;
	(pc) =	sbr.rel @p1 .LBB2_2-.Ltmp1, $4  }
0x23: {  	_ = 	snop  }
0x24: {  	[spmem:s3] =	stream.linear.scatter [tilespmem:s17], [sflag:$0x4], $0x1400, $0x38;
	[tilespmem:$0x1CF80] =	vst v63  }
0x25: {  	_ =	swait.ge [sflag:s18], $0x1400  }
0x26: {  	[sflag:s18] =	ssyncset.done $0x0  }
.LBB2_3:
0x27: {  	[sflag:s18] =	ssyncadd.s32 $0xFFFFEC00  }
0x28: {  	s0 =	simm.s32 $0x0;
	[bflag:$0x0] =	sbarrier.arrive $0xFFFF  }
.LBB2_4:
0x29: {  	s3 =	sshll.u32 s0, $0x5  }
0x2a: {  	s3 =	sor.u32 s11, s3  }
0x2b: {  	s10 =	sshll.u32 s3, $0x3  }
0x2c: {  	s10 =	sand.u32 $0x1FFFFFF8, s10  }
0x2d: {  	s12 =	sadd.s32 s7, s10  }
0x2e: {  	[tilespmem:s31], [sflag:$0x4] =	stream.linear.gather [hbm4b:s12+s31], $0x40, $0x38;
	[tilespmem:$0x1CF80] =	vst v63  }
0x2f: {  	_ =	swait.ge [sflag:s18], $0x40  }
0x30: {  	[sflag:s18] =	ssyncset.done $0x0  }
0x31: {  	s10 =	sadd.s32 s8, s10;
	[sflag:s18] =	ssyncadd.s32 $0xFFFFFFC0  }
0x32: {  	[tilespmem:s20], [sflag:$0x4] =	stream.linear.gather [hbm4b:s10+s31], $0x40, $0x38;
	[tilespmem:$0x1CF80] =	vst v63  }
0x33: {  	_ =	swait.ge [sflag:s18], $0x40  }
0x34: {  	[sflag:s18] =	ssyncset.done $0x0  }
0x35: {  	[sflag:s18] =	ssyncadd.s32 $0xFFFFFFC0  }
0x36: {  	[tilespmem:s22], [sflag:$0x1] =	stream.indirect.gather [hbm4b:s1+s21], $0x80, s20, s21, $0xb8;
	[tilespmem:$0x1CF80] =	vst v63  }
0x37: {  	s3 =	sshll.u32 s3, $0x6  }
0x38: {  	[tilespmem:s23], [sflag:$0x2] =	stream.indirect.gather [hbm4b:s5+s21], $0x80, s31, s21, $0xb8;
	[tilespmem:$0x1CF80] =	vst v63  }
0x39: {  	s3 =	sand.u32 $0x1FFFFFC0, s3  }
0x3a: {  	[tilespmem:s24], [sflag:$0x3] =	stream.indirect.gather [hbm4b:s6+s21], $0x80, s31, s21, $0xb8;
	[tilespmem:$0x1CF80] =	vst v63  }
0x3b: {  	s3 =	sadd.s32 s9, s3  }
0x3c: {  	[tilespmem:s25], [sflag:$0x4] =	stream.linear.gather [hbm4b:s3+s31], $0x200, $0x38;
	[tilespmem:$0x1CF80] =	vst v63  }
0x3d: {  	_ =	swait.ge [sflag:s18], $0x200  }
0x3e: {  	[sflag:s18] =	ssyncset.done $0x0  }
0x3f: {  	[sflag:s18] =	ssyncadd.s32 $0xFFFFFE00  }
0x40: {  	_ =	swait.ge [sflag:s26], $0x2000  }
0x41: {  	[sflag:s26] =	ssyncset.done $0x0  }
0x42: {  	[sflag:s26] =	ssyncadd.s32 $0xFFFFE000  }
0x43: {  	_ =	swait.ge [sflag:s28], $0x2000  }
0x44: {  	[sflag:s28] =	ssyncset.done $0x0  }
0x45: {  	[sflag:s28] =	ssyncadd.s32 $0xFFFFE000  }
0x46: {  	_ =	swait.ge [sflag:s29], $0x2000  }
0x47: {  	[sflag:s29] =	ssyncset.done $0x0  }
0x48: {  	s3 =	simm.s32 $0x0;
	[sflag:s29] =	ssyncadd.s32 $0xFFFFE000  }
.LBB2_5:
0x49: {  	s10 =	simm.s32 $0x0  }
0x4a: {  	v1 =	vmov s10  }
0x4b: {  	s30 =	sshll.u32 s3, $0x4;
	s12 =	simm.s32 $0x1;
	v2 =	vand.u32 $0x70, v1  }
0x4c: {  	v3 =	vmov s12;
	v1 =	vor.u32 s30, v0;
	v4 =	vbroadcast v2, $0x0  }
0x4d: {  	s14 =	simm.s32 $0x2;
	v3 =	vand.u32 $0x71, v3;
	v2 =	vshll.u32 v1, $0x7  }
0x4e: {  	v5 =	vmov s14;
	v3 =	vbroadcast v3, $0x0;
	v8 =	vor.u32 v2, v4  }
0x4f: {  	s15 =	simm.s32 $0x3;
	v4 =	vand.u32 $0x72, v5  }
0x50: {  	v5 =	vor.u32 v2, v3;
	v3 =	vbroadcast v4, $0x0;
	v4 =	vmov s15  }
0x51: {  	s16 =	simm.s32 $0x4;
	v4 =	vand.u32 $0x73, v4  }
0x52: {  	v17 =	vor.u32 v2, v3;
	v3 =	vbroadcast v4, $0x0;
	v4 =	vmov s16  }
0x53: {  	s30 =	simm.s32 $0x5;
	v4 =	vand.u32 $0x74, v4;
	v6 =	vld.idx.msk [tilespmem:v8+s22+$0x0], $0xffff  }
0x54: {  	v18 =	vor.u32 v2, v3;
	v3 =	vmov s30;
	v4 =	vbroadcast v4, $0x0;
	v7 =	vld.idx.msk [tilespmem:v8+s23+$0x0], $0xffff  }
0x55: {  	s12 =	simm.s32 $0x6;
	v9 =	vld.idx.msk [tilespmem:v5+s22+$0x0], $0xffff;
	v3 =	vand.u32 $0x75, v3  }
0x56: {  	v10 =	vmov s12;
	v11 =	vld.idx.msk [tilespmem:v5+s23+$0x0], $0xffff;
	v3 =	vbroadcast v3, $0x0;
	v12 =	vor.u32 v2, v4  }
0x57: {  	s14 =	simm.s32 $0x7;
	v4 =	vand.u32 $0x76, v10;
	v10 =	vld.idx.msk [tilespmem:v17+s23+$0x0], $0xffff  }
0x58: {  	v13 =	vmov s14;
	v4 =	vbroadcast v4, $0x0;
	v14 =	vld.idx.msk [tilespmem:v17+s22+$0x0], $0xffff;
	v3 =	vor.u32 v2, v3  }
0x59: {  	v13 =	vand.u32 $0x77, v13;
	s15 =	simm.s32 $0x8;
	v15 =	vld.idx.msk [tilespmem:v18+s23+$0x0], $0xffff;
	v6 =	vmul.f32 v7, v6  }
0x5a: {  	v13 =	vbroadcast v13, $0x0;
	v4 =	vor.u32 v2, v4;
	v7 =	vmov s15;
	v19 =	vld.idx.msk [tilespmem:v18+s22+$0x0], $0xffff  }
0x5b: {  	s16 =	simm.s32 $0x9;
	v9 =	vmul.f32 v11, v9;
	v7 =	vand.u32 $0x78, v7;
	v20 =	vld.idx.msk [tilespmem:v12+s23+$0x0], $0xffff;
	v6 =	vadd.f32 $0.0e+00, v6  }
0x5c: {  	v16 =	vor.u32 v2, v13;
	v11 =	vmov s16;
	v7 =	vbroadcast v7, $0x0;
	v21 =	vld.idx.msk [tilespmem:v12+s22+$0x0], $0xffff  }
0x5d: {  	s30 =	simm.s32 $0xA;
	v11 =	vand.u32 $0x79, v11;
	v10 =	vmul.f32 v10, v14;
	v13 =	vld.idx.msk [tilespmem:v3+s23+$0x0], $0xffff;
	v9 =	vadd.f32 v9, v6  }
0x5e: {  	v6 =	vor.u32 v2, v7;
	v7 =	vbroadcast v11, $0x0;
	v11 =	vmov s30;
	v14 =	vld.idx.msk [tilespmem:v3+s22+$0x0], $0xffff  }
0x5f: {  	s12 =	simm.s32 $0xB;
	v11 =	vand.u32 $0x7A, v11;
	v22 =	vld.idx.msk [tilespmem:v4+s23+$0x0], $0xffff;
	v15 =	vmul.f32 v15, v19;
	v9 =	vadd.f32 v10, v9  }
0x60: {  	v19 =	vld.idx.msk [tilespmem:v4+s22+$0x0], $0xffff;
	v7 =	vor.u32 v2, v7;
	v10 =	vbroadcast v11, $0x0;
	v11 =	vmov s12  }
0x61: {  	s14 =	simm.s32 $0xC;
	v24 =	vld.idx.msk [tilespmem:v16+s23+$0x0], $0xffff;
	v23 =	vand.u32 $0x7B, v11;
	v20 =	vmul.f32 v20, v21;
	v9 =	vadd.f32 v15, v9  }
0x62: {  	v21 =	vld.idx.msk [tilespmem:v16+s22+$0x0], $0xffff;
	v11 =	vor.u32 v2, v10;
	v10 =	vbroadcast v23, $0x0;
	v15 =	vmov s14  }
0x63: {  	s15 =	simm.s32 $0xD;
	v15 =	vand.u32 $0x7C, v15;
	v23 =	vld.idx.msk [tilespmem:v6+s23+$0x0], $0xffff;
	v13 =	vmul.f32 v13, v14;
	v9 =	vadd.f32 v20, v9  }
0x64: {  	v10 =	vor.u32 v2, v10;
	v14 =	vbroadcast v15, $0x0;
	v15 =	vld.idx.msk [tilespmem:v6+s22+$0x0], $0xffff;
	v20 =	vmov s15  }
0x65: {  	s16 =	simm.s32 $0xE;
	v19 =	vmul.f32 v22, v19;
	v25 =	vld.idx.msk [tilespmem:v7+s23+$0x0], $0xffff;
	v20 =	vand.u32 $0x7D, v20;
	v13 =	vadd.f32 v13, v9  }
0x66: {  	v22 =	vld.idx.msk [tilespmem:v7+s22+$0x0], $0xffff;
	v9 =	vor.u32 v2, v14;
	v14 =	vbroadcast v20, $0x0;
	v20 =	vmov s16  }
0x67: {  	s30 =	simm.s32 $0xF;
	v21 =	vmul.f32 v24, v21;
	v26 =	vld.idx.msk [tilespmem:v11+s23+$0x0], $0xffff;
	v20 =	vand.u32 $0x7E, v20;
	v13 =	vadd.f32 v19, v13  }
0x68: {  	v58 =	vld.idx.msk [tilespmem:v11+s22+$0x0], $0xffff;
	v19 =	vmov s30;
	v14 =	vor.u32 v2, v14;
	v20 =	vbroadcast v20, $0x0  }
0x69: {  	v27 =	vld.idx.msk [tilespmem:v10+s23+$0x0], $0xffff;
	v19 =	vand.u32 $0x7F, v19;
	v23 =	vmul.f32 v23, v15;
	v13 =	vadd.f32 v21, v13  }
0x6a: {  	v21 =	vld.idx.msk [tilespmem:v10+s22+$0x0], $0xffff;
	v15 =	vor.u32 v2, v20;
	v19 =	vbroadcast v19, $0x0  }
0x6b: {  	v22 =	vmul.f32 v25, v22;
	v20 =	vld.idx.msk [tilespmem:v9+s23+$0x0], $0xffff;
	v23 =	vadd.f32 v23, v13  }
0x6c: {  	v59 =	vld.idx.msk [tilespmem:v9+s22+$0x0], $0xffff;
	v13 =	vor.u32 v2, v19  }
0x6d: {  	v24 =	vmul.f32 v26, v58;
	v19 =	vld.idx.msk [tilespmem:v14+s23+$0x0], $0xffff;
	v22 =	vadd.f32 v22, v23  }
0x6e: {  	v23 =	vld.idx.msk [tilespmem:v14+s22+$0x0], $0xffff  }
0x6f: {  	v60 =	vld.idx.msk [tilespmem:v15+s23+$0x0], $0xffff;
	v21 =	vmul.f32 v27, v21;
	v22 =	vadd.f32 v24, v22  }
0x70: {  	v61 =	vld.idx.msk [tilespmem:v15+s22+$0x0], $0xffff  }
0x71: {  	v20 =	vmul.f32 v20, v59;
	v62 =	vld.idx.msk [tilespmem:v13+s23+$0x0], $0xffff;
	v21 =	vadd.f32 v21, v22  }
0x72: {  	s14 =	simm.s32 $0x0;
	v22 =	vld.idx.msk [tilespmem:v13+s22+$0x0], $0xffff  }
0x73: {  	v63 =	vor.u32 s14, v1;
	v19 =	vmul.f32 v19, v23;
	v20 =	vadd.f32 v20, v21;
	_ =	sdelay $0x1  }
0x74: {  	v21 =	vmul.f32 v60, v61;
	v19 =	vadd.f32 v19, v20;
	_ =	sdelay $0x1  }
0x75: {  	v20 =	vmul.f32 v62, v22;
	v19 =	vadd.f32 v21, v19  }
0x76: {  	v21 =	vld.idx.msk [tilespmem:v63+s25+$0x0], $0xffff  }
0x77: {  	v19 =	vadd.f32 v20, v19;
	_ =	sdelay $0x1  }
0x78: {  	v19 =	vmul.f32 $2.500000000e-01, v19;
	_ =	sdelay $0x1  }
0x79: {  	v19 =	vadd.f32 v19, v21;
	_ =	sdelay $0x1  }
0x7a: {  	v19 =	vmul.f32 $1.442695020e+00, v19;
	_ =	sdelay $0x1  }
0x7b: {  	(erf) = vpow2.f32 v19;
	_ =	sdelay $0x4  }
0x7c: {  	v20 =	vld.idx.msk [tilespmem:v8+s24+$0x0], $0xffff;
	_ =	sdelay $0x3  }
0x7d: {  	v19 =	vpop (erf)  }
0x7e: {  	v20 =	vmul.f32 v19, v20;
	_ =	sdelay $0x1  }
0x7f: {  	[tilespmem:v8+s19+$0x0] =	vst.idx.msk $0xffff, v20  }
0x80: {  	v8 =	vld.idx.msk [tilespmem:v5+s24+$0x0], $0xffff;
	_ =	sdelay $0x4  }
0x81: {  	v8 =	vmul.f32 v19, v8;
	_ =	sdelay $0x1  }
0x82: {  	[tilespmem:v5+s19+$0x0] =	vst.idx.msk $0xffff, v8  }
0x83: {  	v5 =	vld.idx.msk [tilespmem:v17+s24+$0x0], $0xffff;
	_ =	sdelay $0x4  }
0x84: {  	v5 =	vmul.f32 v19, v5;
	_ =	sdelay $0x1  }
0x85: {  	[tilespmem:v17+s19+$0x0] =	vst.idx.msk $0xffff, v5  }
0x86: {  	v5 =	vld.idx.msk [tilespmem:v18+s24+$0x0], $0xffff;
	_ =	sdelay $0x4  }
0x87: {  	v5 =	vmul.f32 v5, v19;
	_ =	sdelay $0x1  }
0x88: {  	s12 =	simm.s32 $0x11;
	s15 =	simm.s32 $0x10;
	[tilespmem:v18+s19+$0x0] =	vst.idx.msk $0xffff, v5  }
0x89: {  	v8 =	vmov s15;
	v5 =	vmov s12;
	v17 =	vld.idx.msk [tilespmem:v12+s24+$0x0], $0xffff  }
0x8a: {  	v8 =	vand.u32 $0x70, v8;
	v5 =	vand.u32 $0x71, v5  }
0x8b: {  	s16 =	simm.s32 $0x12;
	v8 =	vbroadcast v8, $0x0;
	v5 =	vbroadcast v5, $0x0  }
0x8c: {  	v18 =	vmov s16  }
0x8d: {  	s30 =	simm.s32 $0x13;
	v8 =	vor.u32 v2, v8;
	v18 =	vand.u32 $0x72, v18;
	v5 =	vor.u32 v2, v5  }
0x8e: {  	s10 =	simm.s32 $0x1F;
	s16 =	simm.s32 $0x2F;
	v20 =	vmul.f32 v17, v19;
	v17 =	vbroadcast v18, $0x0;
	v18 =	vmov s30  }
.LBB2_6:
0x8f: {  	s30 =	sadd.s32 $0xFFFFFFF5, s10  }
0x90: {  	v21 =	vand.u32 $0x73, v18;
	[tilespmem:v12+s19+$0x0] =	vst.idx.msk $0xffff, v20;
	s14 =	sadd.s32 $0x40, s14;
	s12 =	smov.u32 s16;
	s15 =	sadd.s32 $0x10, s16  }
0x91: {  	p1 =	sne.s32 s16, $0x7F;
	v18 =	vor.u32 v2, v17;
	v12 =	vbroadcast v21, $0x0;
	v20 =	vld.idx.msk [tilespmem:v3+s24+$0x0], $0xffff  }
0x92: {  	s16 =	sadd.s32 $0xFFFFFFF6, s10;
	v21 =	vmov s30  }
0x93: {  	v17 =	vor.u32 v2, v12;
	v12 =	vmov s16  }
0x94: {  	v21 =	vand.u32 $0x74, v21;
	s16 =	sadd.s32 $0xFFFFFFF7, s10;
	v12 =	vand.u32 $0x75, v12  }
0x95: {  	v22 =	vmov s16;
	v12 =	vbroadcast v12, $0x0  }
0x96: {  	s16 =	sadd.s32 $0xFFFFFFF8, s10;
	v22 =	vand.u32 $0x76, v22  }
0x97: {  	v22 =	vbroadcast v22, $0x0;
	v20 =	vmul.f32 v20, v19;
	v12 =	vor.u32 v2, v12  }
0x98: {  	v23 =	vmov s16;
	s16 =	sadd.s32 $0xFFFFFFF9, s10  }
0x99: {  	v24 =	vmov s16;
	v22 =	vor.u32 v2, v22;
	[tilespmem:v3+s19+$0x0] =	vst.idx.msk $0xffff, v20;
	v3 =	vmov v12  }
0x9a: {  	s16 =	sadd.s32 $0xFFFFFFFA, s10;
	v12 =	vand.u32 $0x77, v23;
	v23 =	vand.u32 $0x78, v24;
	v24 =	vld.idx.msk [tilespmem:v4+s24+$0x0], $0xffff  }
0x9b: {  	v20 =	vbroadcast v12, $0x0;
	v12 =	vbroadcast v23, $0x0  }
0x9c: {  	v23 =	vmov s16  }
0x9d: {  	v23 =	vand.u32 $0x79, v23;
	v12 =	vor.u32 v2, v12  }
0x9e: {  	v23 =	vbroadcast v23, $0x0;
	_ =	sdelay $0x1  }
0x9f: {  	v24 =	vmul.f32 v24, v19  }
0xa0: {  	v23 =	vor.u32 v2, v23  }
0xa1: {  	[tilespmem:v4+s19+$0x0] =	vst.idx.msk $0xffff, v24;
	v4 =	vmov v22  }
0xa2: {  	v22 =	vld.idx.msk [tilespmem:v16+s24+$0x0], $0xffff;
	_ =	sdelay $0x5  }
0xa3: {  	v22 =	vmul.f32 v22, v19;
	_ =	sdelay $0x1  }
0xa4: {  	[tilespmem:v16+s19+$0x0] =	vst.idx.msk $0xffff, v22  }
0xa5: {  	v16 =	vld.idx.msk [tilespmem:v6+s24+$0x0], $0xffff;
	_ =	sdelay $0x5  }
0xa6: {  	v16 =	vmul.f32 v16, v19;
	_ =	sdelay $0x1  }
0xa7: {  	[tilespmem:v6+s19+$0x0] =	vst.idx.msk $0xffff, v16;
	v6 =	vmov v12  }
0xa8: {  	v12 =	vld.idx.msk [tilespmem:v7+s24+$0x0], $0xffff;
	_ =	sdelay $0x5  }
0xa9: {  	v12 =	vmul.f32 v12, v19;
	_ =	sdelay $0x1  }
0xaa: {  	[tilespmem:v7+s19+$0x0] =	vst.idx.msk $0xffff, v12;
	v7 =	vmov v23  }
0xab: {  	v12 =	vld.idx.msk [tilespmem:v11+s24+$0x0], $0xffff;
	_ =	sdelay $0x5  }
0xac: {  	v16 =	vbroadcast v21, $0x0;
	v21 =	vmul.f32 v12, v19;
	_ =	sdelay $0x1  }
0xad: {  	v12 =	vor.u32 v2, v16;
	[tilespmem:v11+s19+$0x0] =	vst.idx.msk $0xffff, v21  }
0xae: {  	v11 =	vld.idx.msk [tilespmem:v10+s24+$0x0], $0xffff;
	_ =	sdelay $0x5  }
0xaf: {  	s16 =	sadd.s32 $0xFFFFFFFB, s10;
	v11 =	vmul.f32 v11, v19  }
0xb0: {  	v16 =	vmov s16  }
0xb1: {  	s16 =	sadd.s32 $0xFFFFFFFC, s10;
	v16 =	vand.u32 $0x7A, v16;
	[tilespmem:v10+s19+$0x0] =	vst.idx.msk $0xffff, v11  }
0xb2: {  	v10 =	vbroadcast v16, $0x0;
	v11 =	vmov s16;
	v16 =	vld.idx.msk [tilespmem:v9+s24+$0x0], $0xffff  }
0xb3: {  	s16 =	sadd.s32 $0xFFFFFFFD, s10;
	v21 =	vand.u32 $0x7B, v11  }
0xb4: {  	v11 =	vor.u32 v2, v10;
	v10 =	vbroadcast v21, $0x0  }
0xb5: {  	v21 =	vmov s16  }
0xb6: {  	v21 =	vand.u32 $0x7C, v21;
	v10 =	vor.u32 v2, v10  }
0xb7: {  	v21 =	vbroadcast v21, $0x0  }
0xb8: {  	v16 =	vmul.f32 v16, v19;
	_ =	sdelay $0x1  }
0xb9: {  	[tilespmem:v9+s19+$0x0] =	vst.idx.msk $0xffff, v16;
	v9 =	vor.u32 v2, v21  }
0xba: {  	v16 =	vld.idx.msk [tilespmem:v14+s24+$0x0], $0xffff;
	_ =	sdelay $0x5  }
0xbb: {  	v16 =	vmul.f32 v16, v19;
	_ =	sdelay $0x1  }
0xbc: {  	[tilespmem:v14+s19+$0x0] =	vst.idx.msk $0xffff, v16  }
0xbd: {  	v14 =	vld.idx.msk [tilespmem:v15+s24+$0x0], $0xffff;
	_ =	sdelay $0x5  }
0xbe: {  	v14 =	vmul.f32 v14, v19;
	_ =	sdelay $0x1  }
0xbf: {  	[tilespmem:v15+s19+$0x0] =	vst.idx.msk $0xffff, v14  }
0xc0: {  	v14 =	vld.idx.msk [tilespmem:v13+s24+$0x0], $0xffff;
	_ =	sdelay $0x5  }
0xc1: {  	v14 =	vmul.f32 v14, v19;
	_ =	sdelay $0x1  }
0xc2: {  	[tilespmem:v13+s19+$0x0] =	vst.idx.msk $0xffff, v14  }
0xc3: {  	v13 =	vld.idx.msk [tilespmem:v5+s22+$0x0], $0xffff  }
0xc4: {  	v14 =	vld.idx.msk [tilespmem:v8+s22+$0x0], $0xffff  }
0xc5: {  	v15 =	vld.idx.msk [tilespmem:v8+s23+$0x0], $0xffff  }
0xc6: {  	v16 =	vld.idx.msk [tilespmem:v5+s23+$0x0], $0xffff  }
0xc7: {  	v19 =	vld.idx.msk [tilespmem:v18+s23+$0x0], $0xffff  }
0xc8: {  	v21 =	vld.idx.msk [tilespmem:v18+s22+$0x0], $0xffff  }
0xc9: {  	v22 =	vld.idx.msk [tilespmem:v17+s23+$0x0], $0xffff  }
0xca: {  	v23 =	vld.idx.msk [tilespmem:v17+s22+$0x0], $0xffff  }
0xcb: {  	v14 =	vmul.f32 v15, v14;
	v15 =	vld.idx.msk [tilespmem:v12+s23+$0x0], $0xffff  }
0xcc: {  	v13 =	vmul.f32 v16, v13;
	v16 =	vor.u32 v2, v20;
	v24 =	vld.idx.msk [tilespmem:v12+s22+$0x0], $0xffff  }
0xcd: {  	v14 =	vadd.f32 $0.0e+00, v14;
	v20 =	vld.idx.msk [tilespmem:v3+s23+$0x0], $0xffff  }
0xce: {  	v19 =	vmul.f32 v19, v21;
	v21 =	vld.idx.msk [tilespmem:v3+s22+$0x0], $0xffff  }
0xcf: {  	v13 =	vadd.f32 v13, v14;
	v14 =	vld.idx.msk [tilespmem:v4+s23+$0x0], $0xffff  }
0xd0: {  	v22 =	vmul.f32 v22, v23;
	v23 =	vld.idx.msk [tilespmem:v4+s22+$0x0], $0xffff  }
0xd1: {  	v13 =	vadd.f32 v19, v13;
	v19 =	vld.idx.msk [tilespmem:v16+s23+$0x0], $0xffff  }
0xd2: {  	v15 =	vmul.f32 v15, v24;
	v24 =	vld.idx.msk [tilespmem:v16+s22+$0x0], $0xffff  }
0xd3: {  	s16 =	sadd.s32 $0xFFFFFFFE, s10;
	v13 =	vadd.f32 v22, v13;
	v22 =	vld.idx.msk [tilespmem:v6+s23+$0x0], $0xffff  }
0xd4: {  	v25 =	vmov s16;
	v20 =	vmul.f32 v20, v21;
	v21 =	vld.idx.msk [tilespmem:v6+s22+$0x0], $0xffff  }
0xd5: {  	s16 =	sadd.s32 $0xFFFFFFFF, s10;
	v13 =	vadd.f32 v15, v13;
	v15 =	vand.u32 $0x7D, v25;
	v26 =	vld.idx.msk [tilespmem:v7+s23+$0x0], $0xffff  }
0xd6: {  	v23 =	vmul.f32 v14, v23;
	v14 =	vbroadcast v15, $0x0;
	v15 =	vmov s16;
	v25 =	vld.idx.msk [tilespmem:v7+s22+$0x0], $0xffff  }
0xd7: {  	v27 =	vmov s10;
	s10 =	smov.u32 s12;
	v13 =	vadd.f32 v20, v13;
	v15 =	vand.u32 $0x7E, v15;
	v20 =	vld.idx.msk [tilespmem:v11+s23+$0x0], $0xffff  }
0xd8: {  	v19 =	vmul.f32 v19, v24;
	v14 =	vor.u32 v2, v14;
	v15 =	vbroadcast v15, $0x0;
	v24 =	vld.idx.msk [tilespmem:v11+s22+$0x0], $0xffff  }
0xd9: {  	v27 =	vand.u32 $0x7F, v27;
	v13 =	vadd.f32 v23, v13;
	v23 =	vld.idx.msk [tilespmem:v10+s23+$0x0], $0xffff  }
0xda: {  	v27 =	vbroadcast v27, $0x0;
	v21 =	vmul.f32 v22, v21;
	v15 =	vor.u32 v2, v15;
	v22 =	vld.idx.msk [tilespmem:v10+s22+$0x0], $0xffff  }
0xdb: {  	v19 =	vadd.f32 v19, v13;
	v28 =	vld.idx.msk [tilespmem:v9+s23+$0x0], $0xffff  }
0xdc: {  	v13 =	vor.u32 v2, v27;
	v25 =	vmul.f32 v26, v25;
	v26 =	vld.idx.msk [tilespmem:v9+s22+$0x0], $0xffff  }
0xdd: {  	v19 =	vadd.f32 v21, v19;
	v21 =	vld.idx.msk [tilespmem:v14+s23+$0x0], $0xffff  }
0xde: {  	v20 =	vmul.f32 v20, v24;
	v24 =	vld.idx.msk [tilespmem:v14+s22+$0x0], $0xffff  }
0xdf: {  	v19 =	vadd.f32 v25, v19;
	v25 =	vld.idx.msk [tilespmem:v15+s23+$0x0], $0xffff  }
0xe0: {  	v22 =	vmul.f32 v23, v22;
	v23 =	vld.idx.msk [tilespmem:v15+s22+$0x0], $0xffff  }
0xe1: {  	v19 =	vadd.f32 v20, v19;
	v20 =	vld.idx.msk [tilespmem:v13+s23+$0x0], $0xffff  }
0xe2: {  	v26 =	vmul.f32 v28, v26;
	v27 =	vld.idx.msk [tilespmem:v13+s22+$0x0], $0xffff  }
0xe3: {  	v19 =	vadd.f32 v22, v19;
	v22 =	vor.u32 s14, v1  }
0xe4: {  	v21 =	vmul.f32 v21, v24  }
0xe5: {  	v19 =	vadd.f32 v26, v19  }
0xe6: {  	v23 =	vmul.f32 v25, v23  }
0xe7: {  	v19 =	vadd.f32 v21, v19  }
0xe8: {  	v20 =	vmul.f32 v20, v27;
	v21 =	vld.idx.msk [tilespmem:v22+s25+$0x0], $0xffff  }
0xe9: {  	v19 =	vadd.f32 v23, v19;
	_ =	sdelay $0x1  }
0xea: {  	v19 =	vadd.f32 v20, v19;
	_ =	sdelay $0x1  }
0xeb: {  	v19 =	vmul.f32 $2.500000000e-01, v19;
	_ =	sdelay $0x1  }
0xec: {  	v19 =	vadd.f32 v19, v21;
	_ =	sdelay $0x1  }
0xed: {  	v19 =	vmul.f32 $1.442695020e+00, v19;
	_ =	sdelay $0x1  }
0xee: {  	(erf) = vpow2.f32 v19;
	_ =	sdelay $0x2  }
0xef: {  	v20 =	vld.idx.msk [tilespmem:v8+s24+$0x0], $0xffff;
	_ =	sdelay $0x5  }
0xf0: {  	v19 =	vpop (erf)  }
0xf1: {  	v20 =	vmul.f32 v19, v20;
	_ =	sdelay $0x1  }
0xf2: {  	[tilespmem:v8+s19+$0x0] =	vst.idx.msk $0xffff, v20  }
0xf3: {  	v8 =	vld.idx.msk [tilespmem:v5+s24+$0x0], $0xffff;
	_ =	sdelay $0x5  }
0xf4: {  	v8 =	vmul.f32 v19, v8;
	_ =	sdelay $0x1  }
0xf5: {  	[tilespmem:v5+s19+$0x0] =	vst.idx.msk $0xffff, v8  }
0xf6: {  	v5 =	vld.idx.msk [tilespmem:v18+s24+$0x0], $0xffff;
	_ =	sdelay $0x5  }
0xf7: {  	v5 =	vmul.f32 v19, v5;
	_ =	sdelay $0x1  }
0xf8: {  	[tilespmem:v18+s19+$0x0] =	vst.idx.msk $0xffff, v5  }
0xf9: {  	v5 =	vld.idx.msk [tilespmem:v17+s24+$0x0], $0xffff;
	_ =	sdelay $0x5  }
0xfa: {  	v5 =	vmul.f32 v5, v19;
	_ =	sdelay $0x1  }
0xfb: {  	[tilespmem:v17+s19+$0x0] =	vst.idx.msk $0xffff, v5  }
0xfc: {  	s12 =	sadd.s32 $0xFFFFFFF2, s10;
	v17 =	vld.idx.msk [tilespmem:v12+s24+$0x0], $0xffff  }
0xfd: {  	s16 =	sadd.s32 $0xFFFFFFF1, s10;
	v5 =	vmov s12  }
0xfe: {  	v8 =	vmov s16;
	v5 =	vand.u32 $0x71, v5  }
.Ltmp2:
0xff: {  	v8 =	vand.u32 $0x70, v8;
	v5 =	vbroadcast v5, $0x0;
	(pc) =	sbr.rel @p1 .LBB2_6-.Ltmp2, $4  }
0x100: {  	v8 =	vbroadcast v8, $0x0;
	s12 =	sadd.s32 $0xFFFFFFF3, s10  }
0x101: {  	v18 =	vmov s12;
	v5 =	vor.u32 v2, v5  }
0x102: {  	v8 =	vor.u32 v2, v8;
	s12 =	sadd.s32 $0xFFFFFFF4, s10;
	v18 =	vand.u32 $0x72, v18;
	v20 =	vmul.f32 v17, v19  }
0x103: {  	s16 =	smov.u32 s15;
	v17 =	vbroadcast v18, $0x0;
	v18 =	vmov s12  }
0x104: {  	_ =	sdelay $0x3  }
0x105: {  	[tilespmem:v12+s19+$0x0] =	vst.idx.msk $0xffff, v20  }
0x106: {  	v12 =	vld.idx.msk [tilespmem:v3+s24+$0x0], $0xffff;
	_ =	sdelay $0x4  }
0x107: {  	v12 =	vmul.f32 v12, v19;
	_ =	sdelay $0x1  }
0x108: {  	[tilespmem:v3+s19+$0x0] =	vst.idx.msk $0xffff, v12  }
0x109: {  	v3 =	vld.idx.msk [tilespmem:v4+s24+$0x0], $0xffff;
	_ =	sdelay $0x4  }
0x10a: {  	v3 =	vmul.f32 v3, v19;
	_ =	sdelay $0x1  }
0x10b: {  	[tilespmem:v4+s19+$0x0] =	vst.idx.msk $0xffff, v3  }
0x10c: {  	v3 =	vld.idx.msk [tilespmem:v16+s24+$0x0], $0xffff;
	_ =	sdelay $0x4  }
0x10d: {  	v3 =	vmul.f32 v3, v19;
	_ =	sdelay $0x1  }
0x10e: {  	[tilespmem:v16+s19+$0x0] =	vst.idx.msk $0xffff, v3  }
0x10f: {  	v3 =	vld.idx.msk [tilespmem:v6+s24+$0x0], $0xffff;
	_ =	sdelay $0x4  }
0x110: {  	v3 =	vmul.f32 v3, v19;
	_ =	sdelay $0x1  }
0x111: {  	[tilespmem:v6+s19+$0x0] =	vst.idx.msk $0xffff, v3  }
0x112: {  	v3 =	vld.idx.msk [tilespmem:v7+s24+$0x0], $0xffff;
	_ =	sdelay $0x4  }
0x113: {  	v3 =	vmul.f32 v3, v19;
	_ =	sdelay $0x1  }
0x114: {  	[tilespmem:v7+s19+$0x0] =	vst.idx.msk $0xffff, v3  }
0x115: {  	v3 =	vld.idx.msk [tilespmem:v11+s24+$0x0], $0xffff;
	_ =	sdelay $0x4  }
0x116: {  	v3 =	vmul.f32 v3, v19;
	_ =	sdelay $0x1  }
0x117: {  	[tilespmem:v11+s19+$0x0] =	vst.idx.msk $0xffff, v3  }
0x118: {  	v3 =	vld.idx.msk [tilespmem:v10+s24+$0x0], $0xffff;
	_ =	sdelay $0x4  }
0x119: {  	v3 =	vmul.f32 v3, v19;
	_ =	sdelay $0x1  }
0x11a: {  	[tilespmem:v10+s19+$0x0] =	vst.idx.msk $0xffff, v3  }
0x11b: {  	v3 =	vld.idx.msk [tilespmem:v9+s24+$0x0], $0xffff;
	_ =	sdelay $0x4  }
0x11c: {  	v3 =	vmul.f32 v3, v19;
	_ =	sdelay $0x1  }
0x11d: {  	[tilespmem:v9+s19+$0x0] =	vst.idx.msk $0xffff, v3  }
0x11e: {  	v3 =	vld.idx.msk [tilespmem:v14+s24+$0x0], $0xffff;
	_ =	sdelay $0x4  }
0x11f: {  	v3 =	vmul.f32 v3, v19;
	_ =	sdelay $0x1  }
0x120: {  	[tilespmem:v14+s19+$0x0] =	vst.idx.msk $0xffff, v3  }
0x121: {  	v3 =	vld.idx.msk [tilespmem:v15+s24+$0x0], $0xffff;
	_ =	sdelay $0x4  }
0x122: {  	v3 =	vmul.f32 v3, v19;
	_ =	sdelay $0x1  }
0x123: {  	[tilespmem:v15+s19+$0x0] =	vst.idx.msk $0xffff, v3  }
0x124: {  	v3 =	vld.idx.msk [tilespmem:v13+s24+$0x0], $0xffff;
	_ =	sdelay $0x4  }
0x125: {  	v23 =	vmul.f32 v3, v19  }
0x126: {  	v24 =	vand.u32 $0x73, v18;
	s12 =	sadd.s32 $0xFFFFFFF5, s10  }
0x127: {  	v25 =	vmov s12;
	v6 =	vbroadcast v24, $0x0;
	v3 =	vor.u32 v2, v17;
	[tilespmem:v13+s19+$0x0] =	vst.idx.msk $0xffff, v23  }
0x128: {  	s16 =	sadd.s32 $0xFFFFFFF6, s10;
	v7 =	vand.u32 $0x74, v25;
	v9 =	vld.idx.msk [tilespmem:v8+s22+$0x0], $0xffff  }
0x129: {  	v26 =	vmov s16;
	v4 =	vor.u32 v2, v6;
	v7 =	vbroadcast v7, $0x0;
	v10 =	vld.idx.msk [tilespmem:v8+s23+$0x0], $0xffff  }
0x12a: {  	s30 =	sadd.s32 $0xFFFFFFF7, s10;
	v6 =	vand.u32 $0x75, v26;
	v11 =	vld.idx.msk [tilespmem:v5+s22+$0x0], $0xffff  }
0x12b: {  	v28 =	vmov s30;
	v27 =	vbroadcast v6, $0x0;
	v6 =	vor.u32 v2, v7;
	v14 =	vld.idx.msk [tilespmem:v5+s23+$0x0], $0xffff  }
0x12c: {  	s15 =	sadd.s32 $0xFFFFFFF8, s10;
	v13 =	vand.u32 $0x76, v28;
	v15 =	vld.idx.msk [tilespmem:v3+s23+$0x0], $0xffff  }
0x12d: {  	v30 =	vmov s15;
	v7 =	vor.u32 v2, v27;
	v29 =	vbroadcast v13, $0x0;
	v16 =	vld.idx.msk [tilespmem:v3+s22+$0x0], $0xffff  }
0x12e: {  	s16 =	sadd.s32 $0xFFFFFFF9, s10;
	v13 =	vand.u32 $0x77, v30;
	v31 =	vld.idx.msk [tilespmem:v4+s23+$0x0], $0xffff;
	v9 =	vmul.f32 v10, v9  }
0x12f: {  	v33 =	vmov s16;
	v34 =	vld.idx.msk [tilespmem:v4+s22+$0x0], $0xffff;
	v13 =	vbroadcast v13, $0x0;
	v32 =	vor.u32 v2, v29  }
0x130: {  	s30 =	sadd.s32 $0xFFFFFFFA, s10;
	v12 =	vand.u32 $0x78, v33;
	v35 =	vld.idx.msk [tilespmem:v6+s23+$0x0], $0xffff;
	v11 =	vmul.f32 v14, v11;
	v9 =	vadd.f32 $0.0e+00, v9  }
0x131: {  	v36 =	vmov s30;
	v12 =	vbroadcast v12, $0x0;
	v20 =	vld.idx.msk [tilespmem:v6+s22+$0x0], $0xffff;
	v13 =	vor.u32 v2, v13  }
0x132: {  	s15 =	sadd.s32 $0xFFFFFFFB, s10;
	v21 =	vld.idx.msk [tilespmem:v7+s23+$0x0], $0xffff;
	v14 =	vand.u32 $0x79, v36;
	v15 =	vmul.f32 v15, v16;
	v9 =	vadd.f32 v11, v9  }
0x133: {  	v39 =	vmov s15;
	v37 =	vor.u32 v2, v12;
	v40 =	vld.idx.msk [tilespmem:v7+s22+$0x0], $0xffff;
	v38 =	vbroadcast v14, $0x0  }
0x134: {  	s16 =	sadd.s32 $0xFFFFFFFC, s10;
	v17 =	vmul.f32 v31, v34;
	v14 =	vand.u32 $0x7A, v39;
	v22 =	vld.idx.msk [tilespmem:v32+s23+$0x0], $0xffff;
	v9 =	vadd.f32 v15, v9  }
0x135: {  	v41 =	vmov s16;
	v14 =	vbroadcast v14, $0x0;
	v42 =	vld.idx.msk [tilespmem:v32+s22+$0x0], $0xffff;
	v12 =	vor.u32 v2, v38  }
0x136: {  	s30 =	sadd.s32 $0xFFFFFFFD, s10;
	v19 =	vmul.f32 v35, v20;
	v23 =	vld.idx.msk [tilespmem:v13+s23+$0x0], $0xffff;
	v15 =	vand.u32 $0x7B, v41;
	v9 =	vadd.f32 v17, v9  }
0x137: {  	v43 =	vmov s30;
	v44 =	vld.idx.msk [tilespmem:v13+s22+$0x0], $0xffff;
	v14 =	vor.u32 v2, v14;
	v15 =	vbroadcast v15, $0x0  }
0x138: {  	s15 =	sadd.s32 $0xFFFFFFFE, s10;
	v24 =	vld.idx.msk [tilespmem:v37+s23+$0x0], $0xffff;
	v16 =	vmul.f32 v21, v40;
	v17 =	vand.u32 $0x7C, v43;
	v9 =	vadd.f32 v19, v9  }
0x139: {  	v46 =	vmov s15;
	v45 =	vld.idx.msk [tilespmem:v37+s22+$0x0], $0xffff;
	v15 =	vor.u32 v2, v15;
	v17 =	vbroadcast v17, $0x0  }
0x13a: {  	s16 =	sadd.s32 $0xFFFFFFFF, s10;
	v21 =	vand.u32 $0x7D, v46;
	v18 =	vmul.f32 v22, v42;
	v25 =	vld.idx.msk [tilespmem:v12+s23+$0x0], $0xffff;
	v9 =	vadd.f32 v16, v9  }
0x13b: {  	v49 =	vmov s16;
	v21 =	vbroadcast v21, $0x0;
	v48 =	vld.idx.msk [tilespmem:v12+s22+$0x0], $0xffff;
	v47 =	vor.u32 v2, v17  }
0x13c: {  	v22 =	vand.u32 $0x7E, v49;
	v20 =	vmul.f32 v23, v44;
	v26 =	vld.idx.msk [tilespmem:v14+s23+$0x0], $0xffff;
	v9 =	vadd.f32 v18, v9  }
0x13d: {  	v50 =	vmov s10;
	v21 =	vor.u32 v2, v21;
	v22 =	vbroadcast v22, $0x0;
	v51 =	vld.idx.msk [tilespmem:v14+s22+$0x0], $0xffff  }
0x13e: {  	v19 =	vmul.f32 v24, v45;
	v27 =	vld.idx.msk [tilespmem:v15+s23+$0x0], $0xffff;
	v18 =	vand.u32 $0x7F, v50;
	v9 =	vadd.f32 v20, v9  }
0x13f: {  	v22 =	vor.u32 v2, v22;
	v52 =	vld.idx.msk [tilespmem:v15+s22+$0x0], $0xffff;
	v18 =	vbroadcast v18, $0x0  }
0x140: {  	v17 =	vmul.f32 v25, v48;
	v53 =	vld.idx.msk [tilespmem:v47+s23+$0x0], $0xffff;
	v9 =	vadd.f32 v19, v9  }
0x141: {  	v54 =	vld.idx.msk [tilespmem:v47+s22+$0x0], $0xffff;
	v2 =	vor.u32 v2, v18  }
0x142: {  	v55 =	vld.idx.msk [tilespmem:v21+s23+$0x0], $0xffff;
	v23 =	vmul.f32 v26, v51;
	v9 =	vadd.f32 v17, v9  }
0x143: {  	v56 =	vld.idx.msk [tilespmem:v21+s22+$0x0], $0xffff  }
0x144: {  	v57 =	vld.idx.msk [tilespmem:v22+s23+$0x0], $0xffff;
	v20 =	vmul.f32 v27, v52;
	v9 =	vadd.f32 v23, v9  }
0x145: {  	v58 =	vld.idx.msk [tilespmem:v22+s22+$0x0], $0xffff  }
0x146: {  	v19 =	vmul.f32 v53, v54;
	v59 =	vld.idx.msk [tilespmem:v2+s23+$0x0], $0xffff;
	v9 =	vadd.f32 v20, v9  }
0x147: {  	s30 =	sadd.s32 $0x40, s14;
	v60 =	vld.idx.msk [tilespmem:v2+s22+$0x0], $0xffff  }
0x148: {  	v1 =	vor.u32 s30, v1;
	v17 =	vmul.f32 v55, v56;
	v9 =	vadd.f32 v19, v9;
	_ =	sdelay $0x1  }
0x149: {  	v61 =	vmul.f32 v57, v58;
	v9 =	vadd.f32 v17, v9;
	_ =	sdelay $0x1  }
0x14a: {  	v62 =	vmul.f32 v59, v60;
	v9 =	vadd.f32 v61, v9  }
0x14b: {  	v1 =	vld.idx.msk [tilespmem:v1+s25+$0x0], $0xffff  }
0x14c: {  	v9 =	vadd.f32 v62, v9;
	_ =	sdelay $0x1  }
0x14d: {  	v9 =	vmul.f32 $2.500000000e-01, v9;
	_ =	sdelay $0x1  }
0x14e: {  	v1 =	vadd.f32 v9, v1;
	_ =	sdelay $0x1  }
0x14f: {  	v1 =	vmul.f32 $1.442695020e+00, v1;
	_ =	sdelay $0x1  }
0x150: {  	(erf) = vpow2.f32 v1;
	_ =	sdelay $0x4  }
0x151: {  	v1 =	vld.idx.msk [tilespmem:v8+s24+$0x0], $0xffff;
	_ =	sdelay $0x3  }
0x152: {  	v63 =	vpop (erf)  }
0x153: {  	v1 =	vmul.f32 v63, v1;
	_ =	sdelay $0x1  }
0x154: {  	[tilespmem:v8+s19+$0x0] =	vst.idx.msk $0xffff, v1  }
0x155: {  	v1 =	vld.idx.msk [tilespmem:v5+s24+$0x0], $0xffff;
	_ =	sdelay $0x4  }
0x156: {  	v1 =	vmul.f32 v63, v1;
	_ =	sdelay $0x1  }
0x157: {  	[tilespmem:v5+s19+$0x0] =	vst.idx.msk $0xffff, v1  }
0x158: {  	v1 =	vld.idx.msk [tilespmem:v3+s24+$0x0], $0xffff;
	_ =	sdelay $0x4  }
0x159: {  	v1 =	vmul.f32 v63, v1;
	_ =	sdelay $0x1  }
0x15a: {  	[tilespmem:v3+s19+$0x0] =	vst.idx.msk $0xffff, v1  }
0x15b: {  	v1 =	vld.idx.msk [tilespmem:v4+s24+$0x0], $0xffff;
	_ =	sdelay $0x4  }
0x15c: {  	v1 =	vmul.f32 v1, v63;
	_ =	sdelay $0x1  }
0x15d: {  	[tilespmem:v4+s19+$0x0] =	vst.idx.msk $0xffff, v1  }
0x15e: {  	v1 =	vld.idx.msk [tilespmem:v6+s24+$0x0], $0xffff;
	_ =	sdelay $0x4  }
0x15f: {  	v1 =	vmul.f32 v1, v63;
	_ =	sdelay $0x1  }
0x160: {  	[tilespmem:v6+s19+$0x0] =	vst.idx.msk $0xffff, v1  }
0x161: {  	v1 =	vld.idx.msk [tilespmem:v7+s24+$0x0], $0xffff;
	_ =	sdelay $0x4  }
0x162: {  	v1 =	vmul.f32 v1, v63;
	_ =	sdelay $0x1  }
0x163: {  	[tilespmem:v7+s19+$0x0] =	vst.idx.msk $0xffff, v1  }
0x164: {  	v1 =	vld.idx.msk [tilespmem:v32+s24+$0x0], $0xffff;
	_ =	sdelay $0x4  }
0x165: {  	v1 =	vmul.f32 v1, v63;
	_ =	sdelay $0x1  }
0x166: {  	[tilespmem:v32+s19+$0x0] =	vst.idx.msk $0xffff, v1  }
0x167: {  	v1 =	vld.idx.msk [tilespmem:v13+s24+$0x0], $0xffff;
	_ =	sdelay $0x4  }
0x168: {  	v1 =	vmul.f32 v1, v63;
	_ =	sdelay $0x1  }
0x169: {  	[tilespmem:v13+s19+$0x0] =	vst.idx.msk $0xffff, v1  }
0x16a: {  	v1 =	vld.idx.msk [tilespmem:v37+s24+$0x0], $0xffff;
	_ =	sdelay $0x4  }
0x16b: {  	v1 =	vmul.f32 v1, v63;
	_ =	sdelay $0x1  }
0x16c: {  	[tilespmem:v37+s19+$0x0] =	vst.idx.msk $0xffff, v1  }
0x16d: {  	v1 =	vld.idx.msk [tilespmem:v12+s24+$0x0], $0xffff;
	_ =	sdelay $0x4  }
0x16e: {  	v1 =	vmul.f32 v1, v63;
	_ =	sdelay $0x1  }
0x16f: {  	[tilespmem:v12+s19+$0x0] =	vst.idx.msk $0xffff, v1  }
0x170: {  	v1 =	vld.idx.msk [tilespmem:v14+s24+$0x0], $0xffff;
	_ =	sdelay $0x4  }
0x171: {  	v1 =	vmul.f32 v1, v63;
	_ =	sdelay $0x1  }
0x172: {  	[tilespmem:v14+s19+$0x0] =	vst.idx.msk $0xffff, v1  }
0x173: {  	v1 =	vld.idx.msk [tilespmem:v15+s24+$0x0], $0xffff;
	_ =	sdelay $0x4  }
0x174: {  	v1 =	vmul.f32 v1, v63;
	_ =	sdelay $0x1  }
0x175: {  	[tilespmem:v15+s19+$0x0] =	vst.idx.msk $0xffff, v1  }
0x176: {  	v1 =	vld.idx.msk [tilespmem:v47+s24+$0x0], $0xffff;
	_ =	sdelay $0x4  }
0x177: {  	v1 =	vmul.f32 v1, v63;
	_ =	sdelay $0x1  }
0x178: {  	[tilespmem:v47+s19+$0x0] =	vst.idx.msk $0xffff, v1  }
0x179: {  	v1 =	vld.idx.msk [tilespmem:v21+s24+$0x0], $0xffff;
	_ =	sdelay $0x4  }
0x17a: {  	v1 =	vmul.f32 v1, v63;
	_ =	sdelay $0x1  }
0x17b: {  	[tilespmem:v21+s19+$0x0] =	vst.idx.msk $0xffff, v1  }
0x17c: {  	v1 =	vld.idx.msk [tilespmem:v22+s24+$0x0], $0xffff;
	_ =	sdelay $0x4  }
0x17d: {  	v1 =	vmul.f32 v1, v63;
	_ =	sdelay $0x1  }
0x17e: {  	[tilespmem:v22+s19+$0x0] =	vst.idx.msk $0xffff, v1  }
0x17f: {  	v1 =	vld.idx.msk [tilespmem:v2+s24+$0x0], $0xffff  }
0x180: {  	s3 =	sadd.s32 $0x1, s3  }
0x181: {  	p1 =	sne.s32 s3, $0x4  }
.Ltmp3:
0x182: {  	_ = 	snop;
	(pc) =	sbr.rel @p1 .LBB2_5-.Ltmp3, $3  }
0x183: {  	_ = 	snop  }
0x184: {  	v1 =	vmul.f32 v1, v63;
	_ =	sdelay $0x1  }
0x185: {  	[tilespmem:v2+s19+$0x0] =	vst.idx.msk $0xffff, v1  }
0x186: {  	s0 =	sadd.s32 $0x1, s0  }
0x187: {  	p1 =	sne.s32 s0, s13  }
.Ltmp4:
0x188: {  	_ = 	snop;
	(pc) =	sbr.rel @p1 .LBB2_4-.Ltmp4, $4  }
0x189: {  	[spmem:s2] =	stream.indirect.scatter.add.f32 [tilespmem:s19], [sflag:$0x4], $0x80, s20, s21, $0xb8;
	[tilespmem:$0x1CF80] =	vst v63  }
0x18a: {  	_ =	swait.ge [sflag:s18], $0x2000  }
0x18b: {  	[sflag:s18] =	ssyncset.done $0x0  }
0x18c: {  	[sflag:s18] =	ssyncadd.s32 $0xFFFFE000  }
0x18d: {  	[bflag:$0x0] =	sbarrier.arrive $0xFFFF  }
0x18e: {  	s12 =	rddreg [dreg:$0x7]  }
0x18f: {  	[tilespmem:s17], [sflag:$0x4] =	stream.linear.gather [spmem:s12], $0x1400, $0x38;
	[tilespmem:$0x1CF80] =	vst v63  }
0x190: {  	_ =	swait.ge [sflag:s18], $0x1400  }
0x191: {  	[sflag:s18] =	ssyncset.done $0x0  }
.Ltmp5:
0x192: {  	s10 =	rddreg [dreg:$0x8];
	[sflag:s18] =	ssyncadd.s32 $0xFFFFEC00;
	(pc) =	sbr.rel @!p0 .LBB2_11-.Ltmp5, $4  }
0x193: {  	[hbm4b:s10+s4] =	stream.linear.scatter [tilespmem:s17], [sflag:$0x4], $0x1400, $0x38;
	[tilespmem:$0x1CF80] =	vst v63  }
0x194: {  	_ =	swait.ge [sflag:s18], $0x1400  }
0x195: {  	s14 =	rddreg [dreg:$0x5]  }
0x196: {  	s3 =	smov.u32 s12;
	[sflag:s18] =	ssyncset.done $0x0;
	s0 =	sadd.s32 $0xFFFFFFFF, s14  }
.LBB2_10:
0x197: {  	[sflag:s18] =	ssyncadd.s32 $0xFFFFEC00;
	s3 =	sadd.s32 $0x14000, s3;
	s10 =	sadd.s32 $0x2800, s10  }
0x198: {  	[tilespmem:s17], [sflag:$0x4] =	stream.linear.gather [spmem:s3], $0x1400, $0x38;
	[tilespmem:$0x1CF80] =	vst v63  }
0x199: {  	p0 =	sne.s32 s0, $0x1;
	s0 =	sadd.s32 $0xFFFFFFFF, s0;
	_ =	swait.ge [sflag:s18], $0x1400  }
.Ltmp6:
0x19a: {  	[sflag:s18] =	ssyncset.done $0x0;
	(pc) =	sbr.rel @p0 .LBB2_10-.Ltmp6, $4  }
0x19b: {  	[sflag:s18] =	ssyncadd.s32 $0xFFFFEC00  }
0x19c: {  	[hbm4b:s10+s4] =	stream.linear.scatter [tilespmem:s17], [sflag:$0x4], $0x1400, $0x38;
	[tilespmem:$0x1CF80] =	vst v63  }
0x19d: {  	_ =	swait.ge [sflag:s18], $0x1400  }
0x19e: {  	[sflag:s18] =	ssyncset.done $0x0  }
.LBB2_11:
0x19f: {  	s3 =	rddreg [dreg:$0x9]  }
0x1a0: {  	s0 =	rddreg [dreg:$0x6];
	s3 =	sadd.s32 $0x1, s3  }
0x1a1: {  	p0 =	sne.s32 s3, s0  }
.Ltmp7:
0x1a2: {  	_ = 	snop;
	(pc) =	sbr.rel @p0 .LBB2_1-.Ltmp7, $2  }
0x1a3: {  	_ =	sdelay $0x2  }
0x1a4: {  	[sflag:s18] =	ssyncadd.s32 $0xFFFFEC00  }
0x1a5: {  	_ =	sfence.sel $0x180000  }
0x1a6: {  	[bflag:$0x0] =	sbarrier.arrive $0xFFFF  }
0x1a7: {  	_ =	strace $0x90000047  }
0x1a8: {  	s0 =	stileid.u32;
	[bflag:$0x2] =	sbarrier.arrive $0xFFFF  }
0x1a9: {  	p0 =	sne.s32 s0, $0x0;
	s0 =	rddreg [dreg:$0x3]  }
0x1aa: {  	s0 =	sadd.s32 @!p0 $0x100000, s0  }
0x1ab: {  	[sflag:s0] =	ssyncadd.tile.s32 @!p0 $0x1;
	_ =	shalt  }
.Lfunc_end2:
_tile_overlayer_lowered:
.L_overlay_start_2:
0x1ac: {  	(tag) =	ssettag $0x2  }
0x1ad: {  	s0 =	rddreg [dreg:$0x0];
	s2 =	stileid.u32  }
0x1ae: {  	s1 =	rddreg [dreg:$0x1];
	p0 =	sne.s32 s2, $0x0  }
0x1af: {  	s3 =	rddreg [dreg:$0x2];
	[bflag:$0x3] =	sbarrier.arrive $0xFFFF;
	s2 =	simm.s32 @!p0 $0x1C04  }
0x1b0: {  	[timem:s3], [sflag:s2] =	dma.local @!p0 [hbm:s0], s1  }
0x1b1: {  	s0 =	simm.s32 @!p0 $0x4  }
0x1b2: {  	_ =	swait.ge @!p0 [sflag:s0], s1  }
0x1b3: {  	s1 =	ssub.s32 @!p0 $0x0, s1;
	[sflag:s0] =	ssyncset.done @!p0 $0x0  }
0x1b4: {  	[sflag:s0] =	ssyncadd.s32 @!p0 s1  }
0x1b5: {  	[bflag:$0x3] =	sbarrier.arrive $0xFFFF  }
0x1b6: {  	_ =	shalt  }

// kernel: kernel.7.cloned.1.call-start
scs
__scs_entry_jumppad:
0x0: {  	(pc) =	sbr.rel $0x88, $3  }
0x1: {  	(tag) =	ssettag $0x0;
	lr =	simm.s32 $0x1  }
0x2: {  	[smem:$0x3F9A] =	sst lr;
	_ =	strace $0xD0000000  }
0x3: {  	_ = 	snop  }
0x4: {  	_ = 	snop  }
0x5: {  	_ = 	snop  }
0x6: {  	_ = 	snop  }
0x7: {  	_ = 	snop  }
__scs_overlays_trampoline_lowered:
0x8: {  	[smem:$0x3FA9] =	sst s0  }
0x9: {  	[smem:$0x3FAA] =	sst s1  }
0xa: {  	[smem:$0x3FAB] =	sst s2  }
0xb: {  	[smem:$0x3FAC] =	sst s3  }
0xc: {  	[smem:$0x3FAD] =	sst s4  }
0xd: {  	[smem:$0x3FAE] =	sst s5  }
0xe: {  	[smem:$0x3FAF] =	sst s6  }
0xf: {  	[smem:$0x3FB0] =	sst s7  }
0x10: {  	[smem:$0x3FB1] =	sst s8  }
0x11: {  	[smem:$0x3FB2] =	sst s9;
	s0 =	simm.s32 @!p0 $0x0  }
0x12: {  	s1 =	sld [smem:$0x3F98];
	s0 =	simm.s32 @p0 $0x1  }
0x13: {  	[smem:$0x3FB3] =	sst s0;
	s0 =	simm.s32 @!p1 $0x0  }
0x14: {  	s2 =	sld [smem:$0x3F97];
	s0 =	simm.s32 @p1 $0x1  }
0x15: {  	[smem:$0x3FB4] =	sst s0;
	s0 =	simm.s32 @!p2 $0x0  }
0x16: {  	s3 =	sld [smem:$0x3FDB];
	s0 =	simm.s32 @p2 $0x1  }
0x17: {  	s4 =	simm.s32 $0x1BF5;
	[smem:$0x3FB6] =	sst s0  }
0x18: {  	s0 =	sld [smem:$0x3F99];
	_ =	swait.ge [sflag:s4], $0x0  }
0x19: {  	s7 =	sld [smem:$0x3F9A]  }
0x1a: {  	s8 =	sadd.s32 $0xFFFFE003, lr  }
0x1b: {  	s9 =	sadd.s32 $0xFFFFFEF7, lr;
	s5 =	simm.s32 $0xFFFFFFFF;
	p2 =	slt.u32 s8, $0xFFFFF086  }
0x1c: {  	p1 =	slt.u32 s9, $0xF7A;
	s5 =	simm.s32 @!p2 $0x0  }
0x1d: {  	s5 =	simm.s32 @p1 $0x1;
	p0 =	seq.s32 s7, s2  }
0x1e: {  	s7 =	smul.u32 @!p0 $0xF7A, s2;
	p2 =	seq.s32 @!p0 s5, $0x0  }
0x1f: {  	s9 =	smul.u32 $0xF7A, s1;
	s8 =	simm.s32 @!p0 $0x1BF5;
	p2 =	por !p2, p0  }
0x20: {  	[sflag:s8] =	ssyncset.s32 @!p0 $0xFFFFF086;
	s6 =	sadd.s32 @!p0 s3, s7;
	s7 =	simm.s32 @!p0 $0x108  }
0x21: {  	s3 =	sadd.s32 s3, s9;
	s6 =	sadd.s32 @!p0 $0x88, s6;
	s7 =	simm.s32 @p2 $0x1082  }
0x22: {  	[simem:s7], [sflag:s8] =	dma.local @!p0 [hbm:s6], $0xF7A  }
0x23: {  	s9 =	sor.u32 $0xD0000000, s2;
	s6 =	simm.s32 $0x108;
	_ =	swait.ge @!p0 [sflag:s8], $0x0  }
0x24: {  	s3 =	sadd.s32 $0x88, s3;
	s6 =	simm.s32 @!p1 $0x1082;
	[sflag:s4] =	ssyncset.s32 $0xFFFFF086  }
0x25: {  	[simem:s6], [sflag:s4] =	dma.local [hbm:s3], $0xF7A  }
0x26: {  	[smem:$0x3F9A] =	sst s1;
	(tag) =	ssettag s2;
	_ =	strace s9  }
0x27: {  	s1 =	sld [smem:$0x3FAA]  }
0x28: {  	s2 =	sld [smem:$0x3FAB]  }
0x29: {  	s4 =	sld [smem:$0x3FAD]  }
0x2a: {  	p0 =	seq.s32 s5, $0x0;
	s5 =	sld [smem:$0x3FAE]  }
0x2b: {  	s6 =	sld [smem:$0x3FAF]  }
0x2c: {  	s7 =	sld [smem:$0x3FB0]  }
0x2d: {  	s3 =	simm.s32 $0x108;
	s8 =	sld [smem:$0x3FB1]  }
0x2e: {  	s3 =	simm.s32 @!p0 $0x1082;
	s9 =	sld [smem:$0x3FB2]  }
0x2f: {  	lr =	sadd.s32 s0, s3;
	s0 =	sld [smem:$0x3FA9]  }
0x30: {  	s3 =	sld [smem:$0x3FAC]  }
0x31: {  	[smem:$0x3FB5] =	sst s10  }
0x32: {  	s10 =	sld [smem:$0x3FB3];
	_ =	sdelay $0x3  }
0x33: {  	p0 =	seq.s32 s10, $0x1;
	s10 =	sld [smem:$0x3FB5];
	_ =	sdelay $0x3  }
0x34: {  	[smem:$0x3FB5] =	sst s10  }
0x35: {  	s10 =	sld [smem:$0x3FB4];
	_ =	sdelay $0x3  }
0x36: {  	p1 =	seq.s32 s10, $0x1;
	s10 =	sld [smem:$0x3FB5];
	_ =	sdelay $0x3  }
0x37: {  	[smem:$0x3FB5] =	sst s10  }
0x38: {  	s10 =	sld [smem:$0x3FB6]  }
0x39: {  	_ = 	snop;
	(pc) =	sbr.ind lr, $3  }
0x3a: {  	_ = 	snop  }
0x3b: {  	_ = 	snop  }
0x3c: {  	p2 =	seq.s32 s10, $0x1;
	s10 =	sld [smem:$0x3FB5]  }
0x3d: {  	_ =	shalt  }
0x3e: {  	_ =	shalt  }
0x3f: {  	_ =	shalt  }
0x40: {  	_ =	shalt  }
0x41: {  	_ =	shalt  }
0x42: {  	_ =	shalt  }
0x43: {  	_ =	shalt  }
0x44: {  	_ =	shalt  }
0x45: {  	_ =	shalt  }
0x46: {  	_ =	shalt  }
0x47: {  	_ =	shalt  }
0x48: {  	_ =	shalt  }
0x49: {  	_ =	shalt  }
0x4a: {  	_ =	shalt  }
0x4b: {  	_ =	shalt  }
0x4c: {  	_ =	shalt  }
0x4d: {  	_ =	shalt  }
0x4e: {  	_ =	shalt  }
0x4f: {  	_ =	shalt  }
0x50: {  	_ =	shalt  }
0x51: {  	_ =	shalt  }
0x52: {  	_ =	shalt  }
0x53: {  	_ =	shalt  }
0x54: {  	_ =	shalt  }
0x55: {  	_ =	shalt  }
0x56: {  	_ =	shalt  }
0x57: {  	_ =	shalt  }
0x58: {  	_ =	shalt  }
0x59: {  	_ =	shalt  }
0x5a: {  	_ =	shalt  }
0x5b: {  	_ =	shalt  }
0x5c: {  	_ =	shalt  }
0x5d: {  	_ =	shalt  }
0x5e: {  	_ =	shalt  }
0x5f: {  	_ =	shalt  }
0x60: {  	_ =	shalt  }
0x61: {  	_ =	shalt  }
0x62: {  	_ =	shalt  }
0x63: {  	_ =	shalt  }
0x64: {  	_ =	shalt  }
0x65: {  	_ =	shalt  }
0x66: {  	_ =	shalt  }
0x67: {  	_ =	shalt  }
0x68: {  	_ =	shalt  }
0x69: {  	_ =	shalt  }
0x6a: {  	_ =	shalt  }
0x6b: {  	_ =	shalt  }
0x6c: {  	_ =	shalt  }
0x6d: {  	_ =	shalt  }
0x6e: {  	_ =	shalt  }
0x6f: {  	_ =	shalt  }
0x70: {  	_ =	shalt  }
0x71: {  	_ =	shalt  }
0x72: {  	_ =	shalt  }
0x73: {  	_ =	shalt  }
0x74: {  	_ =	shalt  }
0x75: {  	_ =	shalt  }
0x76: {  	_ =	shalt  }
0x77: {  	_ =	shalt  }
0x78: {  	_ =	shalt  }
0x79: {  	_ =	shalt  }
0x7a: {  	_ =	shalt  }
0x7b: {  	_ =	shalt  }
0x7c: {  	_ =	shalt  }
0x7d: {  	_ =	shalt  }
0x7e: {  	_ =	shalt  }
0x7f: {  	_ =	shalt  }
0x80: {  	_ =	shalt  }
0x81: {  	_ =	shalt  }
0x82: {  	_ =	shalt  }
0x83: {  	_ =	shalt  }
0x84: {  	_ =	shalt  }
0x85: {  	_ =	shalt  }
0x86: {  	_ =	shalt  }
0x87: {  	_ =	shalt  }
.Lfunc_end0:
.L_simem_size_0:
called_computation_lowered:
.L_overlay_start_0:
0x88: {  	s2 =	sld [smem:$0x3FD9]  }
0x89: {  	s3 =	sld [smem:$0x3FFE];
	_ =	sdelay $0x1  }
0x8a: {  	s1 =	srdreg.scid  }
0x8b: {  	s0 =	sand.u32 $0x1, s1  }
0x8c: {  	s17 =	sshll.u32 s0, $0xA;
	s2 =	sadd.s32 s3, s2  }
0x8d: {  	s2 =	sadd.s32 s2, s17  }
0x8e: {  	[smem:$0x3FC1] =	sst s2  }
0x8f: {  	_ = 	snop  }
0x90: {  	s18 =	sld [smem:$0x3FD0];
	(tm) =	ssettm $0x1  }
0x91: {  	s19 =	sld [smem:$0x3FFB];
	_ =	sdelay $0x3  }
0x92: {  	_ =	strace s19  }
0x93: {  	s2 =	sld [smem:$0x3FFC];
	_ =	sdelay $0x3  }
0x94: {  	_ =	strace s2  }
0x95: {  	s2 =	sld [smem:$0x3FFD];
	_ =	sdelay $0x3  }
0x96: {  	_ =	strace s2  }
0x97: {  	_ =	strace $0x8FFFFFFF  }
0x98: {  	s20 =	sld [smem:$0x3FDB];
	_ =	sdelay $0x1  }
0x99: {  	s4 =	simm.s32 $_scs_section_size  }
0x9a: {  	s5 =	simm.s32 $_size__tile_overlayer_lowered;
	s6 =	simm.s32 $_tile_overlayer_lowered  }
0x9b: {  	s7 =	simm.s32 $0x1BFF;
	s21 =	sshll.u32 s6, $0x1;
	s4 =	sadd.s32 s4, s20  }
0x9c: {  	s22 =	simm.s32 $0x0;
	s5 =	sshll.u32 s5, $0x1;
	s6 =	sadd.s32 s21, s4  }
0x9d: {  	[timem:s22], [sflag:s7] =	dma.local [hbm:s6], s5  }
0x9e: {  	_ =	swait.ge [sflag:s7], s5  }
0x9f: {  	s5 =	ssub.s32 $0x0, s5;
	[sflag:s7] =	ssyncset.done $0x0  }
0xa0: {  	[sflag:s7] =	ssyncadd.s32 s5;
	_ =	sdelay $0x1  }
0xa1: {  	s23 =	simm.s32 $0x1B8B  }
0xa2: {  	_ =	swait.ge [sflag:s23], $0x1  }
0xa3: {  	[sflag:s23] =	ssyncset.done $0x0  }
0xa4: {  	[sflag:s23] =	ssyncadd.s32 $0xFFFFFFFF  }
0xa5: {  	s5 =	sld [smem:$0x0]  }
0xa6: {  	s6 =	sand.u32 $0xFFFFFFFE, s1  }
0xa7: {  	p0 =	sne.s32 s1, s6  }
0xa8: {  	s6 =	sshll.u32 @p0 s6, $0xE  }
0xa9: {  	s6 =	sadd.s32 @p0 $0x11B8D, s6;
	s7 =	sshll.u32 @p0 s5, $0x11  }
0xaa: {  	s6 =	sor.u32 @p0 s7, s6  }
0xab: {  	[sflag:s6] =	ssyncadd.remote.s32 @p0 $0x1;
	_ =	sdelay $0x1  }
0xac: {  	s6 =	simm.s32 @p0 $0x1B8D  }
0xad: {  	_ =	swait.eq @p0 [sflag:s6], $0x1  }
0xae: {  	[sflag:s6] =	ssyncadd.s32 @p0 $0xFFFFFFFF  }
0xaf: {  	s7 =	sshll.u32 @!p0 s1, $0xE  }
0xb0: {  	s7 =	sor.u32 @!p0 $0x4000, s7;
	s6 =	simm.s32 @!p0 $0x1B8D  }
0xb1: {  	s5 =	sshll.u32 @!p0 s5, $0x11;
	s7 =	sadd.s32 @!p0 $0x11B8D, s7;
	_ =	swait.eq @!p0 [sflag:s6], $0x1  }
0xb2: {  	s5 =	sor.u32 @!p0 s5, s7;
	[sflag:s6] =	ssyncadd.s32 @!p0 $0xFFFFFFFF  }
0xb3: {  	s25 =	simm.s32 $0x1B8E;
	s24 =	sld [smem:$0x3FFE];
	[sflag:s5] =	ssyncadd.remote.s32 @!p0 $0x1  }
0xb4: {  	s26 =	simm.s32 $execute0_lowered;
	[smem:$0x3FD2] =	sst s25  }
0xb5: {  	s6 =	sshll.u32 s26, $0x1;
	_ =	strace $0x80000049;
	[dreg:$0x1] =	wrdreg $0xFFFFFFFF  }
0xb6: {  	s28 =	simm.s32 $_size_execute0_lowered;
	s4 =	sadd.s32 s4, s6;
	[dreg:$0x0] =	wrdreg $0x0  }
0xb7: {  	s6 =	sshll.u32 s28, $0x1;
	[dreg:$0x2] =	wrdreg s4  }
0xb8: {  	[dreg:$0x3] =	wrdreg s6  }
0xb9: {  	[dreg:$0x4] =	wrdreg $0xC0  }
0xba: {  	_ =	task [dreg:s22], $0x5FFFF  }
0xbb: {  	[dreg:$0x1] =	wrdreg $0xFFFFFFFF  }
0xbc: {  	[dreg:$0x0] =	wrdreg $0x60  }
0xbd: {  	[dreg:$0x2] =	wrdreg s18  }
0xbe: {  	[dreg:$0x3] =	wrdreg s24  }
0xbf: {  	[dreg:$0x4] =	wrdreg $0x77000  }
0xc0: {  	[dreg:$0x5] =	wrdreg $0x9  }
0xc1: {  	_ =	task.clear_ibuf [dreg:s22], $0x6FFFF;
	_ =	strace $0x90000049  }
0xc2: {  	s29 =	simm.s32 $0x9;
	_ =	strace $0x8000004B  }
0xc3: {  	_ =	swait.ge [sflag:s29], $0x1  }
0xc4: {  	[sflag:s29] =	ssyncadd.s32 $0xFFFFFFFF  }
0xc5: {  	_ =	strace $0x9000004B  }
0xc6: {  	_ =	sfence  }
0xc7: {  	s30 =	sld [smem:$0x0];
	_ =	sdelay $0x2  }
0xc8: {  	s31 =	sshll.u32 s1, $0xD;
	s1 =	sshrl.u32 s1, $0x2  }
0xc9: {  	s4 =	sand.u32 $0x4000, s31;
	s1 =	sadd.s32 s1, s30  }
0xca: {  	s0 =	sor.u32 s4, s0;
	s1 =	sshll.u32 s1, $0x11  }
0xcb: {  	s0 =	sor.u32 s1, s0  }
0xcc: {  	s0 =	sadd.s32 $0x8F2B, s0  }
0xcd: {  	[sflag:s0] =	ssyncadd.remote.s32 $0x1  }
0xce: {  	_ =	sfence.sel $0xFFFF  }
0xcf: {  	[dreg:$0x0] =	wrdreg $0xFFFFFFFF;
	(pc) =	sbr.abs _section_cstart, $3  }
0xd0: {  	[dreg:$0x1] =	wrdreg $0xFFFFFFFF  }
0xd1: {  	_ =	task.clear_ibuf [dreg:s22], $0x2FFFF;
	_ =	strace $0x9FFFFFFF  }
0xd2: {  	(tm) =	ssettm $0x7FFFFFFF  }
0xd3: {  	_ =	shalt  }
tec
execute0_lowered:
.L_overlay_start_1:
0x0: {  	(tag) =	ssettag $0x1  }
0x1: {  	s1 =	rddreg [dreg:$0x0]  }
0x2: {  	s0 =	rddreg [dreg:$0x1]  }
0x3: {  	s2 =	rddreg [dreg:$0x2];
	s3 =	srdreg.scid  }
0x4: {  	s4 =	simm.s32 $0x0;
	s15 =	stileid.u32;
	s16 =	simm.s32 $0x6300  }
0x5: {  	s17 =	simm.s32 $0x3;
	s18 =	simm.s32 $0x4300;
	s19 =	simm.s32 $0x80  }
0x6: {  	s20 =	simm.s32 $0x40;
	s21 =	simm.s32 $0x100;
	s22 =	simm.s32 $0x2100  }
0x7: {  	s23 =	simm.s32 $0x4100;
	s24 =	simm.s32 $0x1;
	s25 =	simm.s32 $0x2  }
0x8: {  	s3 =	sand.u32 $0x1, s3;
	[smem:$0x7FF] =	sst s4;
	s8 =	smul.u32 $0x1400, s15  }
0x9: {  	s5 =	sadd.s32 $0x15400, s0;
	s6 =	sadd.s32 $0xB600, s0;
	s26 =	sadd.s32 $0x63800, s0  }
0xa: {  	s12 =	sshll.u32 s15, $0x1;
	s13 =	smul.u32 $0x5000, s15;
	s29 =	ssub.s32 $0x109, s15  }
0xb: {  	s7 =	smul.u32 $0x138800, s3;
	_ =	strace $0x8000004A;
	s28 =	ssub.s32 $0x2, s3  }
0xc: {  	[dreg:$0x4] =	wrdreg s26;
	s26 =	simm.s32 $0x0;
	s11 =	sshrl.u32 s28, $0x1  }
0xd: {  	s30 =	sshrl.u32 s13, $0x2;
	s9 =	sadd.s32 s8, s7;
	s7 =	sadd.s32 $0x1800, s0  }
0xe: {  	s8 =	sadd.s32 $0xB1800, s0;
	s14 =	ssub.s32 s28, s11;
	s10 =	sshrl.u32 s9, $0x3  }
0xf: {  	s11 =	sshrl.u32 s29, $0x4;
	s0 =	sadd.s32 s10, s0;
	s10 =	sor.u32 s12, s3  }
0x10: {  	s31 =	smax.u32 s14, $0x1;
	s14 =	sadd.s32 s30, s2;
	s3 =	ssub.s32 $0x13A7, s10  }
0x11: {  	v0 =	vlaneseq.u32;
	[dreg:$0x5] =	wrdreg s31;
	s15 =	sadd.s32 $0x14DC00, s0;
	s12 =	sshrl.u32 s3, $0x5  }
.LBB2_1:
0x12: {  	s0 =	rddreg [dreg:$0x4]  }
0x13: {  	[tilespmem:s16], [sflag:$0x3] =	stream.linear.gather [hbm4b:s0+s4], $0x1400, $0x38;
	[tilespmem:$0x1AF80] =	vst v63  }
0x14: {  	_ =	swait.ge [sflag:s17], $0x1400  }
0x15: {  	[sflag:s17] =	ssyncset.done $0x0  }
0x16: {  	[sflag:s17] =	ssyncadd.s32 $0xFFFFEC00  }
0x17: {  	[tilespmem:s18], [sflag:$0x3] =	stream.linear.gather [hbm4b:s0+s4], $0x2000, $0x38;
	[tilespmem:$0x1AF80] =	vst v63  }
0x18: {  	p0 =	sne.s32 s11, $0x1;
	_ =	swait.ge [sflag:s17], $0x2000  }
.Ltmp0:
0x19: {  	[sflag:s17] =	ssyncset.done $0x0;
	(pc) =	sbr.rel @!p0 .LBB2_3-.Ltmp0, $4  }
0x1a: {  	[sflag:s17] =	ssyncadd.s32 $0xFFFFE000  }
0x1b: {  	[spmem:s14] =	stream.linear.scatter [tilespmem:s16], [sflag:$0x3], $0x1400, $0x38;
	[tilespmem:$0x1AF80] =	vst v63  }
0x1c: {  	_ =	swait.ge [sflag:s17], $0x1400  }
0x1d: {  	s3 =	smov.u32 s14;
	s0 =	sadd.s32 $0xFFFFFFFF, s11;
	[sflag:s17] =	ssyncset.done $0x0  }
.LBB2_2:
0x1e: {  	p1 =	sne.s32 s0, $0x1;
	[sflag:s17] =	ssyncadd.s32 $0xFFFFEC00;
	s3 =	sadd.s32 $0x14000, s3  }
.Ltmp1:
0x1f: {  	s0 =	sadd.s32 $0xFFFFFFFF, s0;
	(pc) =	sbr.rel @p1 .LBB2_2-.Ltmp1, $4  }
0x20: {  	_ = 	snop  }
0x21: {  	[spmem:s3] =	stream.linear.scatter [tilespmem:s16], [sflag:$0x3], $0x1400, $0x38;
	[tilespmem:$0x1AF80] =	vst v63  }
0x22: {  	_ =	swait.ge [sflag:s17], $0x1400  }
0x23: {  	[sflag:s17] =	ssyncset.done $0x0  }
.LBB2_3:
0x24: {  	[sflag:s17] =	ssyncadd.s32 $0xFFFFEC00  }
0x25: {  	s28 =	simm.s32 $0x0;
	s29 =	simm.s32 $0x0;
	[bflag:$0x0] =	sbarrier.arrive $0xFFFF  }
.LBB2_4:
0x26: {  	s0 =	sshll.u32 s29, $0x5  }
0x27: {  	s0 =	sor.u32 s10, s0  }
0x28: {  	s3 =	sshll.u32 s0, $0x3  }
0x29: {  	s3 =	sand.u32 $0x1FFFFFF8, s3  }
0x2a: {  	s30 =	sadd.s32 s6, s3  }
0x2b: {  	[tilespmem:s28], [sflag:$0x3] =	stream.linear.gather [hbm4b:s30+s28], $0x40, $0x38;
	[tilespmem:$0x1AF80] =	vst v63  }
0x2c: {  	_ =	swait.ge [sflag:s17], $0x40  }
0x2d: {  	[sflag:s17] =	ssyncset.done $0x0  }
0x2e: {  	s3 =	sadd.s32 s7, s3;
	[sflag:s17] =	ssyncadd.s32 $0xFFFFFFC0  }
0x2f: {  	[tilespmem:s19], [sflag:$0x3] =	stream.linear.gather [hbm4b:s3+s28], $0x40, $0x38;
	[tilespmem:$0x1AF80] =	vst v63  }
0x30: {  	_ =	swait.ge [sflag:s17], $0x40  }
0x31: {  	[sflag:s17] =	ssyncset.done $0x0  }
0x32: {  	s0 =	sshll.u32 s0, $0x6;
	[sflag:s17] =	ssyncadd.s32 $0xFFFFFFC0  }
0x33: {  	[tilespmem:s21], [sflag:$0x1] =	stream.indirect.gather [hbm4b:s1+s20], $0x80, s19, s20, $0xb8;
	[tilespmem:$0x1AF80] =	vst v63  }
0x34: {  	s0 =	sand.u32 $0x1FFFFFC0, s0  }
0x35: {  	[tilespmem:s22], [sflag:$0x2] =	stream.indirect.gather [hbm4b:s5+s20], $0x80, s28, s20, $0xb8;
	[tilespmem:$0x1AF80] =	vst v63  }
0x36: {  	s0 =	sadd.s32 s8, s0  }
0x37: {  	[tilespmem:s23], [sflag:$0x3] =	stream.linear.gather [hbm4b:s0+s28], $0x200, $0x38;
	[tilespmem:$0x1AF80] =	vst v63  }
0x38: {  	_ =	swait.ge [sflag:s17], $0x200  }
0x39: {  	[sflag:s17] =	ssyncset.done $0x0  }
0x3a: {  	[sflag:s17] =	ssyncadd.s32 $0xFFFFFE00  }
0x3b: {  	_ =	swait.ge [sflag:s24], $0x2000  }
0x3c: {  	[sflag:s24] =	ssyncset.done $0x0  }
0x3d: {  	[sflag:s24] =	ssyncadd.s32 $0xFFFFE000  }
0x3e: {  	_ =	swait.ge [sflag:s25], $0x2000  }
0x3f: {  	[sflag:s25] =	ssyncset.done $0x0  }
0x40: {  	s30 =	simm.s32 $0x0;
	[sflag:s25] =	ssyncadd.s32 $0xFFFFE000  }
.LBB2_5:
0x41: {  	s0 =	simm.s32 $0x0  }
0x42: {  	v1 =	vmov s0  }
0x43: {  	s13 =	sshll.u32 s30, $0x4;
	s3 =	simm.s32 $0x1;
	v2 =	vand.u32 $0x70, v1  }
0x44: {  	v4 =	vmov s3;
	v1 =	vor.u32 s13, v0;
	v3 =	vbroadcast v2, $0x0  }
0x45: {  	s3 =	simm.s32 $0x2;
	v4 =	vand.u32 $0x71, v4;
	v2 =	vshll.u32 v1, $0x7  }
0x46: {  	v5 =	vmov s3;
	v4 =	vbroadcast v4, $0x0;
	v3 =	vor.u32 v2, v3  }
0x47: {  	s9 =	simm.s32 $0x3;
	v5 =	vand.u32 $0x72, v5  }
0x48: {  	v6 =	vmov s9;
	v5 =	vbroadcast v5, $0x0;
	v4 =	vor.u32 v2, v4  }
0x49: {  	v6 =	vand.u32 $0x73, v6;
	s13 =	simm.s32 $0x4  }
0x4a: {  	v6 =	vbroadcast v6, $0x0;
	v7 =	vmov s13;
	v5 =	vor.u32 v2, v5  }
0x4b: {  	s3 =	simm.s32 $0x5;
	v7 =	vand.u32 $0x74, v7;
	v8 =	vld.idx.msk [tilespmem:v3+s22+$0x0], $0xffff  }
0x4c: {  	v10 =	vmov s3;
	v6 =	vor.u32 v2, v6;
	v7 =	vbroadcast v7, $0x0;
	v9 =	vld.idx.msk [tilespmem:v3+s21+$0x0], $0xffff  }
0x4d: {  	s9 =	simm.s32 $0x6;
	v10 =	vand.u32 $0x75, v10;
	v11 =	vld.idx.msk [tilespmem:v4+s21+$0x0], $0xffff  }
0x4e: {  	v12 =	vmov s9;
	v10 =	vbroadcast v10, $0x0;
	v7 =	vor.u32 v2, v7;
	v4 =	vld.idx.msk [tilespmem:v4+s22+$0x0], $0xffff  }
0x4f: {  	v12 =	vand.u32 $0x76, v12;
	s13 =	simm.s32 $0x7;
	v13 =	vld.idx.msk [tilespmem:v5+s21+$0x0], $0xffff  }
0x50: {  	v12 =	vbroadcast v12, $0x0;
	v14 =	vmov s13;
	v10 =	vor.u32 v2, v10;
	v5 =	vld.idx.msk [tilespmem:v5+s22+$0x0], $0xffff  }
0x51: {  	s3 =	simm.s32 $0x8;
	v14 =	vand.u32 $0x77, v14;
	v15 =	vld.idx.msk [tilespmem:v6+s21+$0x0], $0xffff;
	v8 =	vmul.f32 v8, v9  }
0x52: {  	v45 =	vmov s3;
	v12 =	vor.u32 v2, v12;
	v14 =	vbroadcast v14, $0x0;
	v6 =	vld.idx.msk [tilespmem:v6+s22+$0x0], $0xffff  }
0x53: {  	s9 =	simm.s32 $0x9;
	v16 =	vld.idx.msk [tilespmem:v7+s21+$0x0], $0xffff;
	v9 =	vand.u32 $0x78, v45;
	v4 =	vmul.f32 v4, v11;
	v8 =	vadd.f32 $0.0e+00, v8  }
0x54: {  	v46 =	vmov s9;
	v14 =	vor.u32 v2, v14;
	v7 =	vld.idx.msk [tilespmem:v7+s22+$0x0], $0xffff;
	v9 =	vbroadcast v9, $0x0  }
0x55: {  	s13 =	simm.s32 $0xA;
	v17 =	vld.idx.msk [tilespmem:v10+s21+$0x0], $0xffff;
	v11 =	vand.u32 $0x79, v46;
	v5 =	vmul.f32 v5, v13;
	v4 =	vadd.f32 v4, v8  }
0x56: {  	v47 =	vmov s13;
	v10 =	vld.idx.msk [tilespmem:v10+s22+$0x0], $0xffff;
	v11 =	vbroadcast v11, $0x0;
	v9 =	vor.u32 v2, v9  }
0x57: {  	s3 =	simm.s32 $0xB;
	v48 =	vld.idx.msk [tilespmem:v12+s21+$0x0], $0xffff;
	v8 =	vand.u32 $0x7A, v47;
	v4 =	vadd.f32 v5, v4;
	v5 =	vmul.f32 v6, v15  }
0x58: {  	v12 =	vld.idx.msk [tilespmem:v12+s22+$0x0], $0xffff;
	v11 =	vor.u32 v2, v11;
	v8 =	vbroadcast v8, $0x0;
	v6 =	vmov s3  }
0x59: {  	s9 =	simm.s32 $0xC;
	v49 =	vld.idx.msk [tilespmem:v14+s21+$0x0], $0xffff;
	v6 =	vand.u32 $0x7B, v6;
	v4 =	vadd.f32 v5, v4;
	v5 =	vmul.f32 v7, v16  }
0x5a: {  	v14 =	vld.idx.msk [tilespmem:v14+s22+$0x0], $0xffff;
	v8 =	vor.u32 v2, v8;
	v7 =	vmov s9;
	v6 =	vbroadcast v6, $0x0  }
0x5b: {  	s13 =	simm.s32 $0xD;
	v50 =	vld.idx.msk [tilespmem:v9+s21+$0x0], $0xffff;
	v7 =	vand.u32 $0x7C, v7;
	v4 =	vadd.f32 v5, v4;
	v5 =	vmul.f32 v10, v17  }
0x5c: {  	v51 =	vmov s13;
	v9 =	vld.idx.msk [tilespmem:v9+s22+$0x0], $0xffff;
	v7 =	vbroadcast v7, $0x0;
	v6 =	vor.u32 v2, v6  }
0x5d: {  	s3 =	simm.s32 $0xE;
	v52 =	vld.idx.msk [tilespmem:v11+s21+$0x0], $0xffff;
	v10 =	vand.u32 $0x7D, v51;
	v4 =	vadd.f32 v5, v4;
	v5 =	vmul.f32 v12, v48  }
0x5e: {  	v53 =	vmov s3;
	v11 =	vld.idx.msk [tilespmem:v11+s22+$0x0], $0xffff;
	v10 =	vbroadcast v10, $0x0;
	v7 =	vor.u32 v2, v7  }
0x5f: {  	s9 =	simm.s32 $0xF;
	v12 =	vand.u32 $0x7E, v53;
	v54 =	vld.idx.msk [tilespmem:v8+s21+$0x0], $0xffff;
	v4 =	vadd.f32 v5, v4;
	v5 =	vmul.f32 v14, v49  }
0x60: {  	v55 =	vmov s9;
	v8 =	vld.idx.msk [tilespmem:v8+s22+$0x0], $0xffff;
	v12 =	vbroadcast v12, $0x0;
	v10 =	vor.u32 v2, v10  }
0x61: {  	v14 =	vand.u32 $0x7F, v55;
	v56 =	vld.idx.msk [tilespmem:v6+s21+$0x0], $0xffff;
	v4 =	vadd.f32 v5, v4;
	v5 =	vmul.f32 v9, v50  }
0x62: {  	v57 =	vbroadcast v14, $0x0;
	v6 =	vld.idx.msk [tilespmem:v6+s22+$0x0], $0xffff;
	v12 =	vor.u32 v2, v12  }
0x63: {  	v58 =	vld.idx.msk [tilespmem:v7+s21+$0x0], $0xffff;
	v4 =	vadd.f32 v5, v4;
	v5 =	vmul.f32 v11, v52  }
0x64: {  	v7 =	vld.idx.msk [tilespmem:v7+s22+$0x0], $0xffff;
	v9 =	vor.u32 v2, v57  }
0x65: {  	v59 =	vld.idx.msk [tilespmem:v10+s21+$0x0], $0xffff;
	v4 =	vadd.f32 v5, v4;
	v5 =	vmul.f32 v8, v54  }
0x66: {  	v60 =	vld.idx.msk [tilespmem:v10+s22+$0x0], $0xffff  }
0x67: {  	v61 =	vld.idx.msk [tilespmem:v12+s21+$0x0], $0xffff;
	v4 =	vadd.f32 v5, v4;
	v5 =	vmul.f32 v6, v56  }
0x68: {  	v6 =	vld.idx.msk [tilespmem:v12+s22+$0x0], $0xffff  }
0x69: {  	v62 =	vld.idx.msk [tilespmem:v9+s21+$0x0], $0xffff;
	v4 =	vadd.f32 v5, v4;
	v5 =	vmul.f32 v7, v58  }
0x6a: {  	s31 =	simm.s32 $0x0;
	v7 =	vld.idx.msk [tilespmem:v9+s22+$0x0], $0xffff  }
0x6b: {  	v63 =	vor.u32 s31, v1;
	v4 =	vadd.f32 v5, v4;
	v5 =	vmul.f32 v60, v59;
	_ =	sdelay $0x1  }
0x6c: {  	v4 =	vadd.f32 v5, v4;
	v5 =	vmul.f32 v6, v61;
	_ =	sdelay $0x1  }
0x6d: {  	v4 =	vadd.f32 v5, v4;
	v5 =	vmul.f32 v7, v62  }
0x6e: {  	v6 =	vld.idx.msk [tilespmem:v63+s23+$0x0], $0xffff  }
0x6f: {  	v4 =	vadd.f32 v5, v4;
	_ =	sdelay $0x1  }
0x70: {  	v4 =	vmul.f32 $2.500000000e-01, v4;
	_ =	sdelay $0x1  }
0x71: {  	v4 =	vadd.f32 v4, v6;
	_ =	sdelay $0x1  }
0x72: {  	v4 =	vmul.f32 $1.442695020e+00, v4;
	_ =	sdelay $0x1  }
0x73: {  	(erf) = vpow2.f32 v4  }
0x74: {  	s13 =	simm.s32 $0x10  }
0x75: {  	s0 =	simm.s32 $0x1F;
	s3 =	simm.s32 $0x2F;
	v4 =	vmov s13  }
.LBB2_6:
0x76: {  	p1 =	sne.s32 s3, $0x7F;
	v4 =	vand.u32 $0x70, v4;
	s13 =	sadd.s32 $0xFFFFFFF2, s0  }
0x77: {  	v4 =	vbroadcast v4, $0x0;
	v5 =	vmov s13  }
0x78: {  	s13 =	sadd.s32 $0xFFFFFFF3, s0;
	v5 =	vand.u32 $0x71, v5  }
0x79: {  	v6 =	vmov s13;
	v4 =	vor.u32 v2, v4;
	v5 =	vbroadcast v5, $0x0  }
0x7a: {  	s13 =	sadd.s32 $0xFFFFFFF4, s0;
	v6 =	vand.u32 $0x72, v6  }
0x7b: {  	v7 =	vmov s13;
	v6 =	vbroadcast v6, $0x0;
	v5 =	vor.u32 v2, v5  }
0x7c: {  	s13 =	sadd.s32 $0xFFFFFFF5, s0;
	v7 =	vand.u32 $0x73, v7;
	v8 =	vpop (erf)  }
0x7d: {  	v9 =	vmov s13;
	v7 =	vbroadcast v7, $0x0;
	v6 =	vor.u32 v2, v6;
	[tilespmem:v3+s18+$0x0] =	vst.idx.msk $0xffff, v8;
	v3 =	vmovc v4  }
0x7e: {  	s13 =	sadd.s32 $0xFFFFFFF6, s0;
	v9 =	vand.u32 $0x74, v9;
	v8 =	vld.idx.msk [tilespmem:v4+s22+$0x0], $0xffff  }
0x7f: {  	v10 =	vmov s13;
	v9 =	vbroadcast v9, $0x0;
	v7 =	vor.u32 v2, v7;
	v4 =	vld.idx.msk [tilespmem:v4+s21+$0x0], $0xffff  }
0x80: {  	s13 =	sadd.s32 $0xFFFFFFF7, s0;
	v10 =	vand.u32 $0x75, v10;
	v11 =	vld.idx.msk [tilespmem:v5+s21+$0x0], $0xffff  }
0x81: {  	v12 =	vmov s13;
	s13 =	sadd.s32 $0xFFFFFFF9, s0;
	v10 =	vbroadcast v10, $0x0;
	v9 =	vor.u32 v2, v9;
	v5 =	vld.idx.msk [tilespmem:v5+s22+$0x0], $0xffff  }
0x82: {  	s9 =	sadd.s32 $0xFFFFFFF8, s0;
	v12 =	vand.u32 $0x76, v12;
	v14 =	vmov s13;
	v13 =	vld.idx.msk [tilespmem:v6+s21+$0x0], $0xffff  }
0x83: {  	v15 =	vmov s9;
	s9 =	sadd.s32 $0xFFFFFFFA, s0;
	v12 =	vbroadcast v12, $0x0;
	v10 =	vor.u32 v2, v10;
	v6 =	vld.idx.msk [tilespmem:v6+s22+$0x0], $0xffff  }
0x84: {  	v15 =	vand.u32 $0x77, v15;
	v17 =	vmov s9;
	v14 =	vand.u32 $0x78, v14;
	v16 =	vld.idx.msk [tilespmem:v7+s21+$0x0], $0xffff  }
0x85: {  	s9 =	sadd.s32 $0xFFFFFFFB, s0;
	v4 =	vmul.f32 v8, v4;
	v8 =	vor.u32 v2, v12;
	v12 =	vbroadcast v15, $0x0;
	v7 =	vld.idx.msk [tilespmem:v7+s22+$0x0], $0xffff  }
0x86: {  	v17 =	vand.u32 $0x79, v17;
	v18 =	vmov s9;
	v14 =	vbroadcast v14, $0x0;
	v15 =	vld.idx.msk [tilespmem:v9+s21+$0x0], $0xffff  }
0x87: {  	s9 =	sadd.s32 $0xFFFFFFFC, s0;
	v4 =	vadd.f32 $0.0e+00, v4;
	v5 =	vmul.f32 v5, v11;
	v11 =	vor.u32 v2, v12;
	v9 =	vld.idx.msk [tilespmem:v9+s22+$0x0], $0xffff  }
0x88: {  	v17 =	vbroadcast v17, $0x0;
	v18 =	vand.u32 $0x7A, v18;
	v19 =	vmov s9;
	v12 =	vld.idx.msk [tilespmem:v10+s21+$0x0], $0xffff  }
0x89: {  	s9 =	sadd.s32 $0xFFFFFFFD, s0;
	v4 =	vadd.f32 v5, v4;
	v5 =	vmul.f32 v6, v13;
	v6 =	vld.idx.msk [tilespmem:v10+s22+$0x0], $0xffff;
	v10 =	vor.u32 v2, v14  }
0x8a: {  	v14 =	vbroadcast v18, $0x0;
	v18 =	vand.u32 $0x7B, v19;
	v19 =	vmov s9;
	v13 =	vld.idx.msk [tilespmem:v8+s21+$0x0], $0xffff  }
0x8b: {  	s9 =	sadd.s32 $0xFFFFFFFE, s0;
	v4 =	vadd.f32 v5, v4;
	v5 =	vmul.f32 v7, v16;
	v7 =	vld.idx.msk [tilespmem:v8+s22+$0x0], $0xffff;
	v8 =	vor.u32 v2, v17  }
0x8c: {  	v17 =	vbroadcast v18, $0x0;
	v18 =	vand.u32 $0x7C, v19;
	v19 =	vmov s9;
	v16 =	vld.idx.msk [tilespmem:v11+s21+$0x0], $0xffff  }
0x8d: {  	s9 =	sadd.s32 $0xFFFFFFFF, s0;
	v4 =	vadd.f32 v5, v4;
	v5 =	vmul.f32 v9, v15;
	v9 =	vld.idx.msk [tilespmem:v11+s22+$0x0], $0xffff;
	v11 =	vor.u32 v2, v14  }
0x8e: {  	v15 =	vbroadcast v18, $0x0;
	v18 =	vand.u32 $0x7D, v19;
	v19 =	vmov s9;
	v14 =	vld.idx.msk [tilespmem:v10+s21+$0x0], $0xffff  }
0x8f: {  	v4 =	vadd.f32 v5, v4;
	v5 =	vmul.f32 v6, v12;
	v6 =	vld.idx.msk [tilespmem:v10+s22+$0x0], $0xffff;
	v10 =	vor.u32 v2, v17  }
0x90: {  	v17 =	vbroadcast v18, $0x0;
	v18 =	vand.u32 $0x7E, v19;
	v19 =	vmov s0;
	s0 =	smov.u32 s3;
	v12 =	vld.idx.msk [tilespmem:v8+s21+$0x0], $0xffff  }
0x91: {  	v4 =	vadd.f32 v5, v4;
	v5 =	vmul.f32 v7, v13;
	v7 =	vld.idx.msk [tilespmem:v8+s22+$0x0], $0xffff;
	v8 =	vor.u32 v2, v15  }
0x92: {  	v15 =	vbroadcast v18, $0x0;
	v18 =	vand.u32 $0x7F, v19;
	v13 =	vld.idx.msk [tilespmem:v11+s21+$0x0], $0xffff  }
0x93: {  	v4 =	vadd.f32 v5, v4;
	v5 =	vmul.f32 v9, v16;
	v9 =	vld.idx.msk [tilespmem:v11+s22+$0x0], $0xffff;
	v11 =	vor.u32 v2, v17  }
0x94: {  	v17 =	vbroadcast v18, $0x0;
	v16 =	vld.idx.msk [tilespmem:v10+s21+$0x0], $0xffff  }
0x95: {  	v4 =	vadd.f32 v5, v4;
	v5 =	vmul.f32 v6, v14;
	v6 =	vld.idx.msk [tilespmem:v10+s22+$0x0], $0xffff;
	v10 =	vor.u32 v2, v15  }
0x96: {  	v14 =	vld.idx.msk [tilespmem:v8+s21+$0x0], $0xffff  }
0x97: {  	v4 =	vadd.f32 v5, v4;
	v5 =	vmul.f32 v7, v12;
	v7 =	vld.idx.msk [tilespmem:v8+s22+$0x0], $0xffff;
	v8 =	vor.u32 v2, v17  }
0x98: {  	v12 =	vld.idx.msk [tilespmem:v11+s21+$0x0], $0xffff  }
0x99: {  	v4 =	vadd.f32 v5, v4;
	v5 =	vmul.f32 v9, v13;
	v9 =	vld.idx.msk [tilespmem:v11+s22+$0x0], $0xffff  }
0x9a: {  	v11 =	vld.idx.msk [tilespmem:v10+s21+$0x0], $0xffff  }
0x9b: {  	v4 =	vadd.f32 v5, v4;
	v5 =	vmul.f32 v6, v16;
	v6 =	vld.idx.msk [tilespmem:v10+s22+$0x0], $0xffff  }
0x9c: {  	v10 =	vld.idx.msk [tilespmem:v8+s21+$0x0], $0xffff  }
0x9d: {  	s31 =	sadd.s32 $0x40, s31;
	v4 =	vadd.f32 v5, v4;
	v5 =	vmul.f32 v7, v14;
	v7 =	vld.idx.msk [tilespmem:v8+s22+$0x0], $0xffff  }
0x9e: {  	v8 =	vor.u32 s31, v1  }
0x9f: {  	v4 =	vadd.f32 v5, v4;
	v5 =	vmul.f32 v9, v12;
	_ =	sdelay $0x1  }
0xa0: {  	v4 =	vadd.f32 v5, v4;
	v5 =	vmul.f32 v6, v11;
	_ =	sdelay $0x1  }
0xa1: {  	v4 =	vadd.f32 v5, v4;
	v5 =	vmul.f32 v7, v10;
	v6 =	vld.idx.msk [tilespmem:v8+s23+$0x0], $0xffff;
	_ =	sdelay $0x1  }
0xa2: {  	v4 =	vadd.f32 v5, v4;
	_ =	sdelay $0x1  }
0xa3: {  	v4 =	vmul.f32 $2.500000000e-01, v4;
	_ =	sdelay $0x1  }
0xa4: {  	v4 =	vadd.f32 v4, v6;
	_ =	sdelay $0x1  }
.Ltmp2:
0xa5: {  	v4 =	vmul.f32 $1.442695020e+00, v4;
	(pc) =	sbr.rel @p1 .LBB2_6-.Ltmp2, $4  }
0xa6: {  	_ = 	snop  }
0xa7: {  	(erf) = vpow2.f32 v4  }
0xa8: {  	s9 =	sadd.s32 $0xFFFFFFF1, s3  }
0xa9: {  	s3 =	sadd.s32 $0x10, s3;
	v4 =	vmov s9  }
0xaa: {  	v4 =	vand.u32 $0x70, v4;
	s3 =	sadd.s32 $0xFFFFFFF2, s0  }
0xab: {  	v4 =	vbroadcast v4, $0x0;
	v5 =	vmov s3  }
0xac: {  	s13 =	sadd.s32 $0xFFFFFFF3, s0;
	v5 =	vand.u32 $0x71, v5  }
0xad: {  	v6 =	vmov s13;
	v4 =	vor.u32 v2, v4;
	v5 =	vbroadcast v5, $0x0  }
0xae: {  	s9 =	sadd.s32 $0xFFFFFFF4, s0;
	v6 =	vand.u32 $0x72, v6  }
0xaf: {  	v7 =	vmov s9;
	v6 =	vbroadcast v6, $0x0;
	v5 =	vor.u32 v2, v5  }
0xb0: {  	s13 =	sadd.s32 $0xFFFFFFF5, s0;
	v7 =	vand.u32 $0x73, v7;
	v8 =	vpop (erf)  }
0xb1: {  	v9 =	vmov s13;
	v7 =	vbroadcast v7, $0x0;
	v6 =	vor.u32 v2, v6;
	[tilespmem:v3+s18+$0x0] =	vst.idx.msk $0xffff, v8  }
0xb2: {  	s9 =	sadd.s32 $0xFFFFFFF6, s0;
	v28 =	vand.u32 $0x74, v9;
	v3 =	vld.idx.msk [tilespmem:v4+s22+$0x0], $0xffff  }
0xb3: {  	v10 =	vmov s9;
	v7 =	vor.u32 v2, v7;
	v8 =	vbroadcast v28, $0x0;
	v29 =	vld.idx.msk [tilespmem:v4+s21+$0x0], $0xffff  }
0xb4: {  	s13 =	sadd.s32 $0xFFFFFFF7, s0;
	v10 =	vand.u32 $0x75, v10;
	v11 =	vld.idx.msk [tilespmem:v5+s21+$0x0], $0xffff  }
0xb5: {  	v12 =	vmov s13;
	v10 =	vbroadcast v10, $0x0;
	v8 =	vor.u32 v2, v8;
	v5 =	vld.idx.msk [tilespmem:v5+s22+$0x0], $0xffff  }
0xb6: {  	s9 =	sadd.s32 $0xFFFFFFF8, s0;
	v12 =	vand.u32 $0x76, v12;
	v13 =	vld.idx.msk [tilespmem:v6+s21+$0x0], $0xffff  }
0xb7: {  	v14 =	vmov s9;
	v12 =	vbroadcast v12, $0x0;
	v10 =	vor.u32 v2, v10;
	v6 =	vld.idx.msk [tilespmem:v6+s22+$0x0], $0xffff  }
0xb8: {  	s13 =	sadd.s32 $0xFFFFFFF9, s0;
	v14 =	vand.u32 $0x77, v14;
	v15 =	vld.idx.msk [tilespmem:v7+s21+$0x0], $0xffff;
	v3 =	vmul.f32 v3, v29  }
0xb9: {  	v30 =	vmov s13;
	v14 =	vbroadcast v14, $0x0;
	v12 =	vor.u32 v2, v12;
	v7 =	vld.idx.msk [tilespmem:v7+s22+$0x0], $0xffff  }
0xba: {  	s9 =	sadd.s32 $0xFFFFFFFA, s0;
	v9 =	vand.u32 $0x78, v30;
	v16 =	vld.idx.msk [tilespmem:v8+s21+$0x0], $0xffff;
	v3 =	vadd.f32 $0.0e+00, v3;
	v5 =	vmul.f32 v5, v11  }
0xbb: {  	v31 =	vmov s9;
	v9 =	vbroadcast v9, $0x0;
	v14 =	vor.u32 v2, v14;
	v8 =	vld.idx.msk [tilespmem:v8+s22+$0x0], $0xffff  }
0xbc: {  	s13 =	sadd.s32 $0xFFFFFFFB, s0;
	v17 =	vld.idx.msk [tilespmem:v10+s21+$0x0], $0xffff;
	v11 =	vand.u32 $0x79, v31;
	v32 =	vmul.f32 v6, v13;
	v3 =	vadd.f32 v5, v3  }
0xbd: {  	v33 =	vmov s13;
	v9 =	vor.u32 v2, v9;
	v10 =	vld.idx.msk [tilespmem:v10+s22+$0x0], $0xffff;
	v11 =	vbroadcast v11, $0x0  }
0xbe: {  	s9 =	sadd.s32 $0xFFFFFFFC, s0;
	v34 =	vld.idx.msk [tilespmem:v12+s21+$0x0], $0xffff;
	v6 =	vand.u32 $0x7A, v33;
	v35 =	vmul.f32 v7, v15;
	v3 =	vadd.f32 v32, v3  }
0xbf: {  	v36 =	vmov s9;
	v12 =	vld.idx.msk [tilespmem:v12+s22+$0x0], $0xffff;
	v6 =	vbroadcast v6, $0x0;
	v11 =	vor.u32 v2, v11  }
0xc0: {  	s13 =	sadd.s32 $0xFFFFFFFD, s0;
	v37 =	vld.idx.msk [tilespmem:v14+s21+$0x0], $0xffff;
	v7 =	vand.u32 $0x7B, v36;
	v38 =	vmul.f32 v8, v16;
	v3 =	vadd.f32 v35, v3  }
0xc1: {  	v39 =	vmov s13;
	v14 =	vld.idx.msk [tilespmem:v14+s22+$0x0], $0xffff;
	v7 =	vbroadcast v7, $0x0;
	v6 =	vor.u32 v2, v6  }
0xc2: {  	s9 =	sadd.s32 $0xFFFFFFFE, s0;
	v40 =	vld.idx.msk [tilespmem:v9+s21+$0x0], $0xffff;
	v41 =	vmul.f32 v10, v17;
	v8 =	vand.u32 $0x7C, v39;
	v3 =	vadd.f32 v38, v3  }
0xc3: {  	v42 =	vmov s9;
	v9 =	vld.idx.msk [tilespmem:v9+s22+$0x0], $0xffff;
	v7 =	vor.u32 v2, v7;
	v8 =	vbroadcast v8, $0x0  }
0xc4: {  	s13 =	sadd.s32 $0xFFFFFFFF, s0;
	v10 =	vand.u32 $0x7D, v42;
	v44 =	vmul.f32 v12, v34;
	v43 =	vld.idx.msk [tilespmem:v11+s21+$0x0], $0xffff;
	v3 =	vadd.f32 v41, v3  }
0xc5: {  	v45 =	vmov s13;
	v10 =	vbroadcast v10, $0x0;
	v8 =	vor.u32 v2, v8;
	v11 =	vld.idx.msk [tilespmem:v11+s22+$0x0], $0xffff  }
0xc6: {  	v12 =	vand.u32 $0x7E, v45;
	v47 =	vmul.f32 v14, v37;
	v46 =	vld.idx.msk [tilespmem:v6+s21+$0x0], $0xffff;
	v3 =	vadd.f32 v44, v3  }
0xc7: {  	v48 =	vmov s0;
	v12 =	vbroadcast v12, $0x0;
	v10 =	vor.u32 v2, v10;
	v6 =	vld.idx.msk [tilespmem:v6+s22+$0x0], $0xffff  }
0xc8: {  	v14 =	vand.u32 $0x7F, v48;
	v50 =	vmul.f32 v9, v40;
	v49 =	vld.idx.msk [tilespmem:v7+s21+$0x0], $0xffff;
	v3 =	vadd.f32 v47, v3  }
0xc9: {  	v51 =	vbroadcast v14, $0x0;
	v12 =	vor.u32 v2, v12;
	v7 =	vld.idx.msk [tilespmem:v7+s22+$0x0], $0xffff  }
0xca: {  	v52 =	vld.idx.msk [tilespmem:v8+s21+$0x0], $0xffff;
	v53 =	vmul.f32 v11, v43;
	v3 =	vadd.f32 v50, v3  }
0xcb: {  	v2 =	vor.u32 v2, v51;
	v8 =	vld.idx.msk [tilespmem:v8+s22+$0x0], $0xffff  }
0xcc: {  	v54 =	vld.idx.msk [tilespmem:v10+s21+$0x0], $0xffff;
	v55 =	vmul.f32 v6, v46;
	v3 =	vadd.f32 v53, v3  }
0xcd: {  	v56 =	vld.idx.msk [tilespmem:v10+s22+$0x0], $0xffff  }
0xce: {  	v57 =	vld.idx.msk [tilespmem:v12+s21+$0x0], $0xffff;
	v58 =	vmul.f32 v7, v49;
	v3 =	vadd.f32 v55, v3  }
0xcf: {  	v59 =	vld.idx.msk [tilespmem:v12+s22+$0x0], $0xffff  }
0xd0: {  	v60 =	vld.idx.msk [tilespmem:v2+s21+$0x0], $0xffff;
	v61 =	vmul.f32 v8, v52;
	v3 =	vadd.f32 v58, v3  }
0xd1: {  	s31 =	sadd.s32 $0x40, s31;
	v2 =	vld.idx.msk [tilespmem:v2+s22+$0x0], $0xffff  }
0xd2: {  	v1 =	vor.u32 s31, v1;
	v62 =	vmul.f32 v56, v54;
	v3 =	vadd.f32 v61, v3;
	_ =	sdelay $0x1  }
0xd3: {  	v63 =	vmul.f32 v59, v57;
	v3 =	vadd.f32 v62, v3;
	_ =	sdelay $0x1  }
0xd4: {  	v2 =	vmul.f32 v2, v60;
	v3 =	vadd.f32 v63, v3  }
0xd5: {  	v1 =	vld.idx.msk [tilespmem:v1+s23+$0x0], $0xffff  }
0xd6: {  	v2 =	vadd.f32 v2, v3;
	_ =	sdelay $0x1  }
0xd7: {  	v2 =	vmul.f32 $2.500000000e-01, v2;
	_ =	sdelay $0x1  }
0xd8: {  	v1 =	vadd.f32 v2, v1;
	_ =	sdelay $0x1  }
0xd9: {  	v1 =	vmul.f32 $1.442695020e+00, v1;
	_ =	sdelay $0x1  }
0xda: {  	(erf) = vpow2.f32 v1;
	_ =	sdelay $0x3  }
0xdb: {  	s30 =	sadd.s32 $0x1, s30  }
0xdc: {  	p1 =	sne.s32 s30, $0x4  }
.Ltmp3:
0xdd: {  	_ = 	snop;
	(pc) =	sbr.rel @p1 .LBB2_5-.Ltmp3, $3  }
0xde: {  	_ =	sdelay $0x1  }
0xdf: {  	v1 =	vpop (erf)  }
0xe0: {  	[tilespmem:v4+s18+$0x0] =	vst.idx.msk $0xffff, v1  }
0xe1: {  	s29 =	sadd.s32 $0x1, s29  }
0xe2: {  	p1 =	sne.s32 s29, s12  }
.Ltmp4:
0xe3: {  	_ = 	snop;
	(pc) =	sbr.rel @p1 .LBB2_4-.Ltmp4, $4  }
0xe4: {  	[spmem:s2] =	stream.indirect.scatter.add.f32 [tilespmem:s18], [sflag:$0x3], $0x80, s19, s20, $0xb8;
	[tilespmem:$0x1AF80] =	vst v63  }
0xe5: {  	_ =	swait.ge [sflag:s17], $0x2000  }
0xe6: {  	[sflag:s17] =	ssyncset.done $0x0  }
0xe7: {  	[sflag:s17] =	ssyncadd.s32 $0xFFFFE000  }
0xe8: {  	[bflag:$0x0] =	sbarrier.arrive $0xFFFF  }
0xe9: {  	[tilespmem:s16], [sflag:$0x3] =	stream.linear.gather [spmem:s14], $0x1400, $0x38;
	[tilespmem:$0x1AF80] =	vst v63  }
0xea: {  	_ =	swait.ge [sflag:s17], $0x1400  }
.Ltmp5:
0xeb: {  	[sflag:s17] =	ssyncset.done $0x0;
	(pc) =	sbr.rel @!p0 .LBB2_11-.Ltmp5, $4  }
0xec: {  	[sflag:s17] =	ssyncadd.s32 $0xFFFFEC00  }
0xed: {  	[hbm4b:s15+s4] =	stream.linear.scatter [tilespmem:s16], [sflag:$0x3], $0x1400, $0x38;
	[tilespmem:$0x1AF80] =	vst v63  }
0xee: {  	s0 =	sadd.s32 $0xFFFFFFFF, s11;
	_ =	swait.ge [sflag:s17], $0x1400  }
0xef: {  	s3 =	smov.u32 s14;
	s28 =	smov.u32 s15;
	[sflag:s17] =	ssyncset.done $0x0  }
.LBB2_10:
0xf0: {  	[sflag:s17] =	ssyncadd.s32 $0xFFFFEC00;
	s3 =	sadd.s32 $0x14000, s3;
	s28 =	sadd.s32 $0x2800, s28  }
0xf1: {  	[tilespmem:s16], [sflag:$0x3] =	stream.linear.gather [spmem:s3], $0x1400, $0x38;
	[tilespmem:$0x1AF80] =	vst v63  }
0xf2: {  	p0 =	sne.s32 s0, $0x1;
	s0 =	sadd.s32 $0xFFFFFFFF, s0;
	_ =	swait.ge [sflag:s17], $0x1400  }
.Ltmp6:
0xf3: {  	[sflag:s17] =	ssyncset.done $0x0;
	(pc) =	sbr.rel @p0 .LBB2_10-.Ltmp6, $4  }
0xf4: {  	[sflag:s17] =	ssyncadd.s32 $0xFFFFEC00  }
0xf5: {  	[hbm4b:s28+s4] =	stream.linear.scatter [tilespmem:s16], [sflag:$0x3], $0x1400, $0x38;
	[tilespmem:$0x1AF80] =	vst v63  }
0xf6: {  	_ =	swait.ge [sflag:s17], $0x1400  }
0xf7: {  	[sflag:s17] =	ssyncset.done $0x0  }
.LBB2_11:
0xf8: {  	s26 =	sadd.s32 $0x1, s26;
	s0 =	rddreg [dreg:$0x5]  }
0xf9: {  	p0 =	sne.s32 s26, s0  }
.Ltmp7:
0xfa: {  	_ = 	snop;
	(pc) =	sbr.rel @p0 .LBB2_1-.Ltmp7, $2  }
0xfb: {  	_ =	sdelay $0x2  }
0xfc: {  	[sflag:s17] =	ssyncadd.s32 $0xFFFFEC00  }
0xfd: {  	_ =	sfence.sel $0x180000  }
0xfe: {  	[bflag:$0x0] =	sbarrier.arrive $0xFFFF  }
0xff: {  	_ =	strace $0x9000004A  }
0x100: {  	s0 =	stileid.u32;
	[bflag:$0x2] =	sbarrier.arrive $0xFFFF  }
0x101: {  	p0 =	sne.s32 s0, $0x0;
	s0 =	rddreg [dreg:$0x3]  }
0x102: {  	s0 =	sadd.s32 @!p0 $0x100000, s0  }
0x103: {  	[sflag:s0] =	ssyncadd.tile.s32 @!p0 $0x1;
	_ =	shalt  }
.Lfunc_end2:
_tile_overlayer_lowered:
.L_overlay_start_2:
0x104: {  	(tag) =	ssettag $0x2  }
0x105: {  	s0 =	rddreg [dreg:$0x0];
	s2 =	stileid.u32  }
0x106: {  	s1 =	rddreg [dreg:$0x1];
	p0 =	sne.s32 s2, $0x0  }
0x107: {  	s3 =	rddreg [dreg:$0x2];
	[bflag:$0x3] =	sbarrier.arrive $0xFFFF;
	s2 =	simm.s32 @!p0 $0x1C03  }
0x108: {  	[timem:s3], [sflag:s2] =	dma.local @!p0 [hbm:s0], s1  }
0x109: {  	s0 =	simm.s32 @!p0 $0x3  }
0x10a: {  	_ =	swait.ge @!p0 [sflag:s0], s1  }
0x10b: {  	s1 =	ssub.s32 @!p0 $0x0, s1;
	[sflag:s0] =	ssyncset.done @!p0 $0x0  }
0x10c: {  	[sflag:s0] =	ssyncadd.s32 @!p0 s1  }
0x10d: {  	[bflag:$0x3] =	sbarrier.arrive $0xFFFF  }
0x10e: {  	_ =	shalt  }

</sc_bundles>
